<compile_context>
chip_gen: v7x
topology: tpu7x:2x2x1
jax: 0.10.2.dev20260603
libtpu: 0.0.44.dev20260713+nightly
codegen_flags: <defaults>
</compile_context>

<pallas_src>
import jax
import jax.numpy as jnp
from jax import lax
from jax.experimental import pallas as pl
from jax.experimental.pallas import tpu as pltpu
from jax.experimental.pallas import tpu_sc as plsc

N = 10000
E = 320000
D = 128
H = 4
C = 32
ED = 16

NC = 2
NS = 16
NW = NC * NS
L = 16

CH = 128
NCHT = E // CH
NCHW = (NCHT + NW - 1) // NW
R = 10240
RT = N
PT = 10016
RPW = R // NS

_f32 = jnp.float32



def _pre_body(x_ref, w_ref, a_ref, xs_ref, asd_ref):
    xb = x_ref[...]
    xs_ref[...] = jnp.dot(xb, w_ref[...], preferred_element_type=_f32)
    asd_ref[...] = jnp.dot(xb, a_ref[...], preferred_element_type=_f32)


def _pre_call(x, W_src, Acat):
    return pl.pallas_call(
        _pre_body,
        grid=(25,),
        in_specs=[
            pl.BlockSpec((400, D), lambda i: (i, 0)),
            pl.BlockSpec((D, D), lambda i: (0, 0)),
            pl.BlockSpec((D, 2 * H), lambda i: (0, 0)),
        ],
        out_specs=[
            pl.BlockSpec((400, D), lambda i: (i, 0)),
            pl.BlockSpec((400, 2 * H), lambda i: (i, 0)),
        ],
        out_shape=[
            jax.ShapeDtypeStruct((N, D), _f32),
            jax.ShapeDtypeStruct((N, 2 * H), _f32),
        ],
    )(x, W_src, Acat)



def _edge_body(vt_ref, ea_ref, out_ref):
    out_ref[...] = lax.dot_general(
        vt_ref[...], ea_ref[...], (((1,), (1,)), ((), ())),
        preferred_element_type=_f32)


def _edge_call(Vt, edge_attr):
    return pl.pallas_call(
        _edge_body,
        grid=(100,),
        in_specs=[
            pl.BlockSpec((H, ED), lambda i: (0, 0)),
            pl.BlockSpec((3200, ED), lambda i: (i, 0)),
        ],
        out_specs=pl.BlockSpec((H, 3200), lambda i: (0, i)),
        out_shape=jax.ShapeDtypeStruct((H, E), _f32),
    )(Vt, edge_attr)



def _sc_body(src_h, dst_h, ae0_h, ae1_h, ae2_h, ae3_h, asrc_h, adst_h, xs_h,
             acc_h, stats_h,
             src_v, dst_v, dstp_v, stats_f, stats_v, rows_v,
             is_v, id_v, asg_v, adg_v, aeg_v,
             stats_s, acc_s, sem, sem2):
    cax = lax.axis_index("c")
    sax = lax.axis_index("s")
    wid = cax * NS + sax

    def _zero_row(r, _):
        for k in range(D // L):
            rows_v[r, pl.ds(k * L, L)] = jnp.zeros((L,), _f32)
        stats_f[pl.ds(r * L, L)] = jnp.zeros((L,), _f32)
        stats_v[r, pl.ds(0, L)] = jnp.zeros((L,), _f32)
        return 0
    lax.fori_loop(0, CH, _zero_row, 0)
    base_r = sax * RPW
    for k in range(RPW // CH):
        pltpu.sync_copy(rows_v, acc_s.at[pl.ds(base_r + k * CH, CH), :])
        pltpu.sync_copy(stats_v, stats_s.at[pl.ds(base_r + k * CH, CH), :])

    ones = stats_f[pl.ds(0, L)] * 0.0 + 1.0
    for i in range(CH // L):
        ridx = lax.iota(jnp.int32, L) + (i * L)
        plsc.store_scatter(stats_f, [ridx * L + 8], ones)
    plsc.subcore_barrier()

    ae_hs = (ae0_h, ae1_h, ae2_h, ae3_h)

    def _chunk(ch, _):
        cid = ch * NW + wid

        @pl.when(cid < NCHT)
        def _do():
            base = cid * CH
            pltpu.sync_copy(src_h.at[pl.ds(base, CH)], src_v)
            pltpu.sync_copy(dst_h.at[pl.ds(base, CH)], dst_v)
            for h in range(H):
                pltpu.sync_copy(ae_hs[h].at[pl.ds(base, CH)],
                                aeg_v.at[h])
            cp = pltpu.async_copy(xs_h.at[src_v], rows_v, sem)
            for i in range(CH // L):
                sl = pl.ds(i * L, L)
                s16 = src_v[sl]
                d16 = dst_v[sl]
                dp16 = jnp.where(s16 == d16, jnp.full((L,), RT, jnp.int32), d16)
                dstp_v[sl] = dp16
                s4 = s16 * H
                d4 = dp16 * H
                for h in range(H):
                    is_v[h, sl] = s4 + h
                    id_v[h, sl] = d4 + h
            cps = []
            for h in range(H):
                cps.append(pltpu.async_copy(asrc_h.at[is_v.at[h]],
                                            asg_v.at[h], sem2))
                cps.append(pltpu.async_copy(adst_h.at[id_v.at[h]],
                                            adg_v.at[h], sem2))
            for c_ in cps:
                c_.wait()
            for i in range(CH // L):
                sl = pl.ds(i * L, L)
                ridx = lax.iota(jnp.int32, L) + (i * L)
                for h in range(H):
                    ae16 = aeg_v[h, sl]
                    v = asg_v[h, sl] + adg_v[h, sl] + ae16
                    v = jnp.exp(jnp.maximum(v, 0.2 * v))
                    plsc.store_scatter(stats_f, [ridx * L + h], v)
                    plsc.store_scatter(stats_f, [ridx * L + (h + 4)], ae16)
            cp.wait()

            def _scale(i, _):
                row = stats_f[pl.ds(i * L, L)]
                stats_v[i, pl.ds(0, L)] = row
                ws = (row[0], row[0], row[1], row[1],
                      row[2], row[2], row[3], row[3])
                for k in range(D // L):
                    ksl = pl.ds(k * L, L)
                    rows_v[i, ksl] = rows_v[i, ksl] * ws[k]
                return 0
            lax.fori_loop(0, CH, _scale, 0)
            pltpu.sync_copy(rows_v, acc_s.at[dstp_v], add=True)
            pltpu.sync_copy(stats_v, stats_s.at[dstp_v], add=True)
        return 0

    lax.fori_loop(0, NCHW, _chunk, 0)
    plsc.subcore_barrier()
    pltpu.sync_copy(acc_s.at[pl.ds(base_r, RPW), :],
                    acc_h.at[cax, pl.ds(base_r, RPW), :])
    pltpu.sync_copy(stats_s.at[pl.ds(base_r, RPW), :],
                    stats_h.at[cax, pl.ds(base_r, RPW), :])


def _sc_call(src, dst, ae0, ae1, ae2, ae3, asrc_t, adst_t, xs):
    mesh = plsc.VectorSubcoreMesh(core_axis_name="c", subcore_axis_name="s")
    f = pl.kernel(
        _sc_body,
        out_type=[
            jax.ShapeDtypeStruct((NC, R, D), _f32),
            jax.ShapeDtypeStruct((NC, R, L), _f32),
        ],
        mesh=mesh,
        compiler_params=pltpu.CompilerParams(
            needs_layout_passes=False, use_tc_tiling_on_sc=False),
        scratch_types=[
            pltpu.VMEM((CH,), jnp.int32),
            pltpu.VMEM((CH,), jnp.int32),
            pltpu.VMEM((CH,), jnp.int32),
            pltpu.VMEM((CH * L,), _f32),
            pltpu.VMEM((CH, L), _f32),
            pltpu.VMEM((CH, D), _f32),
            pltpu.VMEM((H, CH), jnp.int32),
            pltpu.VMEM((H, CH), jnp.int32),
            pltpu.VMEM((H, CH), _f32),
            pltpu.VMEM((H, CH), _f32),
            pltpu.VMEM((H, CH), _f32),
            pltpu.VMEM_SHARED((R, L), _f32),
            pltpu.VMEM_SHARED((R, D), _f32),
            pltpu.SemaphoreType.DMA,
            pltpu.SemaphoreType.DMA,
        ],
    )
    return f(src, dst, ae0, ae1, ae2, ae3, asrc_t, adst_t, xs)



def _post_body(acc_ref, st_ref, asd_ref, xs_ref, p_ref, b_ref, out_ref):
    st = st_ref[0] + st_ref[1]
    denom = st[:, 0:4]
    sumae = st[:, 4:8]
    cnt = st[:, 8:9]
    ae_loop = sumae / jnp.maximum(cnt, 1.0)
    asd = asd_ref[...]
    al = asd[:, 0:4] + asd[:, 4:8] + ae_loop
    al = jnp.maximum(al, 0.2 * al)
    exl = jnp.exp(al)
    rcp = 1.0 / (denom + exl)
    p = p_ref[...]
    exl_exp = jnp.dot(exl, p, preferred_element_type=_f32)
    rcp_exp = jnp.dot(rcp, p, preferred_element_type=_f32)
    acc = acc_ref[0] + acc_ref[1]
    out_ref[...] = (acc + exl_exp * xs_ref[...]) * rcp_exp + b_ref[...]


def _post_call(acc2, stats2, asd, xs, P, bias_row):
    return pl.pallas_call(
        _post_body,
        grid=(25,),
        in_specs=[
            pl.BlockSpec((NC, 400, D), lambda i: (0, i, 0)),
            pl.BlockSpec((NC, 400, L), lambda i: (0, i, 0)),
            pl.BlockSpec((400, 2 * H), lambda i: (i, 0)),
            pl.BlockSpec((400, D), lambda i: (i, 0)),
            pl.BlockSpec((H, D), lambda i: (0, 0)),
            pl.BlockSpec((1, D), lambda i: (0, 0)),
        ],
        out_specs=pl.BlockSpec((400, D), lambda i: (i, 0)),
        out_shape=jax.ShapeDtypeStruct((N, D), _f32),
    )(acc2, stats2, asd, xs, P, bias_row)



def kernel(x, edge_index, edge_attr, W_src, att_src, att_dst, W_edge, att_edge, bias):
    Ws3 = W_src.reshape(D, H, C)
    A_src = jnp.einsum('dhc,hc->dh', Ws3, att_src[0])
    A_dst = jnp.einsum('dhc,hc->dh', Ws3, att_dst[0])
    Acat = jnp.concatenate([A_src, A_dst], axis=1)
    Vt = jnp.einsum('ehc,hc->he', W_edge.reshape(ED, H, C), att_edge[0])
    P = jnp.kron(jnp.eye(H, dtype=_f32), jnp.ones((1, C), _f32))

    xs, asd = _pre_call(x, W_src, Acat)
    ae_soa = _edge_call(Vt, edge_attr)

    pad = jnp.zeros((PT - N, H), _f32)
    asrc_t = jnp.concatenate([asd[:, 0:H], pad], axis=0).reshape(PT * H)
    adst_t = jnp.concatenate([asd[:, H:2 * H], pad], axis=0).reshape(PT * H)

    src = edge_index[0]
    dst = edge_index[1]
    ae0, ae1, ae2, ae3 = ae_soa[0], ae_soa[1], ae_soa[2], ae_soa[3]
    acc2, stats2 = _sc_call(src, dst, ae0, ae1, ae2, ae3, asrc_t, adst_t, xs)

    out = _post_call(acc2, stats2, asd, xs, P, bias.reshape(1, D))
    return out

# --- scband reference (transcript-rebuilt; emitter-appended) ---
"""Pipeline reference for scband-hier-transfomer-layer-58007828300392 (READ-ONLY COPY).

The authoritative reference and input builder live on the scoring server;
editing this copy changes nothing except your own understanding.
"""

import jax, jax.numpy as jnp
import numpy as np

N = 10000
E = 320000
D = 128
H = 4
C = 32
ED = 16


def setup_inputs(seed: int = 0) -> dict:
    key = jax.random.key(seed)
    ks = jax.random.split(key, 9)
    x = jax.random.normal(ks[0], (N, D), dtype=jnp.float32)
    edge_index = jax.random.randint(ks[1], (2, E), 0, N, dtype=jnp.int32)
    edge_attr = jax.random.normal(ks[2], (E, ED), dtype=jnp.float32)
    W_src = jax.random.normal(ks[3], (D, H * C), dtype=jnp.float32) * 0.05
    att_src = jax.random.normal(ks[4], (1, H, C), dtype=jnp.float32) * 0.05
    att_dst = jax.random.normal(ks[5], (1, H, C), dtype=jnp.float32) * 0.05
    W_edge = jax.random.normal(ks[6], (ED, H * C), dtype=jnp.float32) * 0.05
    att_edge = jax.random.normal(ks[7], (1, H, C), dtype=jnp.float32) * 0.05
    bias = jnp.zeros((H * C,), dtype=jnp.float32)
    return {"x": x, "edge_index": edge_index, "edge_attr": edge_attr,
            "W_src": W_src, "att_src": att_src, "att_dst": att_dst,
            "W_edge": W_edge, "att_edge": att_edge, "bias": bias}


def reference(x, edge_index, edge_attr, W_src, att_src, att_dst, W_edge, att_edge, bias):
    src = edge_index[0]
    dst = edge_index[1]
    # remove self loops
    keep = src != dst
    dst = jnp.where(keep, dst, jnp.asarray(N, dtype=dst.dtype))
    ea = edge_attr
    # add self loops; fill_value='mean' -> mean of incoming edge attrs per dst node
    ones = jnp.ones((src.shape[0],), dtype=jnp.float32)
    seg_sum = jax.ops.segment_sum(ea, dst, num_segments=N)
    cnt = jax.ops.segment_sum(ones, dst, num_segments=N)
    loop_attr = seg_sum / jnp.maximum(cnt, 1.0)[:, None]
    loop_idx = jnp.arange(N, dtype=src.dtype)
    src = jnp.concatenate([src, loop_idx])
    dst = jnp.concatenate([dst, loop_idx])
    ea = jnp.concatenate([ea, loop_attr], axis=0)
    # shared lin_src = lin_dst (in_channels is int)
    xs = (x @ W_src).reshape(N, H, C)
    alpha_src = (xs * att_src).sum(-1)  # (N, H)
    alpha_dst = (xs * att_dst).sum(-1)  # (N, H)
    e = (ea @ W_edge).reshape(-1, H, C)
    alpha_edge = (e * att_edge).sum(-1)  # (E', H)
    alpha = alpha_src[src] + alpha_dst[dst] + alpha_edge
    alpha = jax.nn.leaky_relu(alpha, 0.2)
    # segment softmax over destination nodes
    amax = jax.ops.segment_max(alpha, dst, num_segments=N)
    amax = jnp.where(jnp.isfinite(amax), amax, 0.0)
    ex = jnp.exp(alpha - amax[dst])
    denom = jax.ops.segment_sum(ex, dst, num_segments=N)
    alpha = ex / (denom[dst] + 1e-16)
    # message = alpha * x_j, aggregate add
    msg = alpha[:, :, None] * xs[src]
    out = jax.ops.segment_sum(msg, dst, num_segments=N)
    out = out.reshape(N, H * C) + bias
    return out

if __name__ == "__main__":
    import jax
    _d = setup_inputs()
    print(jax.jit(kernel)(*tuple(_d.values())))

</pallas_src>

<mosaic_0001>
#map = affine_map<(d0, d1) -> (0)>
#map1 = affine_map<(d0, d1) -> (0, 0)>
#map2 = affine_map<(d0, d1) -> (0, 0, 0)>
module attributes {stable_mosaic.version = 14 : i64} {
  func.func @_sc_body(%arg0: i32, %arg1: i32, %arg2: memref<320000xi32, #tpu.memory_space<hbm>>, %arg3: memref<320000xi32, #tpu.memory_space<hbm>>, %arg4: memref<320000xf32, #tpu.memory_space<hbm>>, %arg5: memref<320000xf32, #tpu.memory_space<hbm>>, %arg6: memref<320000xf32, #tpu.memory_space<hbm>>, %arg7: memref<320000xf32, #tpu.memory_space<hbm>>, %arg8: memref<40064xf32, #tpu.memory_space<hbm>>, %arg9: memref<40064xf32, #tpu.memory_space<hbm>>, %arg10: memref<10000x128xf32, #tpu.memory_space<hbm>>, %arg11: memref<2x10240x128xf32, #tpu.memory_space<hbm>>, %arg12: memref<2x10240x16xf32, #tpu.memory_space<hbm>>, %arg13: memref<128xi32, #tpu.memory_space<vmem>>, %arg14: memref<128xi32, #tpu.memory_space<vmem>>, %arg15: memref<128xi32, #tpu.memory_space<vmem>>, %arg16: memref<2048xf32, #tpu.memory_space<vmem>>, %arg17: memref<128x16xf32, #tpu.memory_space<vmem>>, %arg18: memref<128x128xf32, #tpu.memory_space<vmem>>, %arg19: memref<4x128xi32, #tpu.memory_space<vmem>>, %arg20: memref<4x128xi32, #tpu.memory_space<vmem>>, %arg21: memref<4x128xf32, #tpu.memory_space<vmem>>, %arg22: memref<4x128xf32, #tpu.memory_space<vmem>>, %arg23: memref<4x128xf32, #tpu.memory_space<vmem>>, %arg24: memref<10240x16xf32, #tpu.memory_space<vmem_shared>>, %arg25: memref<10240x128xf32, #tpu.memory_space<vmem_shared>>, %arg26: memref<!tpu.dma_semaphore, #tpu.memory_space<semaphore_mem>>, %arg27: memref<!tpu.dma_semaphore, #tpu.memory_space<semaphore_mem>>) attributes {dimension_semantics = [#tpu.dimension_semantics<core_parallel>, #tpu.dimension_semantics<subcore_parallel>], iteration_bounds = array<i64: 2, 16>, scalar_prefetch = 0 : i64, scratch_operands = 15 : i64, tpu.core_type = #tpu.core_type<sc_vector_subcore>, window_params = [{transform_indices = #map}, {transform_indices = #map}, {transform_indices = #map}, {transform_indices = #map}, {transform_indices = #map}, {transform_indices = #map}, {transform_indices = #map}, {transform_indices = #map}, {transform_indices = #map1}, {transform_indices = #map2}, {transform_indices = #map2}]} {
    %mul3A = arith.constant 16 : i32
    %mul3A_0 = arith.muli %arg0, %mul3A : i32
    %add3A = arith.addi %mul3A_0, %arg1 : i32
    %scan3A = arith.constant 0 : i32
    %scan3A_1 = arith.constant 0 : i32
    %scan3A_2 = arith.constant 128 : i32
    %scan3A_3 = arith.addi %scan3A_1, %scan3A_2 : i32
    %scan3A_4 = arith.constant 1 : i32
    %scan3A_5 = scf.for %scan3A_123 = %scan3A_1 to %scan3A_3 step %scan3A_4 iter_args(%scan3A_124 = %scan3A) -> (i32)  : i32 {
      %broadcast_in_dim3A = arith.constant 0.000000e+00 : f32
      %broadcast_in_dim3A_125 = vector.broadcast %broadcast_in_dim3A : f32 to vector<16xf32>
      %swap3A = arith.index_cast %scan3A_123 : i32 to index
      %swap3A_126 = arith.constant 0 : index
      %swap3A_127 = tpu.vector_load %arg18[%swap3A, %swap3A_126] {strides = array<i32>} : memref<128x128xf32, #tpu.memory_space<vmem>>, vector<16xf32>,
      tpu.vector_store %arg18[%swap3A, %swap3A_126], %broadcast_in_dim3A_125 {strides = array<i32>} : memref<128x128xf32, #tpu.memory_space<vmem>>, vector<16xf32>,
      %broadcast_in_dim3A_128 = arith.constant 0.000000e+00 : f32
      %broadcast_in_dim3A_129 = vector.broadcast %broadcast_in_dim3A_128 : f32 to vector<16xf32>
      %swap3A_130 = arith.index_cast %scan3A_123 : i32 to index
      %swap3A_131 = arith.constant 16 : index
      %swap3A_132 = tpu.vector_load %arg18[%swap3A_130, %swap3A_131] {strides = array<i32>} : memref<128x128xf32, #tpu.memory_space<vmem>>, vector<16xf32>,
      tpu.vector_store %arg18[%swap3A_130, %swap3A_131], %broadcast_in_dim3A_129 {strides = array<i32>} : memref<128x128xf32, #tpu.memory_space<vmem>>, vector<16xf32>,
      %broadcast_in_dim3A_133 = arith.constant 0.000000e+00 : f32
      %broadcast_in_dim3A_134 = vector.broadcast %broadcast_in_dim3A_133 : f32 to vector<16xf32>
      %swap3A_135 = arith.index_cast %scan3A_123 : i32 to index
      %swap3A_136 = arith.constant 32 : index
      %swap3A_137 = tpu.vector_load %arg18[%swap3A_135, %swap3A_136] {strides = array<i32>} : memref<128x128xf32, #tpu.memory_space<vmem>>, vector<16xf32>,
      tpu.vector_store %arg18[%swap3A_135, %swap3A_136], %broadcast_in_dim3A_134 {strides = array<i32>} : memref<128x128xf32, #tpu.memory_space<vmem>>, vector<16xf32>,
      %broadcast_in_dim3A_138 = arith.constant 0.000000e+00 : f32
      %broadcast_in_dim3A_139 = vector.broadcast %broadcast_in_dim3A_138 : f32 to vector<16xf32>
      %swap3A_140 = arith.index_cast %scan3A_123 : i32 to index
      %swap3A_141 = arith.constant 48 : index
      %swap3A_142 = tpu.vector_load %arg18[%swap3A_140, %swap3A_141] {strides = array<i32>} : memref<128x128xf32, #tpu.memory_space<vmem>>, vector<16xf32>,
      tpu.vector_store %arg18[%swap3A_140, %swap3A_141], %broadcast_in_dim3A_139 {strides = array<i32>} : memref<128x128xf32, #tpu.memory_space<vmem>>, vector<16xf32>,
      %broadcast_in_dim3A_143 = arith.constant 0.000000e+00 : f32
      %broadcast_in_dim3A_144 = vector.broadcast %broadcast_in_dim3A_143 : f32 to vector<16xf32>
      %swap3A_145 = arith.index_cast %scan3A_123 : i32 to index
      %swap3A_146 = arith.constant 64 : index
      %swap3A_147 = tpu.vector_load %arg18[%swap3A_145, %swap3A_146] {strides = array<i32>} : memref<128x128xf32, #tpu.memory_space<vmem>>, vector<16xf32>,
      tpu.vector_store %arg18[%swap3A_145, %swap3A_146], %broadcast_in_dim3A_144 {strides = array<i32>} : memref<128x128xf32, #tpu.memory_space<vmem>>, vector<16xf32>,
      %broadcast_in_dim3A_148 = arith.constant 0.000000e+00 : f32
      %broadcast_in_dim3A_149 = vector.broadcast %broadcast_in_dim3A_148 : f32 to vector<16xf32>
      %swap3A_150 = arith.index_cast %scan3A_123 : i32 to index
      %swap3A_151 = arith.constant 80 : index
      %swap3A_152 = tpu.vector_load %arg18[%swap3A_150, %swap3A_151] {strides = array<i32>} : memref<128x128xf32, #tpu.memory_space<vmem>>, vector<16xf32>,
      tpu.vector_store %arg18[%swap3A_150, %swap3A_151], %broadcast_in_dim3A_149 {strides = array<i32>} : memref<128x128xf32, #tpu.memory_space<vmem>>, vector<16xf32>,
      %broadcast_in_dim3A_153 = arith.constant 0.000000e+00 : f32
      %broadcast_in_dim3A_154 = vector.broadcast %broadcast_in_dim3A_153 : f32 to vector<16xf32>
      %swap3A_155 = arith.index_cast %scan3A_123 : i32 to index
      %swap3A_156 = arith.constant 96 : index
      %swap3A_157 = tpu.vector_load %arg18[%swap3A_155, %swap3A_156] {strides = array<i32>} : memref<128x128xf32, #tpu.memory_space<vmem>>, vector<16xf32>,
      tpu.vector_store %arg18[%swap3A_155, %swap3A_156], %broadcast_in_dim3A_154 {strides = array<i32>} : memref<128x128xf32, #tpu.memory_space<vmem>>, vector<16xf32>,
      %broadcast_in_dim3A_158 = arith.constant 0.000000e+00 : f32
      %broadcast_in_dim3A_159 = vector.broadcast %broadcast_in_dim3A_158 : f32 to vector<16xf32>
      %swap3A_160 = arith.index_cast %scan3A_123 : i32 to index
      %swap3A_161 = arith.constant 112 : index
      %swap3A_162 = tpu.vector_load %arg18[%swap3A_160, %swap3A_161] {strides = array<i32>} : memref<128x128xf32, #tpu.memory_space<vmem>>, vector<16xf32>,
      tpu.vector_store %arg18[%swap3A_160, %swap3A_161], %broadcast_in_dim3A_159 {strides = array<i32>} : memref<128x128xf32, #tpu.memory_space<vmem>>, vector<16xf32>,
      %broadcast_in_dim3A_163 = arith.constant 0.000000e+00 : f32
      %broadcast_in_dim3A_164 = vector.broadcast %broadcast_in_dim3A_163 : f32 to vector<16xf32>
      %mul3A_165 = arith.constant 16 : i32
      %mul3A_166 = arith.muli %scan3A_123, %mul3A_165 : i32
      %swap3A_167 = arith.index_cast %mul3A_166 : i32 to index
      %swap3A_168 = tpu.vector_load %arg16[%swap3A_167] {strides = array<i32>} : memref<2048xf32, #tpu.memory_space<vmem>>, vector<16xf32>,
      tpu.vector_store %arg16[%swap3A_167], %broadcast_in_dim3A_164 {strides = array<i32>} : memref<2048xf32, #tpu.memory_space<vmem>>, vector<16xf32>,
      %broadcast_in_dim3A_169 = arith.constant 0.000000e+00 : f32
      %broadcast_in_dim3A_170 = vector.broadcast %broadcast_in_dim3A_169 : f32 to vector<16xf32>
      %swap3A_171 = arith.index_cast %scan3A_123 : i32 to index
      %swap3A_172 = arith.constant 0 : index
      %swap3A_173 = tpu.vector_load %arg17[%swap3A_171, %swap3A_172] {strides = array<i32>} : memref<128x16xf32, #tpu.memory_space<vmem>>, vector<16xf32>,
      tpu.vector_store %arg17[%swap3A_171, %swap3A_172], %broadcast_in_dim3A_170 {strides = array<i32>} : memref<128x16xf32, #tpu.memory_space<vmem>>, vector<16xf32>,
      %scan3A_174 = arith.constant 0 : i32
      scf.yield %scan3A_174 : i32
    }
    %scan3A_6 = arith.constant 128 : i32
    %mul3A_7 = arith.constant 640 : i32
    %mul3A_8 = arith.muli %arg1, %mul3A_7 : i32
    %add3A_9 = arith.constant 0 : i32
    %add3A_10 = arith.addi %mul3A_8, %add3A_9 : i32
    "tpu.region"() ({
      %run_scoped3A = tpu.sem_alloc : memref<!tpu.dma_semaphore, #tpu.memory_space<semaphore_mem>>
      %dma_start3A = arith.constant 0 : i32
      %dma_start3A_123 = tpu.memref_slice %arg25[%add3A_10, %dma_start3A] : memref<10240x128xf32, #tpu.memory_space<vmem_shared>> -> memref<128x128xf32, #tpu.memory_space<vmem_shared>>
      %dma_start3A_124 = arith.constant 0 : i32
      %dma_start3A_125 = tpu.memref_slice %arg25[%add3A_10, %dma_start3A_124] : memref<10240x128xf32, #tpu.memory_space<vmem_shared>> -> memref<128x128xf32, #tpu.memory_space<vmem_shared>>
      tpu.enqueue_dma source(%arg18 : memref<128x128xf32, #tpu.memory_space<vmem>>) target(%dma_start3A_125 : memref<128x128xf32, #tpu.memory_space<vmem_shared>>) target_semaphore(%run_scoped3A : memref<!tpu.dma_semaphore, #tpu.memory_space<semaphore_mem>>)
      %dma_wait3A = arith.constant 0 : i32
      %dma_wait3A_126 = tpu.memref_slice %arg25[%add3A_10, %dma_wait3A] : memref<10240x128xf32, #tpu.memory_space<vmem_shared>> -> memref<128x128xf32, #tpu.memory_space<vmem_shared>>
      %dma_wait3A_127 = arith.constant 0 : i32
      %dma_wait3A_128 = tpu.memref_slice %arg25[%add3A_10, %dma_wait3A_127] : memref<10240x128xf32, #tpu.memory_space<vmem_shared>> -> memref<128x128xf32, #tpu.memory_space<vmem_shared>>
      tpu.wait_dma2 semaphore(%run_scoped3A : memref<!tpu.dma_semaphore, #tpu.memory_space<semaphore_mem>>) src(%arg18 : memref<128x128xf32, #tpu.memory_space<vmem>>) dst(%dma_wait3A_128 : memref<128x128xf32, #tpu.memory_space<vmem_shared>>)
      tpu.yield
    }) : () -> ()
    %add3A_11 = arith.constant 0 : i32
    %add3A_12 = arith.addi %mul3A_8, %add3A_11 : i32
    "tpu.region"() ({
      %run_scoped3A = tpu.sem_alloc : memref<!tpu.dma_semaphore, #tpu.memory_space<semaphore_mem>>
      %dma_start3A = arith.constant 0 : i32
      %dma_start3A_123 = tpu.memref_slice %arg24[%add3A_12, %dma_start3A] : memref<10240x16xf32, #tpu.memory_space<vmem_shared>> -> memref<128x16xf32, #tpu.memory_space<vmem_shared>>
      %dma_start3A_124 = arith.constant 0 : i32
      %dma_start3A_125 = tpu.memref_slice %arg24[%add3A_12, %dma_start3A_124] : memref<10240x16xf32, #tpu.memory_space<vmem_shared>> -> memref<128x16xf32, #tpu.memory_space<vmem_shared>>
      tpu.enqueue_dma source(%arg17 : memref<128x16xf32, #tpu.memory_space<vmem>>) target(%dma_start3A_125 : memref<128x16xf32, #tpu.memory_space<vmem_shared>>) target_semaphore(%run_scoped3A : memref<!tpu.dma_semaphore, #tpu.memory_space<semaphore_mem>>)
      %dma_wait3A = arith.constant 0 : i32
      %dma_wait3A_126 = tpu.memref_slice %arg24[%add3A_12, %dma_wait3A] : memref<10240x16xf32, #tpu.memory_space<vmem_shared>> -> memref<128x16xf32, #tpu.memory_space<vmem_shared>>
      %dma_wait3A_127 = arith.constant 0 : i32
      %dma_wait3A_128 = tpu.memref_slice %arg24[%add3A_12, %dma_wait3A_127] : memref<10240x16xf32, #tpu.memory_space<vmem_shared>> -> memref<128x16xf32, #tpu.memory_space<vmem_shared>>
      tpu.wait_dma2 semaphore(%run_scoped3A : memref<!tpu.dma_semaphore, #tpu.memory_space<semaphore_mem>>) src(%arg17 : memref<128x16xf32, #tpu.memory_space<vmem>>) dst(%dma_wait3A_128 : memref<128x16xf32, #tpu.memory_space<vmem_shared>>)
      tpu.yield
    }) : () -> ()
    %add3A_13 = arith.constant 128 : i32
    %add3A_14 = arith.addi %mul3A_8, %add3A_13 : i32
    "tpu.region"() ({
      %run_scoped3A = tpu.sem_alloc : memref<!tpu.dma_semaphore, #tpu.memory_space<semaphore_mem>>
      %dma_start3A = arith.constant 0 : i32
      %dma_start3A_123 = tpu.memref_slice %arg25[%add3A_14, %dma_start3A] : memref<10240x128xf32, #tpu.memory_space<vmem_shared>> -> memref<128x128xf32, #tpu.memory_space<vmem_shared>>
      %dma_start3A_124 = arith.constant 0 : i32
      %dma_start3A_125 = tpu.memref_slice %arg25[%add3A_14, %dma_start3A_124] : memref<10240x128xf32, #tpu.memory_space<vmem_shared>> -> memref<128x128xf32, #tpu.memory_space<vmem_shared>>
      tpu.enqueue_dma source(%arg18 : memref<128x128xf32, #tpu.memory_space<vmem>>) target(%dma_start3A_125 : memref<128x128xf32, #tpu.memory_space<vmem_shared>>) target_semaphore(%run_scoped3A : memref<!tpu.dma_semaphore, #tpu.memory_space<semaphore_mem>>)
      %dma_wait3A = arith.constant 0 : i32
      %dma_wait3A_126 = tpu.memref_slice %arg25[%add3A_14, %dma_wait3A] : memref<10240x128xf32, #tpu.memory_space<vmem_shared>> -> memref<128x128xf32, #tpu.memory_space<vmem_shared>>
      %dma_wait3A_127 = arith.constant 0 : i32
      %dma_wait3A_128 = tpu.memref_slice %arg25[%add3A_14, %dma_wait3A_127] : memref<10240x128xf32, #tpu.memory_space<vmem_shared>> -> memref<128x128xf32, #tpu.memory_space<vmem_shared>>
      tpu.wait_dma2 semaphore(%run_scoped3A : memref<!tpu.dma_semaphore, #tpu.memory_space<semaphore_mem>>) src(%arg18 : memref<128x128xf32, #tpu.memory_space<vmem>>) dst(%dma_wait3A_128 : memref<128x128xf32, #tpu.memory_space<vmem_shared>>)
      tpu.yield
    }) : () -> ()
    %add3A_15 = arith.constant 128 : i32
    %add3A_16 = arith.addi %mul3A_8, %add3A_15 : i32
    "tpu.region"() ({
      %run_scoped3A = tpu.sem_alloc : memref<!tpu.dma_semaphore, #tpu.memory_space<semaphore_mem>>
      %dma_start3A = arith.constant 0 : i32
      %dma_start3A_123 = tpu.memref_slice %arg24[%add3A_16, %dma_start3A] : memref<10240x16xf32, #tpu.memory_space<vmem_shared>> -> memref<128x16xf32, #tpu.memory_space<vmem_shared>>
      %dma_start3A_124 = arith.constant 0 : i32
      %dma_start3A_125 = tpu.memref_slice %arg24[%add3A_16, %dma_start3A_124] : memref<10240x16xf32, #tpu.memory_space<vmem_shared>> -> memref<128x16xf32, #tpu.memory_space<vmem_shared>>
      tpu.enqueue_dma source(%arg17 : memref<128x16xf32, #tpu.memory_space<vmem>>) target(%dma_start3A_125 : memref<128x16xf32, #tpu.memory_space<vmem_shared>>) target_semaphore(%run_scoped3A : memref<!tpu.dma_semaphore, #tpu.memory_space<semaphore_mem>>)
      %dma_wait3A = arith.constant 0 : i32
      %dma_wait3A_126 = tpu.memref_slice %arg24[%add3A_16, %dma_wait3A] : memref<10240x16xf32, #tpu.memory_space<vmem_shared>> -> memref<128x16xf32, #tpu.memory_space<vmem_shared>>
      %dma_wait3A_127 = arith.constant 0 : i32
      %dma_wait3A_128 = tpu.memref_slice %arg24[%add3A_16, %dma_wait3A_127] : memref<10240x16xf32, #tpu.memory_space<vmem_shared>> -> memref<128x16xf32, #tpu.memory_space<vmem_shared>>
      tpu.wait_dma2 semaphore(%run_scoped3A : memref<!tpu.dma_semaphore, #tpu.memory_space<semaphore_mem>>) src(%arg17 : memref<128x16xf32, #tpu.memory_space<vmem>>) dst(%dma_wait3A_128 : memref<128x16xf32, #tpu.memory_space<vmem_shared>>)
      tpu.yield
    }) : () -> ()
    %add3A_17 = arith.constant 256 : i32
    %add3A_18 = arith.addi %mul3A_8, %add3A_17 : i32
    "tpu.region"() ({
      %run_scoped3A = tpu.sem_alloc : memref<!tpu.dma_semaphore, #tpu.memory_space<semaphore_mem>>
      %dma_start3A = arith.constant 0 : i32
      %dma_start3A_123 = tpu.memref_slice %arg25[%add3A_18, %dma_start3A] : memref<10240x128xf32, #tpu.memory_space<vmem_shared>> -> memref<128x128xf32, #tpu.memory_space<vmem_shared>>
      %dma_start3A_124 = arith.constant 0 : i32
      %dma_start3A_125 = tpu.memref_slice %arg25[%add3A_18, %dma_start3A_124] : memref<10240x128xf32, #tpu.memory_space<vmem_shared>> -> memref<128x128xf32, #tpu.memory_space<vmem_shared>>
      tpu.enqueue_dma source(%arg18 : memref<128x128xf32, #tpu.memory_space<vmem>>) target(%dma_start3A_125 : memref<128x128xf32, #tpu.memory_space<vmem_shared>>) target_semaphore(%run_scoped3A : memref<!tpu.dma_semaphore, #tpu.memory_space<semaphore_mem>>)
      %dma_wait3A = arith.constant 0 : i32
      %dma_wait3A_126 = tpu.memref_slice %arg25[%add3A_18, %dma_wait3A] : memref<10240x128xf32, #tpu.memory_space<vmem_shared>> -> memref<128x128xf32, #tpu.memory_space<vmem_shared>>
      %dma_wait3A_127 = arith.constant 0 : i32
      %dma_wait3A_128 = tpu.memref_slice %arg25[%add3A_18, %dma_wait3A_127] : memref<10240x128xf32, #tpu.memory_space<vmem_shared>> -> memref<128x128xf32, #tpu.memory_space<vmem_shared>>
      tpu.wait_dma2 semaphore(%run_scoped3A : memref<!tpu.dma_semaphore, #tpu.memory_space<semaphore_mem>>) src(%arg18 : memref<128x128xf32, #tpu.memory_space<vmem>>) dst(%dma_wait3A_128 : memref<128x128xf32, #tpu.memory_space<vmem_shared>>)
      tpu.yield
    }) : () -> ()
    %add3A_19 = arith.constant 256 : i32
    %add3A_20 = arith.addi %mul3A_8, %add3A_19 : i32
    "tpu.region"() ({
      %run_scoped3A = tpu.sem_alloc : memref<!tpu.dma_semaphore, #tpu.memory_space<semaphore_mem>>
      %dma_start3A = arith.constant 0 : i32
      %dma_start3A_123 = tpu.memref_slice %arg24[%add3A_20, %dma_start3A] : memref<10240x16xf32, #tpu.memory_space<vmem_shared>> -> memref<128x16xf32, #tpu.memory_space<vmem_shared>>
      %dma_start3A_124 = arith.constant 0 : i32
      %dma_start3A_125 = tpu.memref_slice %arg24[%add3A_20, %dma_start3A_124] : memref<10240x16xf32, #tpu.memory_space<vmem_shared>> -> memref<128x16xf32, #tpu.memory_space<vmem_shared>>
      tpu.enqueue_dma source(%arg17 : memref<128x16xf32, #tpu.memory_space<vmem>>) target(%dma_start3A_125 : memref<128x16xf32, #tpu.memory_space<vmem_shared>>) target_semaphore(%run_scoped3A : memref<!tpu.dma_semaphore, #tpu.memory_space<semaphore_mem>>)
      %dma_wait3A = arith.constant 0 : i32
      %dma_wait3A_126 = tpu.memref_slice %arg24[%add3A_20, %dma_wait3A] : memref<10240x16xf32, #tpu.memory_space<vmem_shared>> -> memref<128x16xf32, #tpu.memory_space<vmem_shared>>
      %dma_wait3A_127 = arith.constant 0 : i32
      %dma_wait3A_128 = tpu.memref_slice %arg24[%add3A_20, %dma_wait3A_127] : memref<10240x16xf32, #tpu.memory_space<vmem_shared>> -> memref<128x16xf32, #tpu.memory_space<vmem_shared>>
      tpu.wait_dma2 semaphore(%run_scoped3A : memref<!tpu.dma_semaphore, #tpu.memory_space<semaphore_mem>>) src(%arg17 : memref<128x16xf32, #tpu.memory_space<vmem>>) dst(%dma_wait3A_128 : memref<128x16xf32, #tpu.memory_space<vmem_shared>>)
      tpu.yield
    }) : () -> ()
    %add3A_21 = arith.constant 384 : i32
    %add3A_22 = arith.addi %mul3A_8, %add3A_21 : i32
    "tpu.region"() ({
      %run_scoped3A = tpu.sem_alloc : memref<!tpu.dma_semaphore, #tpu.memory_space<semaphore_mem>>
      %dma_start3A = arith.constant 0 : i32
      %dma_start3A_123 = tpu.memref_slice %arg25[%add3A_22, %dma_start3A] : memref<10240x128xf32, #tpu.memory_space<vmem_shared>> -> memref<128x128xf32, #tpu.memory_space<vmem_shared>>
      %dma_start3A_124 = arith.constant 0 : i32
      %dma_start3A_125 = tpu.memref_slice %arg25[%add3A_22, %dma_start3A_124] : memref<10240x128xf32, #tpu.memory_space<vmem_shared>> -> memref<128x128xf32, #tpu.memory_space<vmem_shared>>
      tpu.enqueue_dma source(%arg18 : memref<128x128xf32, #tpu.memory_space<vmem>>) target(%dma_start3A_125 : memref<128x128xf32, #tpu.memory_space<vmem_shared>>) target_semaphore(%run_scoped3A : memref<!tpu.dma_semaphore, #tpu.memory_space<semaphore_mem>>)
      %dma_wait3A = arith.constant 0 : i32
      %dma_wait3A_126 = tpu.memref_slice %arg25[%add3A_22, %dma_wait3A] : memref<10240x128xf32, #tpu.memory_space<vmem_shared>> -> memref<128x128xf32, #tpu.memory_space<vmem_shared>>
      %dma_wait3A_127 = arith.constant 0 : i32
      %dma_wait3A_128 = tpu.memref_slice %arg25[%add3A_22, %dma_wait3A_127] : memref<10240x128xf32, #tpu.memory_space<vmem_shared>> -> memref<128x128xf32, #tpu.memory_space<vmem_shared>>
      tpu.wait_dma2 semaphore(%run_scoped3A : memref<!tpu.dma_semaphore, #tpu.memory_space<semaphore_mem>>) src(%arg18 : memref<128x128xf32, #tpu.memory_space<vmem>>) dst(%dma_wait3A_128 : memref<128x128xf32, #tpu.memory_space<vmem_shared>>)
      tpu.yield
    }) : () -> ()
    %add3A_23 = arith.constant 384 : i32
    %add3A_24 = arith.addi %mul3A_8, %add3A_23 : i32
    "tpu.region"() ({
      %run_scoped3A = tpu.sem_alloc : memref<!tpu.dma_semaphore, #tpu.memory_space<semaphore_mem>>
      %dma_start3A = arith.constant 0 : i32
      %dma_start3A_123 = tpu.memref_slice %arg24[%add3A_24, %dma_start3A] : memref<10240x16xf32, #tpu.memory_space<vmem_shared>> -> memref<128x16xf32, #tpu.memory_space<vmem_shared>>
      %dma_start3A_124 = arith.constant 0 : i32
      %dma_start3A_125 = tpu.memref_slice %arg24[%add3A_24, %dma_start3A_124] : memref<10240x16xf32, #tpu.memory_space<vmem_shared>> -> memref<128x16xf32, #tpu.memory_space<vmem_shared>>
      tpu.enqueue_dma source(%arg17 : memref<128x16xf32, #tpu.memory_space<vmem>>) target(%dma_start3A_125 : memref<128x16xf32, #tpu.memory_space<vmem_shared>>) target_semaphore(%run_scoped3A : memref<!tpu.dma_semaphore, #tpu.memory_space<semaphore_mem>>)
      %dma_wait3A = arith.constant 0 : i32
      %dma_wait3A_126 = tpu.memref_slice %arg24[%add3A_24, %dma_wait3A] : memref<10240x16xf32, #tpu.memory_space<vmem_shared>> -> memref<128x16xf32, #tpu.memory_space<vmem_shared>>
      %dma_wait3A_127 = arith.constant 0 : i32
      %dma_wait3A_128 = tpu.memref_slice %arg24[%add3A_24, %dma_wait3A_127] : memref<10240x16xf32, #tpu.memory_space<vmem_shared>> -> memref<128x16xf32, #tpu.memory_space<vmem_shared>>
      tpu.wait_dma2 semaphore(%run_scoped3A : memref<!tpu.dma_semaphore, #tpu.memory_space<semaphore_mem>>) src(%arg17 : memref<128x16xf32, #tpu.memory_space<vmem>>) dst(%dma_wait3A_128 : memref<128x16xf32, #tpu.memory_space<vmem_shared>>)
      tpu.yield
    }) : () -> ()
    %add3A_25 = arith.constant 512 : i32
    %add3A_26 = arith.addi %mul3A_8, %add3A_25 : i32
    "tpu.region"() ({
      %run_scoped3A = tpu.sem_alloc : memref<!tpu.dma_semaphore, #tpu.memory_space<semaphore_mem>>
      %dma_start3A = arith.constant 0 : i32
      %dma_start3A_123 = tpu.memref_slice %arg25[%add3A_26, %dma_start3A] : memref<10240x128xf32, #tpu.memory_space<vmem_shared>> -> memref<128x128xf32, #tpu.memory_space<vmem_shared>>
      %dma_start3A_124 = arith.constant 0 : i32
      %dma_start3A_125 = tpu.memref_slice %arg25[%add3A_26, %dma_start3A_124] : memref<10240x128xf32, #tpu.memory_space<vmem_shared>> -> memref<128x128xf32, #tpu.memory_space<vmem_shared>>
      tpu.enqueue_dma source(%arg18 : memref<128x128xf32, #tpu.memory_space<vmem>>) target(%dma_start3A_125 : memref<128x128xf32, #tpu.memory_space<vmem_shared>>) target_semaphore(%run_scoped3A : memref<!tpu.dma_semaphore, #tpu.memory_space<semaphore_mem>>)
      %dma_wait3A = arith.constant 0 : i32
      %dma_wait3A_126 = tpu.memref_slice %arg25[%add3A_26, %dma_wait3A] : memref<10240x128xf32, #tpu.memory_space<vmem_shared>> -> memref<128x128xf32, #tpu.memory_space<vmem_shared>>
      %dma_wait3A_127 = arith.constant 0 : i32
      %dma_wait3A_128 = tpu.memref_slice %arg25[%add3A_26, %dma_wait3A_127] : memref<10240x128xf32, #tpu.memory_space<vmem_shared>> -> memref<128x128xf32, #tpu.memory_space<vmem_shared>>
      tpu.wait_dma2 semaphore(%run_scoped3A : memref<!tpu.dma_semaphore, #tpu.memory_space<semaphore_mem>>) src(%arg18 : memref<128x128xf32, #tpu.memory_space<vmem>>) dst(%dma_wait3A_128 : memref<128x128xf32, #tpu.memory_space<vmem_shared>>)
      tpu.yield
    }) : () -> ()
    %add3A_27 = arith.constant 512 : i32
    %add3A_28 = arith.addi %mul3A_8, %add3A_27 : i32
    "tpu.region"() ({
      %run_scoped3A = tpu.sem_alloc : memref<!tpu.dma_semaphore, #tpu.memory_space<semaphore_mem>>
      %dma_start3A = arith.constant 0 : i32
      %dma_start3A_123 = tpu.memref_slice %arg24[%add3A_28, %dma_start3A] : memref<10240x16xf32, #tpu.memory_space<vmem_shared>> -> memref<128x16xf32, #tpu.memory_space<vmem_shared>>
      %dma_start3A_124 = arith.constant 0 : i32
      %dma_start3A_125 = tpu.memref_slice %arg24[%add3A_28, %dma_start3A_124] : memref<10240x16xf32, #tpu.memory_space<vmem_shared>> -> memref<128x16xf32, #tpu.memory_space<vmem_shared>>
      tpu.enqueue_dma source(%arg17 : memref<128x16xf32, #tpu.memory_space<vmem>>) target(%dma_start3A_125 : memref<128x16xf32, #tpu.memory_space<vmem_shared>>) target_semaphore(%run_scoped3A : memref<!tpu.dma_semaphore, #tpu.memory_space<semaphore_mem>>)
      %dma_wait3A = arith.constant 0 : i32
      %dma_wait3A_126 = tpu.memref_slice %arg24[%add3A_28, %dma_wait3A] : memref<10240x16xf32, #tpu.memory_space<vmem_shared>> -> memref<128x16xf32, #tpu.memory_space<vmem_shared>>
      %dma_wait3A_127 = arith.constant 0 : i32
      %dma_wait3A_128 = tpu.memref_slice %arg24[%add3A_28, %dma_wait3A_127] : memref<10240x16xf32, #tpu.memory_space<vmem_shared>> -> memref<128x16xf32, #tpu.memory_space<vmem_shared>>
      tpu.wait_dma2 semaphore(%run_scoped3A : memref<!tpu.dma_semaphore, #tpu.memory_space<semaphore_mem>>) src(%arg17 : memref<128x16xf32, #tpu.memory_space<vmem>>) dst(%dma_wait3A_128 : memref<128x16xf32, #tpu.memory_space<vmem_shared>>)
      tpu.yield
    }) : () -> ()
    %get3A = arith.constant 0 : index
    %get3A_29 = tpu.vector_load %arg16[%get3A] {strides = array<i32>} : memref<2048xf32, #tpu.memory_space<vmem>>, vector<16xf32>,
    %mul3A_30 = arith.constant 0.000000e+00 : f32
    %mul3A_31 = vector.broadcast %mul3A_30 : f32 to vector<16xf32>
    %mul3A_32 = arith.mulf %get3A_29, %mul3A_31 : vector<16xf32>
    %add3A_33 = arith.constant 1.000000e+00 : f32
    %add3A_34 = vector.broadcast %add3A_33 : f32 to vector<16xf32>
    %add3A_35 = arith.addf %mul3A_32, %add3A_34 : vector<16xf32>
    %iota3A = tpu.iota {dimensions = array<i32: 0>} : vector<16xi32>
    %add3A_36 = arith.constant 0 : i32
    %add3A_37 = vector.broadcast %add3A_36 : i32 to vector<16xi32>
    %add3A_38 = arith.addi %iota3A, %add3A_37 : vector<16xi32>
    %mul3A_39 = arith.constant 16 : i32
    %mul3A_40 = vector.broadcast %mul3A_39 : i32 to vector<16xi32>
    %mul3A_41 = arith.muli %add3A_38, %mul3A_40 : vector<16xi32>
    %add3A_42 = arith.constant 8 : i32
    %add3A_43 = vector.broadcast %add3A_42 : i32 to vector<16xi32>
    %add3A_44 = arith.addi %mul3A_41, %add3A_43 : vector<16xi32>
    tpu.vector_store_idx %arg16[%add3A_44], %add3A_35 : memref<2048xf32, #tpu.memory_space<vmem>>[vector<16xi32>], vector<16xf32>,
    %iota3A_45 = tpu.iota {dimensions = array<i32: 0>} : vector<16xi32>
    %add3A_46 = arith.constant 16 : i32
    %add3A_47 = vector.broadcast %add3A_46 : i32 to vector<16xi32>
    %add3A_48 = arith.addi %iota3A_45, %add3A_47 : vector<16xi32>
    %mul3A_49 = arith.constant 16 : i32
    %mul3A_50 = vector.broadcast %mul3A_49 : i32 to vector<16xi32>
    %mul3A_51 = arith.muli %add3A_48, %mul3A_50 : vector<16xi32>
    %add3A_52 = arith.constant 8 : i32
    %add3A_53 = vector.broadcast %add3A_52 : i32 to vector<16xi32>
    %add3A_54 = arith.addi %mul3A_51, %add3A_53 : vector<16xi32>
    tpu.vector_store_idx %arg16[%add3A_54], %add3A_35 : memref<2048xf32, #tpu.memory_space<vmem>>[vector<16xi32>], vector<16xf32>,
    %iota3A_55 = tpu.iota {dimensions = array<i32: 0>} : vector<16xi32>
    %add3A_56 = arith.constant 32 : i32
    %add3A_57 = vector.broadcast %add3A_56 : i32 to vector<16xi32>
    %add3A_58 = arith.addi %iota3A_55, %add3A_57 : vector<16xi32>
    %mul3A_59 = arith.constant 16 : i32
    %mul3A_60 = vector.broadcast %mul3A_59 : i32 to vector<16xi32>
    %mul3A_61 = arith.muli %add3A_58, %mul3A_60 : vector<16xi32>
    %add3A_62 = arith.constant 8 : i32
    %add3A_63 = vector.broadcast %add3A_62 : i32 to vector<16xi32>
    %add3A_64 = arith.addi %mul3A_61, %add3A_63 : vector<16xi32>
    tpu.vector_store_idx %arg16[%add3A_64], %add3A_35 : memref<2048xf32, #tpu.memory_space<vmem>>[vector<16xi32>], vector<16xf32>,
    %iota3A_65 = tpu.iota {dimensions = array<i32: 0>} : vector<16xi32>
    %add3A_66 = arith.constant 48 : i32
    %add3A_67 = vector.broadcast %add3A_66 : i32 to vector<16xi32>
    %add3A_68 = arith.addi %iota3A_65, %add3A_67 : vector<16xi32>
    %mul3A_69 = arith.constant 16 : i32
    %mul3A_70 = vector.broadcast %mul3A_69 : i32 to vector<16xi32>
    %mul3A_71 = arith.muli %add3A_68, %mul3A_70 : vector<16xi32>
    %add3A_72 = arith.constant 8 : i32
    %add3A_73 = vector.broadcast %add3A_72 : i32 to vector<16xi32>
    %add3A_74 = arith.addi %mul3A_71, %add3A_73 : vector<16xi32>
    tpu.vector_store_idx %arg16[%add3A_74], %add3A_35 : memref<2048xf32, #tpu.memory_space<vmem>>[vector<16xi32>], vector<16xf32>,
    %iota3A_75 = tpu.iota {dimensions = array<i32: 0>} : vector<16xi32>
    %add3A_76 = arith.constant 64 : i32
    %add3A_77 = vector.broadcast %add3A_76 : i32 to vector<16xi32>
    %add3A_78 = arith.addi %iota3A_75, %add3A_77 : vector<16xi32>
    %mul3A_79 = arith.constant 16 : i32
    %mul3A_80 = vector.broadcast %mul3A_79 : i32 to vector<16xi32>
    %mul3A_81 = arith.muli %add3A_78, %mul3A_80 : vector<16xi32>
    %add3A_82 = arith.constant 8 : i32
    %add3A_83 = vector.broadcast %add3A_82 : i32 to vector<16xi32>
    %add3A_84 = arith.addi %mul3A_81, %add3A_83 : vector<16xi32>
    tpu.vector_store_idx %arg16[%add3A_84], %add3A_35 : memref<2048xf32, #tpu.memory_space<vmem>>[vector<16xi32>], vector<16xf32>,
    %iota3A_85 = tpu.iota {dimensions = array<i32: 0>} : vector<16xi32>
    %add3A_86 = arith.constant 80 : i32
    %add3A_87 = vector.broadcast %add3A_86 : i32 to vector<16xi32>
    %add3A_88 = arith.addi %iota3A_85, %add3A_87 : vector<16xi32>
    %mul3A_89 = arith.constant 16 : i32
    %mul3A_90 = vector.broadcast %mul3A_89 : i32 to vector<16xi32>
    %mul3A_91 = arith.muli %add3A_88, %mul3A_90 : vector<16xi32>
    %add3A_92 = arith.constant 8 : i32
    %add3A_93 = vector.broadcast %add3A_92 : i32 to vector<16xi32>
    %add3A_94 = arith.addi %mul3A_91, %add3A_93 : vector<16xi32>
    tpu.vector_store_idx %arg16[%add3A_94], %add3A_35 : memref<2048xf32, #tpu.memory_space<vmem>>[vector<16xi32>], vector<16xf32>,
    %iota3A_95 = tpu.iota {dimensions = array<i32: 0>} : vector<16xi32>
    %add3A_96 = arith.constant 96 : i32
    %add3A_97 = vector.broadcast %add3A_96 : i32 to vector<16xi32>
    %add3A_98 = arith.addi %iota3A_95, %add3A_97 : vector<16xi32>
    %mul3A_99 = arith.constant 16 : i32
    %mul3A_100 = vector.broadcast %mul3A_99 : i32 to vector<16xi32>
    %mul3A_101 = arith.muli %add3A_98, %mul3A_100 : vector<16xi32>
    %add3A_102 = arith.constant 8 : i32
    %add3A_103 = vector.broadcast %add3A_102 : i32 to vector<16xi32>
    %add3A_104 = arith.addi %mul3A_101, %add3A_103 : vector<16xi32>
    tpu.vector_store_idx %arg16[%add3A_104], %add3A_35 : memref<2048xf32, #tpu.memory_space<vmem>>[vector<16xi32>], vector<16xf32>,
    %iota3A_105 = tpu.iota {dimensions = array<i32: 0>} : vector<16xi32>
    %add3A_106 = arith.constant 112 : i32
    %add3A_107 = vector.broadcast %add3A_106 : i32 to vector<16xi32>
    %add3A_108 = arith.addi %iota3A_105, %add3A_107 : vector<16xi32>
    %mul3A_109 = arith.constant 16 : i32
    %mul3A_110 = vector.broadcast %mul3A_109 : i32 to vector<16xi32>
    %mul3A_111 = arith.muli %add3A_108, %mul3A_110 : vector<16xi32>
    %add3A_112 = arith.constant 8 : i32
    %add3A_113 = vector.broadcast %add3A_112 : i32 to vector<16xi32>
    %add3A_114 = arith.addi %mul3A_111, %add3A_113 : vector<16xi32>
    tpu.vector_store_idx %arg16[%add3A_114], %add3A_35 : memref<2048xf32, #tpu.memory_space<vmem>>[vector<16xi32>], vector<16xf32>,
    %barrier3A = arith.constant 0 : index
    tpu.barrier barrier_id(%barrier3A)
    %scan3A_115 = arith.constant 0 : i32
    %scan3A_116 = arith.constant 0 : i32
    %scan3A_117 = arith.constant 79 : i32
    %scan3A_118 = arith.addi %scan3A_116, %scan3A_117 : i32
    %scan3A_119 = arith.constant 1 : i32
    %scan3A_120 = scf.for %scan3A_123 = %scan3A_116 to %scan3A_118 step %scan3A_119 iter_args(%scan3A_124 = %scan3A_115) -> (i32)  : i32 {
      %mul3A_125 = arith.constant 32 : i32
      %mul3A_126 = arith.muli %scan3A_123, %mul3A_125 : i32
      %add3A_127 = arith.addi %mul3A_126, %add3A : i32
      %lt3A = arith.constant 2500 : i32
      %lt3A_128 = arith.cmpi slt, %add3A_127, %lt3A : i32
      %convert_element_type3A = arith.extui %lt3A_128 : i1 to i32
      %cond3A = arith.constant 0 : i32
      %cond3A_129 = arith.cmpi ne, %convert_element_type3A, %cond3A : i32
      scf.if %cond3A_129 {
        %mul3A_131 = arith.constant 128 : i32
        %mul3A_132 = arith.muli %add3A_127, %mul3A_131 : i32
        "tpu.region"() ({
          %run_scoped3A_1901 = tpu.sem_alloc : memref<!tpu.dma_semaphore, #tpu.memory_space<semaphore_mem>>
          %dma_start3A_1902 = tpu.memref_slice %arg2[%mul3A_132] : memref<320000xi32, #tpu.memory_space<hbm>> -> memref<128xi32, #tpu.memory_space<hbm>>
          %dma_start3A_1903 = tpu.memref_slice %arg2[%mul3A_132] : memref<320000xi32, #tpu.memory_space<hbm>> -> memref<128xi32, #tpu.memory_space<hbm>>
          tpu.enqueue_dma source(%dma_start3A_1903 : memref<128xi32, #tpu.memory_space<hbm>>) target(%arg13 : memref<128xi32, #tpu.memory_space<vmem>>) target_semaphore(%run_scoped3A_1901 : memref<!tpu.dma_semaphore, #tpu.memory_space<semaphore_mem>>)
          %dma_wait3A_1904 = tpu.memref_slice %arg2[%mul3A_132] : memref<320000xi32, #tpu.memory_space<hbm>> -> memref<128xi32, #tpu.memory_space<hbm>>
          %dma_wait3A_1905 = tpu.memref_slice %arg2[%mul3A_132] : memref<320000xi32, #tpu.memory_space<hbm>> -> memref<128xi32, #tpu.memory_space<hbm>>
          tpu.wait_dma2 semaphore(%run_scoped3A_1901 : memref<!tpu.dma_semaphore, #tpu.memory_space<semaphore_mem>>) src(%dma_wait3A_1905 : memref<128xi32, #tpu.memory_space<hbm>>) dst(%arg13 : memref<128xi32, #tpu.memory_space<vmem>>)
          tpu.yield
        }) : () -> ()
        "tpu.region"() ({
          %run_scoped3A_1901 = tpu.sem_alloc : memref<!tpu.dma_semaphore, #tpu.memory_space<semaphore_mem>>
          %dma_start3A_1902 = tpu.memref_slice %arg3[%mul3A_132] : memref<320000xi32, #tpu.memory_space<hbm>> -> memref<128xi32, #tpu.memory_space<hbm>>
          %dma_start3A_1903 = tpu.memref_slice %arg3[%mul3A_132] : memref<320000xi32, #tpu.memory_space<hbm>> -> memref<128xi32, #tpu.memory_space<hbm>>
          tpu.enqueue_dma source(%dma_start3A_1903 : memref<128xi32, #tpu.memory_space<hbm>>) target(%arg14 : memref<128xi32, #tpu.memory_space<vmem>>) target_semaphore(%run_scoped3A_1901 : memref<!tpu.dma_semaphore, #tpu.memory_space<semaphore_mem>>)
          %dma_wait3A_1904 = tpu.memref_slice %arg3[%mul3A_132] : memref<320000xi32, #tpu.memory_space<hbm>> -> memref<128xi32, #tpu.memory_space<hbm>>
          %dma_wait3A_1905 = tpu.memref_slice %arg3[%mul3A_132] : memref<320000xi32, #tpu.memory_space<hbm>> -> memref<128xi32, #tpu.memory_space<hbm>>
          tpu.wait_dma2 semaphore(%run_scoped3A_1901 : memref<!tpu.dma_semaphore, #tpu.memory_space<semaphore_mem>>) src(%dma_wait3A_1905 : memref<128xi32, #tpu.memory_space<hbm>>) dst(%arg14 : memref<128xi32, #tpu.memory_space<vmem>>)
          tpu.yield
        }) : () -> ()
        %run_scoped3A = arith.constant 0 : i32
        "tpu.region"() ({
          %run_scoped3A_1901 = tpu.sem_alloc : memref<!tpu.dma_semaphore, #tpu.memory_space<semaphore_mem>>
          %dma_start3A_1902 = arith.constant 0 : i32
          %dma_start3A_1903 = tpu.memref_slice %arg23[%run_scoped3A, %dma_start3A_1902] : memref<4x128xf32, #tpu.memory_space<vmem>> -> memref<1x128xf32, #tpu.memory_space<vmem>>
          %dma_start3A_1904 = tpu.memref_squeeze %dma_start3A_1903 : memref<1x128xf32, #tpu.memory_space<vmem>> -> memref<128xf32, #tpu.memory_space<vmem>>
          %dma_start3A_1905 = tpu.memref_slice %arg4[%mul3A_132] : memref<320000xf32, #tpu.memory_space<hbm>> -> memref<128xf32, #tpu.memory_space<hbm>>
          %dma_start3A_1906 = arith.constant 0 : i32
          %dma_start3A_1907 = tpu.memref_slice %arg23[%run_scoped3A, %dma_start3A_1906] : memref<4x128xf32, #tpu.memory_space<vmem>> -> memref<1x128xf32, #tpu.memory_space<vmem>>
          %dma_start3A_1908 = tpu.memref_squeeze %dma_start3A_1907 : memref<1x128xf32, #tpu.memory_space<vmem>> -> memref<128xf32, #tpu.memory_space<vmem>>
          %dma_start3A_1909 = tpu.memref_slice %arg4[%mul3A_132] : memref<320000xf32, #tpu.memory_space<hbm>> -> memref<128xf32, #tpu.memory_space<hbm>>
          tpu.enqueue_dma source(%dma_start3A_1909 : memref<128xf32, #tpu.memory_space<hbm>>) target(%dma_start3A_1908 : memref<128xf32, #tpu.memory_space<vmem>>) target_semaphore(%run_scoped3A_1901 : memref<!tpu.dma_semaphore, #tpu.memory_space<semaphore_mem>>)
          %dma_wait3A_1910 = arith.constant 0 : i32
          %dma_wait3A_1911 = tpu.memref_slice %arg23[%run_scoped3A, %dma_wait3A_1910] : memref<4x128xf32, #tpu.memory_space<vmem>> -> memref<1x128xf32, #tpu.memory_space<vmem>>
          %dma_wait3A_1912 = tpu.memref_squeeze %dma_wait3A_1911 : memref<1x128xf32, #tpu.memory_space<vmem>> -> memref<128xf32, #tpu.memory_space<vmem>>
          %dma_wait3A_1913 = tpu.memref_slice %arg4[%mul3A_132] : memref<320000xf32, #tpu.memory_space<hbm>> -> memref<128xf32, #tpu.memory_space<hbm>>
          %dma_wait3A_1914 = arith.constant 0 : i32
          %dma_wait3A_1915 = tpu.memref_slice %arg23[%run_scoped3A, %dma_wait3A_1914] : memref<4x128xf32, #tpu.memory_space<vmem>> -> memref<1x128xf32, #tpu.memory_space<vmem>>
          %dma_wait3A_1916 = tpu.memref_squeeze %dma_wait3A_1915 : memref<1x128xf32, #tpu.memory_space<vmem>> -> memref<128xf32, #tpu.memory_space<vmem>>
          %dma_wait3A_1917 = tpu.memref_slice %arg4[%mul3A_132] : memref<320000xf32, #tpu.memory_space<hbm>> -> memref<128xf32, #tpu.memory_space<hbm>>
          tpu.wait_dma2 semaphore(%run_scoped3A_1901 : memref<!tpu.dma_semaphore, #tpu.memory_space<semaphore_mem>>) src(%dma_wait3A_1917 : memref<128xf32, #tpu.memory_space<hbm>>) dst(%dma_wait3A_1916 : memref<128xf32, #tpu.memory_space<vmem>>)
          tpu.yield
        }) : () -> ()
        %run_scoped3A_133 = arith.constant 1 : i32
        "tpu.region"() ({
          %run_scoped3A_1901 = tpu.sem_alloc : memref<!tpu.dma_semaphore, #tpu.memory_space<semaphore_mem>>
          %dma_start3A_1902 = arith.constant 0 : i32
          %dma_start3A_1903 = tpu.memref_slice %arg23[%run_scoped3A_133, %dma_start3A_1902] : memref<4x128xf32, #tpu.memory_space<vmem>> -> memref<1x128xf32, #tpu.memory_space<vmem>>
          %dma_start3A_1904 = tpu.memref_squeeze %dma_start3A_1903 : memref<1x128xf32, #tpu.memory_space<vmem>> -> memref<128xf32, #tpu.memory_space<vmem>>
          %dma_start3A_1905 = tpu.memref_slice %arg5[%mul3A_132] : memref<320000xf32, #tpu.memory_space<hbm>> -> memref<128xf32, #tpu.memory_space<hbm>>
          %dma_start3A_1906 = arith.constant 0 : i32
          %dma_start3A_1907 = tpu.memref_slice %arg23[%run_scoped3A_133, %dma_start3A_1906] : memref<4x128xf32, #tpu.memory_space<vmem>> -> memref<1x128xf32, #tpu.memory_space<vmem>>
          %dma_start3A_1908 = tpu.memref_squeeze %dma_start3A_1907 : memref<1x128xf32, #tpu.memory_space<vmem>> -> memref<128xf32, #tpu.memory_space<vmem>>
          %dma_start3A_1909 = tpu.memref_slice %arg5[%mul3A_132] : memref<320000xf32, #tpu.memory_space<hbm>> -> memref<128xf32, #tpu.memory_space<hbm>>
          tpu.enqueue_dma source(%dma_start3A_1909 : memref<128xf32, #tpu.memory_space<hbm>>) target(%dma_start3A_1908 : memref<128xf32, #tpu.memory_space<vmem>>) target_semaphore(%run_scoped3A_1901 : memref<!tpu.dma_semaphore, #tpu.memory_space<semaphore_mem>>)
          %dma_wait3A_1910 = arith.constant 0 : i32
          %dma_wait3A_1911 = tpu.memref_slice %arg23[%run_scoped3A_133, %dma_wait3A_1910] : memref<4x128xf32, #tpu.memory_space<vmem>> -> memref<1x128xf32, #tpu.memory_space<vmem>>
          %dma_wait3A_1912 = tpu.memref_squeeze %dma_wait3A_1911 : memref<1x128xf32, #tpu.memory_space<vmem>> -> memref<128xf32, #tpu.memory_space<vmem>>
          %dma_wait3A_1913 = tpu.memref_slice %arg5[%mul3A_132] : memref<320000xf32, #tpu.memory_space<hbm>> -> memref<128xf32, #tpu.memory_space<hbm>>
          %dma_wait3A_1914 = arith.constant 0 : i32
          %dma_wait3A_1915 = tpu.memref_slice %arg23[%run_scoped3A_133, %dma_wait3A_1914] : memref<4x128xf32, #tpu.memory_space<vmem>> -> memref<1x128xf32, #tpu.memory_space<vmem>>
          %dma_wait3A_1916 = tpu.memref_squeeze %dma_wait3A_1915 : memref<1x128xf32, #tpu.memory_space<vmem>> -> memref<128xf32, #tpu.memory_space<vmem>>
          %dma_wait3A_1917 = tpu.memref_slice %arg5[%mul3A_132] : memref<320000xf32, #tpu.memory_space<hbm>> -> memref<128xf32, #tpu.memory_space<hbm>>
          tpu.wait_dma2 semaphore(%run_scoped3A_1901 : memref<!tpu.dma_semaphore, #tpu.memory_space<semaphore_mem>>) src(%dma_wait3A_1917 : memref<128xf32, #tpu.memory_space<hbm>>) dst(%dma_wait3A_1916 : memref<128xf32, #tpu.memory_space<vmem>>)
          tpu.yield
        }) : () -> ()
        %run_scoped3A_134 = arith.constant 2 : i32
        "tpu.region"() ({
          %run_scoped3A_1901 = tpu.sem_alloc : memref<!tpu.dma_semaphore, #tpu.memory_space<semaphore_mem>>
          %dma_start3A_1902 = arith.constant 0 : i32
          %dma_start3A_1903 = tpu.memref_slice %arg23[%run_scoped3A_134, %dma_start3A_1902] : memref<4x128xf32, #tpu.memory_space<vmem>> -> memref<1x128xf32, #tpu.memory_space<vmem>>
          %dma_start3A_1904 = tpu.memref_squeeze %dma_start3A_1903 : memref<1x128xf32, #tpu.memory_space<vmem>> -> memref<128xf32, #tpu.memory_space<vmem>>
          %dma_start3A_1905 = tpu.memref_slice %arg6[%mul3A_132] : memref<320000xf32, #tpu.memory_space<hbm>> -> memref<128xf32, #tpu.memory_space<hbm>>
          %dma_start3A_1906 = arith.constant 0 : i32
          %dma_start3A_1907 = tpu.memref_slice %arg23[%run_scoped3A_134, %dma_start3A_1906] : memref<4x128xf32, #tpu.memory_space<vmem>> -> memref<1x128xf32, #tpu.memory_space<vmem>>
          %dma_start3A_1908 = tpu.memref_squeeze %dma_start3A_1907 : memref<1x128xf32, #tpu.memory_space<vmem>> -> memref<128xf32, #tpu.memory_space<vmem>>
          %dma_start3A_1909 = tpu.memref_slice %arg6[%mul3A_132] : memref<320000xf32, #tpu.memory_space<hbm>> -> memref<128xf32, #tpu.memory_space<hbm>>
          tpu.enqueue_dma source(%dma_start3A_1909 : memref<128xf32, #tpu.memory_space<hbm>>) target(%dma_start3A_1908 : memref<128xf32, #tpu.memory_space<vmem>>) target_semaphore(%run_scoped3A_1901 : memref<!tpu.dma_semaphore, #tpu.memory_space<semaphore_mem>>)
          %dma_wait3A_1910 = arith.constant 0 : i32
          %dma_wait3A_1911 = tpu.memref_slice %arg23[%run_scoped3A_134, %dma_wait3A_1910] : memref<4x128xf32, #tpu.memory_space<vmem>> -> memref<1x128xf32, #tpu.memory_space<vmem>>
          %dma_wait3A_1912 = tpu.memref_squeeze %dma_wait3A_1911 : memref<1x128xf32, #tpu.memory_space<vmem>> -> memref<128xf32, #tpu.memory_space<vmem>>
          %dma_wait3A_1913 = tpu.memref_slice %arg6[%mul3A_132] : memref<320000xf32, #tpu.memory_space<hbm>> -> memref<128xf32, #tpu.memory_space<hbm>>
          %dma_wait3A_1914 = arith.constant 0 : i32
          %dma_wait3A_1915 = tpu.memref_slice %arg23[%run_scoped3A_134, %dma_wait3A_1914] : memref<4x128xf32, #tpu.memory_space<vmem>> -> memref<1x128xf32, #tpu.memory_space<vmem>>
          %dma_wait3A_1916 = tpu.memref_squeeze %dma_wait3A_1915 : memref<1x128xf32, #tpu.memory_space<vmem>> -> memref<128xf32, #tpu.memory_space<vmem>>
          %dma_wait3A_1917 = tpu.memref_slice %arg6[%mul3A_132] : memref<320000xf32, #tpu.memory_space<hbm>> -> memref<128xf32, #tpu.memory_space<hbm>>
          tpu.wait_dma2 semaphore(%run_scoped3A_1901 : memref<!tpu.dma_semaphore, #tpu.memory_space<semaphore_mem>>) src(%dma_wait3A_1917 : memref<128xf32, #tpu.memory_space<hbm>>) dst(%dma_wait3A_1916 : memref<128xf32, #tpu.memory_space<vmem>>)
          tpu.yield
        }) : () -> ()
        %run_scoped3A_135 = arith.constant 3 : i32
        "tpu.region"() ({
          %run_scoped3A_1901 = tpu.sem_alloc : memref<!tpu.dma_semaphore, #tpu.memory_space<semaphore_mem>>
          %dma_start3A_1902 = arith.constant 0 : i32
          %dma_start3A_1903 = tpu.memref_slice %arg23[%run_scoped3A_135, %dma_start3A_1902] : memref<4x128xf32, #tpu.memory_space<vmem>> -> memref<1x128xf32, #tpu.memory_space<vmem>>
          %dma_start3A_1904 = tpu.memref_squeeze %dma_start3A_1903 : memref<1x128xf32, #tpu.memory_space<vmem>> -> memref<128xf32, #tpu.memory_space<vmem>>
          %dma_start3A_1905 = tpu.memref_slice %arg7[%mul3A_132] : memref<320000xf32, #tpu.memory_space<hbm>> -> memref<128xf32, #tpu.memory_space<hbm>>
          %dma_start3A_1906 = arith.constant 0 : i32
          %dma_start3A_1907 = tpu.memref_slice %arg23[%run_scoped3A_135, %dma_start3A_1906] : memref<4x128xf32, #tpu.memory_space<vmem>> -> memref<1x128xf32, #tpu.memory_space<vmem>>
          %dma_start3A_1908 = tpu.memref_squeeze %dma_start3A_1907 : memref<1x128xf32, #tpu.memory_space<vmem>> -> memref<128xf32, #tpu.memory_space<vmem>>
          %dma_start3A_1909 = tpu.memref_slice %arg7[%mul3A_132] : memref<320000xf32, #tpu.memory_space<hbm>> -> memref<128xf32, #tpu.memory_space<hbm>>
          tpu.enqueue_dma source(%dma_start3A_1909 : memref<128xf32, #tpu.memory_space<hbm>>) target(%dma_start3A_1908 : memref<128xf32, #tpu.memory_space<vmem>>) target_semaphore(%run_scoped3A_1901 : memref<!tpu.dma_semaphore, #tpu.memory_space<semaphore_mem>>)
          %dma_wait3A_1910 = arith.constant 0 : i32
          %dma_wait3A_1911 = tpu.memref_slice %arg23[%run_scoped3A_135, %dma_wait3A_1910] : memref<4x128xf32, #tpu.memory_space<vmem>> -> memref<1x128xf32, #tpu.memory_space<vmem>>
          %dma_wait3A_1912 = tpu.memref_squeeze %dma_wait3A_1911 : memref<1x128xf32, #tpu.memory_space<vmem>> -> memref<128xf32, #tpu.memory_space<vmem>>
          %dma_wait3A_1913 = tpu.memref_slice %arg7[%mul3A_132] : memref<320000xf32, #tpu.memory_space<hbm>> -> memref<128xf32, #tpu.memory_space<hbm>>
          %dma_wait3A_1914 = arith.constant 0 : i32
          %dma_wait3A_1915 = tpu.memref_slice %arg23[%run_scoped3A_135, %dma_wait3A_1914] : memref<4x128xf32, #tpu.memory_space<vmem>> -> memref<1x128xf32, #tpu.memory_space<vmem>>
          %dma_wait3A_1916 = tpu.memref_squeeze %dma_wait3A_1915 : memref<1x128xf32, #tpu.memory_space<vmem>> -> memref<128xf32, #tpu.memory_space<vmem>>
          %dma_wait3A_1917 = tpu.memref_slice %arg7[%mul3A_132] : memref<320000xf32, #tpu.memory_space<hbm>> -> memref<128xf32, #tpu.memory_space<hbm>>
          tpu.wait_dma2 semaphore(%run_scoped3A_1901 : memref<!tpu.dma_semaphore, #tpu.memory_space<semaphore_mem>>) src(%dma_wait3A_1917 : memref<128xf32, #tpu.memory_space<hbm>>) dst(%dma_wait3A_1916 : memref<128xf32, #tpu.memory_space<vmem>>)
          tpu.yield
        }) : () -> ()
        %dma_start3A = arith.constant 0 : i32
        %dma_start3A_136 = arith.constant 0 : i32
        %dma_start3A_137 = tpu.memref_slice %arg10[%dma_start3A, %dma_start3A_136] : memref<10000x128xf32, #tpu.memory_space<hbm>> -> memref<10000x128xf32, #tpu.memory_space<hbm>>
        tpu.enqueue_indirect_dma source(%dma_start3A_137 : memref<10000x128xf32, #tpu.memory_space<hbm>>) target(%arg18 : memref<128x128xf32, #tpu.memory_space<vmem>>) offsets(%arg13 : memref<128xi32, #tpu.memory_space<vmem>>) semaphore(%arg26 : memref<!tpu.dma_semaphore, #tpu.memory_space<semaphore_mem>>)
        %get3A_138 = arith.constant 0 : index
        %get3A_139 = tpu.vector_load %arg13[%get3A_138] {strides = array<i32>} : memref<128xi32, #tpu.memory_space<vmem>>, vector<16xi32>,
        %get3A_140 = arith.constant 0 : index
        %get3A_141 = tpu.vector_load %arg14[%get3A_140] {strides = array<i32>} : memref<128xi32, #tpu.memory_space<vmem>>, vector<16xi32>,
        %eq3A = arith.cmpi eq, %get3A_139, %get3A_141 : vector<16xi32>
        %broadcast_in_dim3A = arith.constant 10000 : i32
        %broadcast_in_dim3A_142 = vector.broadcast %broadcast_in_dim3A : i32 to vector<16xi32>
        %select_n3A = arith.select %eq3A, %broadcast_in_dim3A_142, %get3A_141 : vector<16xi1>, vector<16xi32>
        %swap3A = arith.constant 0 : index
        %swap3A_143 = tpu.vector_load %arg15[%swap3A] {strides = array<i32>} : memref<128xi32, #tpu.memory_space<vmem>>, vector<16xi32>,
        tpu.vector_store %arg15[%swap3A], %select_n3A {strides = array<i32>} : memref<128xi32, #tpu.memory_space<vmem>>, vector<16xi32>,
        %mul3A_144 = arith.constant 4 : i32
        %mul3A_145 = vector.broadcast %mul3A_144 : i32 to vector<16xi32>
        %mul3A_146 = arith.muli %get3A_139, %mul3A_145 : vector<16xi32>
        %mul3A_147 = arith.constant 4 : i32
        %mul3A_148 = vector.broadcast %mul3A_147 : i32 to vector<16xi32>
        %mul3A_149 = arith.muli %select_n3A, %mul3A_148 : vector<16xi32>
        %add3A_150 = arith.constant 0 : i32
        %add3A_151 = vector.broadcast %add3A_150 : i32 to vector<16xi32>
        %add3A_152 = arith.addi %mul3A_146, %add3A_151 : vector<16xi32>
        %swap3A_153 = arith.constant 0 : i32
        %swap3A_154 = arith.index_cast %swap3A_153 : i32 to index
        %swap3A_155 = arith.constant 0 : index
        %swap3A_156 = tpu.vector_load %arg19[%swap3A_154, %swap3A_155] {strides = array<i32>} : memref<4x128xi32, #tpu.memory_space<vmem>>, vector<16xi32>,
        tpu.vector_store %arg19[%swap3A_154, %swap3A_155], %add3A_152 {strides = array<i32>} : memref<4x128xi32, #tpu.memory_space<vmem>>, vector<16xi32>,
        %add3A_157 = arith.constant 0 : i32
        %add3A_158 = vector.broadcast %add3A_157 : i32 to vector<16xi32>
        %add3A_159 = arith.addi %mul3A_149, %add3A_158 : vector<16xi32>
        %swap3A_160 = arith.constant 0 : i32
        %swap3A_161 = arith.index_cast %swap3A_160 : i32 to index
        %swap3A_162 = arith.constant 0 : index
        %swap3A_163 = tpu.vector_load %arg20[%swap3A_161, %swap3A_162] {strides = array<i32>} : memref<4x128xi32, #tpu.memory_space<vmem>>, vector<16xi32>,
        tpu.vector_store %arg20[%swap3A_161, %swap3A_162], %add3A_159 {strides = array<i32>} : memref<4x128xi32, #tpu.memory_space<vmem>>, vector<16xi32>,
        %add3A_164 = arith.constant 1 : i32
        %add3A_165 = vector.broadcast %add3A_164 : i32 to vector<16xi32>
        %add3A_166 = arith.addi %mul3A_146, %add3A_165 : vector<16xi32>
        %swap3A_167 = arith.constant 1 : i32
        %swap3A_168 = arith.index_cast %swap3A_167 : i32 to index
        %swap3A_169 = arith.constant 0 : index
        %swap3A_170 = tpu.vector_load %arg19[%swap3A_168, %swap3A_169] {strides = array<i32>} : memref<4x128xi32, #tpu.memory_space<vmem>>, vector<16xi32>,
        tpu.vector_store %arg19[%swap3A_168, %swap3A_169], %add3A_166 {strides = array<i32>} : memref<4x128xi32, #tpu.memory_space<vmem>>, vector<16xi32>,
        %add3A_171 = arith.constant 1 : i32
        %add3A_172 = vector.broadcast %add3A_171 : i32 to vector<16xi32>
        %add3A_173 = arith.addi %mul3A_149, %add3A_172 : vector<16xi32>
        %swap3A_174 = arith.constant 1 : i32
        %swap3A_175 = arith.index_cast %swap3A_174 : i32 to index
        %swap3A_176 = arith.constant 0 : index
        %swap3A_177 = tpu.vector_load %arg20[%swap3A_175, %swap3A_176] {strides = array<i32>} : memref<4x128xi32, #tpu.memory_space<vmem>>, vector<16xi32>,
        tpu.vector_store %arg20[%swap3A_175, %swap3A_176], %add3A_173 {strides = array<i32>} : memref<4x128xi32, #tpu.memory_space<vmem>>, vector<16xi32>,
        %add3A_178 = arith.constant 2 : i32
        %add3A_179 = vector.broadcast %add3A_178 : i32 to vector<16xi32>
        %add3A_180 = arith.addi %mul3A_146, %add3A_179 : vector<16xi32>
        %swap3A_181 = arith.constant 2 : i32
        %swap3A_182 = arith.index_cast %swap3A_181 : i32 to index
        %swap3A_183 = arith.constant 0 : index
        %swap3A_184 = tpu.vector_load %arg19[%swap3A_182, %swap3A_183] {strides = array<i32>} : memref<4x128xi32, #tpu.memory_space<vmem>>, vector<16xi32>,
        tpu.vector_store %arg19[%swap3A_182, %swap3A_183], %add3A_180 {strides = array<i32>} : memref<4x128xi32, #tpu.memory_space<vmem>>, vector<16xi32>,
        %add3A_185 = arith.constant 2 : i32
        %add3A_186 = vector.broadcast %add3A_185 : i32 to vector<16xi32>
        %add3A_187 = arith.addi %mul3A_149, %add3A_186 : vector<16xi32>
        %swap3A_188 = arith.constant 2 : i32
        %swap3A_189 = arith.index_cast %swap3A_188 : i32 to index
        %swap3A_190 = arith.constant 0 : index
        %swap3A_191 = tpu.vector_load %arg20[%swap3A_189, %swap3A_190] {strides = array<i32>} : memref<4x128xi32, #tpu.memory_space<vmem>>, vector<16xi32>,
        tpu.vector_store %arg20[%swap3A_189, %swap3A_190], %add3A_187 {strides = array<i32>} : memref<4x128xi32, #tpu.memory_space<vmem>>, vector<16xi32>,
        %add3A_192 = arith.constant 3 : i32
        %add3A_193 = vector.broadcast %add3A_192 : i32 to vector<16xi32>
        %add3A_194 = arith.addi %mul3A_146, %add3A_193 : vector<16xi32>
        %swap3A_195 = arith.constant 3 : i32
        %swap3A_196 = arith.index_cast %swap3A_195 : i32 to index
        %swap3A_197 = arith.constant 0 : index
        %swap3A_198 = tpu.vector_load %arg19[%swap3A_196, %swap3A_197] {strides = array<i32>} : memref<4x128xi32, #tpu.memory_space<vmem>>, vector<16xi32>,
        tpu.vector_store %arg19[%swap3A_196, %swap3A_197], %add3A_194 {strides = array<i32>} : memref<4x128xi32, #tpu.memory_space<vmem>>, vector<16xi32>,
        %add3A_199 = arith.constant 3 : i32
        %add3A_200 = vector.broadcast %add3A_199 : i32 to vector<16xi32>
        %add3A_201 = arith.addi %mul3A_149, %add3A_200 : vector<16xi32>
        %swap3A_202 = arith.constant 3 : i32
        %swap3A_203 = arith.index_cast %swap3A_202 : i32 to index
        %swap3A_204 = arith.constant 0 : index
        %swap3A_205 = tpu.vector_load %arg20[%swap3A_203, %swap3A_204] {strides = array<i32>} : memref<4x128xi32, #tpu.memory_space<vmem>>, vector<16xi32>,
        tpu.vector_store %arg20[%swap3A_203, %swap3A_204], %add3A_201 {strides = array<i32>} : memref<4x128xi32, #tpu.memory_space<vmem>>, vector<16xi32>,
        %get3A_206 = arith.constant 16 : index
        %get3A_207 = tpu.vector_load %arg13[%get3A_206] {strides = array<i32>} : memref<128xi32, #tpu.memory_space<vmem>>, vector<16xi32>,
        %get3A_208 = arith.constant 16 : index
        %get3A_209 = tpu.vector_load %arg14[%get3A_208] {strides = array<i32>} : memref<128xi32, #tpu.memory_space<vmem>>, vector<16xi32>,
        %eq3A_210 = arith.cmpi eq, %get3A_207, %get3A_209 : vector<16xi32>
        %broadcast_in_dim3A_211 = arith.constant 10000 : i32
        %broadcast_in_dim3A_212 = vector.broadcast %broadcast_in_dim3A_211 : i32 to vector<16xi32>
        %select_n3A_213 = arith.select %eq3A_210, %broadcast_in_dim3A_212, %get3A_209 : vector<16xi1>, vector<16xi32>
        %swap3A_214 = arith.constant 16 : index
        %swap3A_215 = tpu.vector_load %arg15[%swap3A_214] {strides = array<i32>} : memref<128xi32, #tpu.memory_space<vmem>>, vector<16xi32>,
        tpu.vector_store %arg15[%swap3A_214], %select_n3A_213 {strides = array<i32>} : memref<128xi32, #tpu.memory_space<vmem>>, vector<16xi32>,
        %mul3A_216 = arith.constant 4 : i32
        %mul3A_217 = vector.broadcast %mul3A_216 : i32 to vector<16xi32>
        %mul3A_218 = arith.muli %get3A_207, %mul3A_217 : vector<16xi32>
        %mul3A_219 = arith.constant 4 : i32
        %mul3A_220 = vector.broadcast %mul3A_219 : i32 to vector<16xi32>
        %mul3A_221 = arith.muli %select_n3A_213, %mul3A_220 : vector<16xi32>
        %add3A_222 = arith.constant 0 : i32
        %add3A_223 = vector.broadcast %add3A_222 : i32 to vector<16xi32>
        %add3A_224 = arith.addi %mul3A_218, %add3A_223 : vector<16xi32>
        %swap3A_225 = arith.constant 0 : i32
        %swap3A_226 = arith.index_cast %swap3A_225 : i32 to index
        %swap3A_227 = arith.constant 16 : index
        %swap3A_228 = tpu.vector_load %arg19[%swap3A_226, %swap3A_227] {strides = array<i32>} : memref<4x128xi32, #tpu.memory_space<vmem>>, vector<16xi32>,
        tpu.vector_store %arg19[%swap3A_226, %swap3A_227], %add3A_224 {strides = array<i32>} : memref<4x128xi32, #tpu.memory_space<vmem>>, vector<16xi32>,
        %add3A_229 = arith.constant 0 : i32
        %add3A_230 = vector.broadcast %add3A_229 : i32 to vector<16xi32>
        %add3A_231 = arith.addi %mul3A_221, %add3A_230 : vector<16xi32>
        %swap3A_232 = arith.constant 0 : i32
        %swap3A_233 = arith.index_cast %swap3A_232 : i32 to index
        %swap3A_234 = arith.constant 16 : index
        %swap3A_235 = tpu.vector_load %arg20[%swap3A_233, %swap3A_234] {strides = array<i32>} : memref<4x128xi32, #tpu.memory_space<vmem>>, vector<16xi32>,
        tpu.vector_store %arg20[%swap3A_233, %swap3A_234], %add3A_231 {strides = array<i32>} : memref<4x128xi32, #tpu.memory_space<vmem>>, vector<16xi32>,
        %add3A_236 = arith.constant 1 : i32
        %add3A_237 = vector.broadcast %add3A_236 : i32 to vector<16xi32>
        %add3A_238 = arith.addi %mul3A_218, %add3A_237 : vector<16xi32>
        %swap3A_239 = arith.constant 1 : i32
        %swap3A_240 = arith.index_cast %swap3A_239 : i32 to index
        %swap3A_241 = arith.constant 16 : index
        %swap3A_242 = tpu.vector_load %arg19[%swap3A_240, %swap3A_241] {strides = array<i32>} : memref<4x128xi32, #tpu.memory_space<vmem>>, vector<16xi32>,
        tpu.vector_store %arg19[%swap3A_240, %swap3A_241], %add3A_238 {strides = array<i32>} : memref<4x128xi32, #tpu.memory_space<vmem>>, vector<16xi32>,
        %add3A_243 = arith.constant 1 : i32
        %add3A_244 = vector.broadcast %add3A_243 : i32 to vector<16xi32>
        %add3A_245 = arith.addi %mul3A_221, %add3A_244 : vector<16xi32>
        %swap3A_246 = arith.constant 1 : i32
        %swap3A_247 = arith.index_cast %swap3A_246 : i32 to index
        %swap3A_248 = arith.constant 16 : index
        %swap3A_249 = tpu.vector_load %arg20[%swap3A_247, %swap3A_248] {strides = array<i32>} : memref<4x128xi32, #tpu.memory_space<vmem>>, vector<16xi32>,
        tpu.vector_store %arg20[%swap3A_247, %swap3A_248], %add3A_245 {strides = array<i32>} : memref<4x128xi32, #tpu.memory_space<vmem>>, vector<16xi32>,
        %add3A_250 = arith.constant 2 : i32
        %add3A_251 = vector.broadcast %add3A_250 : i32 to vector<16xi32>
        %add3A_252 = arith.addi %mul3A_218, %add3A_251 : vector<16xi32>
        %swap3A_253 = arith.constant 2 : i32
        %swap3A_254 = arith.index_cast %swap3A_253 : i32 to index
        %swap3A_255 = arith.constant 16 : index
        %swap3A_256 = tpu.vector_load %arg19[%swap3A_254, %swap3A_255] {strides = array<i32>} : memref<4x128xi32, #tpu.memory_space<vmem>>, vector<16xi32>,
        tpu.vector_store %arg19[%swap3A_254, %swap3A_255], %add3A_252 {strides = array<i32>} : memref<4x128xi32, #tpu.memory_space<vmem>>, vector<16xi32>,
        %add3A_257 = arith.constant 2 : i32
        %add3A_258 = vector.broadcast %add3A_257 : i32 to vector<16xi32>
        %add3A_259 = arith.addi %mul3A_221, %add3A_258 : vector<16xi32>
        %swap3A_260 = arith.constant 2 : i32
        %swap3A_261 = arith.index_cast %swap3A_260 : i32 to index
        %swap3A_262 = arith.constant 16 : index
        %swap3A_263 = tpu.vector_load %arg20[%swap3A_261, %swap3A_262] {strides = array<i32>} : memref<4x128xi32, #tpu.memory_space<vmem>>, vector<16xi32>,
        tpu.vector_store %arg20[%swap3A_261, %swap3A_262], %add3A_259 {strides = array<i32>} : memref<4x128xi32, #tpu.memory_space<vmem>>, vector<16xi32>,
        %add3A_264 = arith.constant 3 : i32
        %add3A_265 = vector.broadcast %add3A_264 : i32 to vector<16xi32>
        %add3A_266 = arith.addi %mul3A_218, %add3A_265 : vector<16xi32>
        %swap3A_267 = arith.constant 3 : i32
        %swap3A_268 = arith.index_cast %swap3A_267 : i32 to index
        %swap3A_269 = arith.constant 16 : index
        %swap3A_270 = tpu.vector_load %arg19[%swap3A_268, %swap3A_269] {strides = array<i32>} : memref<4x128xi32, #tpu.memory_space<vmem>>, vector<16xi32>,
        tpu.vector_store %arg19[%swap3A_268, %swap3A_269], %add3A_266 {strides = array<i32>} : memref<4x128xi32, #tpu.memory_space<vmem>>, vector<16xi32>,
        %add3A_271 = arith.constant 3 : i32
        %add3A_272 = vector.broadcast %add3A_271 : i32 to vector<16xi32>
        %add3A_273 = arith.addi %mul3A_221, %add3A_272 : vector<16xi32>
        %swap3A_274 = arith.constant 3 : i32
        %swap3A_275 = arith.index_cast %swap3A_274 : i32 to index
        %swap3A_276 = arith.constant 16 : index
        %swap3A_277 = tpu.vector_load %arg20[%swap3A_275, %swap3A_276] {strides = array<i32>} : memref<4x128xi32, #tpu.memory_space<vmem>>, vector<16xi32>,
        tpu.vector_store %arg20[%swap3A_275, %swap3A_276], %add3A_273 {strides = array<i32>} : memref<4x128xi32, #tpu.memory_space<vmem>>, vector<16xi32>,
        %get3A_278 = arith.constant 32 : index
        %get3A_279 = tpu.vector_load %arg13[%get3A_278] {strides = array<i32>} : memref<128xi32, #tpu.memory_space<vmem>>, vector<16xi32>,
        %get3A_280 = arith.constant 32 : index
        %get3A_281 = tpu.vector_load %arg14[%get3A_280] {strides = array<i32>} : memref<128xi32, #tpu.memory_space<vmem>>, vector<16xi32>,
        %eq3A_282 = arith.cmpi eq, %get3A_279, %get3A_281 : vector<16xi32>
        %broadcast_in_dim3A_283 = arith.constant 10000 : i32
        %broadcast_in_dim3A_284 = vector.broadcast %broadcast_in_dim3A_283 : i32 to vector<16xi32>
        %select_n3A_285 = arith.select %eq3A_282, %broadcast_in_dim3A_284, %get3A_281 : vector<16xi1>, vector<16xi32>
        %swap3A_286 = arith.constant 32 : index
        %swap3A_287 = tpu.vector_load %arg15[%swap3A_286] {strides = array<i32>} : memref<128xi32, #tpu.memory_space<vmem>>, vector<16xi32>,
        tpu.vector_store %arg15[%swap3A_286], %select_n3A_285 {strides = array<i32>} : memref<128xi32, #tpu.memory_space<vmem>>, vector<16xi32>,
        %mul3A_288 = arith.constant 4 : i32
        %mul3A_289 = vector.broadcast %mul3A_288 : i32 to vector<16xi32>
        %mul3A_290 = arith.muli %get3A_279, %mul3A_289 : vector<16xi32>
        %mul3A_291 = arith.constant 4 : i32
        %mul3A_292 = vector.broadcast %mul3A_291 : i32 to vector<16xi32>
        %mul3A_293 = arith.muli %select_n3A_285, %mul3A_292 : vector<16xi32>
        %add3A_294 = arith.constant 0 : i32
        %add3A_295 = vector.broadcast %add3A_294 : i32 to vector<16xi32>
        %add3A_296 = arith.addi %mul3A_290, %add3A_295 : vector<16xi32>
        %swap3A_297 = arith.constant 0 : i32
        %swap3A_298 = arith.index_cast %swap3A_297 : i32 to index
        %swap3A_299 = arith.constant 32 : index
        %swap3A_300 = tpu.vector_load %arg19[%swap3A_298, %swap3A_299] {strides = array<i32>} : memref<4x128xi32, #tpu.memory_space<vmem>>, vector<16xi32>,
        tpu.vector_store %arg19[%swap3A_298, %swap3A_299], %add3A_296 {strides = array<i32>} : memref<4x128xi32, #tpu.memory_space<vmem>>, vector<16xi32>,
        %add3A_301 = arith.constant 0 : i32
        %add3A_302 = vector.broadcast %add3A_301 : i32 to vector<16xi32>
        %add3A_303 = arith.addi %mul3A_293, %add3A_302 : vector<16xi32>
        %swap3A_304 = arith.constant 0 : i32
        %swap3A_305 = arith.index_cast %swap3A_304 : i32 to index
        %swap3A_306 = arith.constant 32 : index
        %swap3A_307 = tpu.vector_load %arg20[%swap3A_305, %swap3A_306] {strides = array<i32>} : memref<4x128xi32, #tpu.memory_space<vmem>>, vector<16xi32>,
        tpu.vector_store %arg20[%swap3A_305, %swap3A_306], %add3A_303 {strides = array<i32>} : memref<4x128xi32, #tpu.memory_space<vmem>>, vector<16xi32>,
        %add3A_308 = arith.constant 1 : i32
        %add3A_309 = vector.broadcast %add3A_308 : i32 to vector<16xi32>
        %add3A_310 = arith.addi %mul3A_290, %add3A_309 : vector<16xi32>
        %swap3A_311 = arith.constant 1 : i32
        %swap3A_312 = arith.index_cast %swap3A_311 : i32 to index
        %swap3A_313 = arith.constant 32 : index
        %swap3A_314 = tpu.vector_load %arg19[%swap3A_312, %swap3A_313] {strides = array<i32>} : memref<4x128xi32, #tpu.memory_space<vmem>>, vector<16xi32>,
        tpu.vector_store %arg19[%swap3A_312, %swap3A_313], %add3A_310 {strides = array<i32>} : memref<4x128xi32, #tpu.memory_space<vmem>>, vector<16xi32>,
        %add3A_315 = arith.constant 1 : i32
        %add3A_316 = vector.broadcast %add3A_315 : i32 to vector<16xi32>
        %add3A_317 = arith.addi %mul3A_293, %add3A_316 : vector<16xi32>
        %swap3A_318 = arith.constant 1 : i32
        %swap3A_319 = arith.index_cast %swap3A_318 : i32 to index
        %swap3A_320 = arith.constant 32 : index
        %swap3A_321 = tpu.vector_load %arg20[%swap3A_319, %swap3A_320] {strides = array<i32>} : memref<4x128xi32, #tpu.memory_space<vmem>>, vector<16xi32>,
        tpu.vector_store %arg20[%swap3A_319, %swap3A_320], %add3A_317 {strides = array<i32>} : memref<4x128xi32, #tpu.memory_space<vmem>>, vector<16xi32>,
        %add3A_322 = arith.constant 2 : i32
        %add3A_323 = vector.broadcast %add3A_322 : i32 to vector<16xi32>
        %add3A_324 = arith.addi %mul3A_290, %add3A_323 : vector<16xi32>
        %swap3A_325 = arith.constant 2 : i32
        %swap3A_326 = arith.index_cast %swap3A_325 : i32 to index
        %swap3A_327 = arith.constant 32 : index
        %swap3A_328 = tpu.vector_load %arg19[%swap3A_326, %swap3A_327] {strides = array<i32>} : memref<4x128xi32, #tpu.memory_space<vmem>>, vector<16xi32>,
        tpu.vector_store %arg19[%swap3A_326, %swap3A_327], %add3A_324 {strides = array<i32>} : memref<4x128xi32, #tpu.memory_space<vmem>>, vector<16xi32>,
        %add3A_329 = arith.constant 2 : i32
        %add3A_330 = vector.broadcast %add3A_329 : i32 to vector<16xi32>
        %add3A_331 = arith.addi %mul3A_293, %add3A_330 : vector<16xi32>
        %swap3A_332 = arith.constant 2 : i32
        %swap3A_333 = arith.index_cast %swap3A_332 : i32 to index
        %swap3A_334 = arith.constant 32 : index
        %swap3A_335 = tpu.vector_load %arg20[%swap3A_333, %swap3A_334] {strides = array<i32>} : memref<4x128xi32, #tpu.memory_space<vmem>>, vector<16xi32>,
        tpu.vector_store %arg20[%swap3A_333, %swap3A_334], %add3A_331 {strides = array<i32>} : memref<4x128xi32, #tpu.memory_space<vmem>>, vector<16xi32>,
        %add3A_336 = arith.constant 3 : i32
        %add3A_337 = vector.broadcast %add3A_336 : i32 to vector<16xi32>
        %add3A_338 = arith.addi %mul3A_290, %add3A_337 : vector<16xi32>
        %swap3A_339 = arith.constant 3 : i32
        %swap3A_340 = arith.index_cast %swap3A_339 : i32 to index
        %swap3A_341 = arith.constant 32 : index
        %swap3A_342 = tpu.vector_load %arg19[%swap3A_340, %swap3A_341] {strides = array<i32>} : memref<4x128xi32, #tpu.memory_space<vmem>>, vector<16xi32>,
        tpu.vector_store %arg19[%swap3A_340, %swap3A_341], %add3A_338 {strides = array<i32>} : memref<4x128xi32, #tpu.memory_space<vmem>>, vector<16xi32>,
        %add3A_343 = arith.constant 3 : i32
        %add3A_344 = vector.broadcast %add3A_343 : i32 to vector<16xi32>
        %add3A_345 = arith.addi %mul3A_293, %add3A_344 : vector<16xi32>
        %swap3A_346 = arith.constant 3 : i32
        %swap3A_347 = arith.index_cast %swap3A_346 : i32 to index
        %swap3A_348 = arith.constant 32 : index
        %swap3A_349 = tpu.vector_load %arg20[%swap3A_347, %swap3A_348] {strides = array<i32>} : memref<4x128xi32, #tpu.memory_space<vmem>>, vector<16xi32>,
        tpu.vector_store %arg20[%swap3A_347, %swap3A_348], %add3A_345 {strides = array<i32>} : memref<4x128xi32, #tpu.memory_space<vmem>>, vector<16xi32>,
        %get3A_350 = arith.constant 48 : index
        %get3A_351 = tpu.vector_load %arg13[%get3A_350] {strides = array<i32>} : memref<128xi32, #tpu.memory_space<vmem>>, vector<16xi32>,
        %get3A_352 = arith.constant 48 : index
        %get3A_353 = tpu.vector_load %arg14[%get3A_352] {strides = array<i32>} : memref<128xi32, #tpu.memory_space<vmem>>, vector<16xi32>,
        %eq3A_354 = arith.cmpi eq, %get3A_351, %get3A_353 : vector<16xi32>
        %broadcast_in_dim3A_355 = arith.constant 10000 : i32
        %broadcast_in_dim3A_356 = vector.broadcast %broadcast_in_dim3A_355 : i32 to vector<16xi32>
        %select_n3A_357 = arith.select %eq3A_354, %broadcast_in_dim3A_356, %get3A_353 : vector<16xi1>, vector<16xi32>
        %swap3A_358 = arith.constant 48 : index
        %swap3A_359 = tpu.vector_load %arg15[%swap3A_358] {strides = array<i32>} : memref<128xi32, #tpu.memory_space<vmem>>, vector<16xi32>,
        tpu.vector_store %arg15[%swap3A_358], %select_n3A_357 {strides = array<i32>} : memref<128xi32, #tpu.memory_space<vmem>>, vector<16xi32>,
        %mul3A_360 = arith.constant 4 : i32
        %mul3A_361 = vector.broadcast %mul3A_360 : i32 to vector<16xi32>
        %mul3A_362 = arith.muli %get3A_351, %mul3A_361 : vector<16xi32>
        %mul3A_363 = arith.constant 4 : i32
        %mul3A_364 = vector.broadcast %mul3A_363 : i32 to vector<16xi32>
        %mul3A_365 = arith.muli %select_n3A_357, %mul3A_364 : vector<16xi32>
        %add3A_366 = arith.constant 0 : i32
        %add3A_367 = vector.broadcast %add3A_366 : i32 to vector<16xi32>
        %add3A_368 = arith.addi %mul3A_362, %add3A_367 : vector<16xi32>
        %swap3A_369 = arith.constant 0 : i32
        %swap3A_370 = arith.index_cast %swap3A_369 : i32 to index
        %swap3A_371 = arith.constant 48 : index
        %swap3A_372 = tpu.vector_load %arg19[%swap3A_370, %swap3A_371] {strides = array<i32>} : memref<4x128xi32, #tpu.memory_space<vmem>>, vector<16xi32>,
        tpu.vector_store %arg19[%swap3A_370, %swap3A_371], %add3A_368 {strides = array<i32>} : memref<4x128xi32, #tpu.memory_space<vmem>>, vector<16xi32>,
        %add3A_373 = arith.constant 0 : i32
        %add3A_374 = vector.broadcast %add3A_373 : i32 to vector<16xi32>
        %add3A_375 = arith.addi %mul3A_365, %add3A_374 : vector<16xi32>
        %swap3A_376 = arith.constant 0 : i32
        %swap3A_377 = arith.index_cast %swap3A_376 : i32 to index
        %swap3A_378 = arith.constant 48 : index
        %swap3A_379 = tpu.vector_load %arg20[%swap3A_377, %swap3A_378] {strides = array<i32>} : memref<4x128xi32, #tpu.memory_space<vmem>>, vector<16xi32>,
        tpu.vector_store %arg20[%swap3A_377, %swap3A_378], %add3A_375 {strides = array<i32>} : memref<4x128xi32, #tpu.memory_space<vmem>>, vector<16xi32>,
        %add3A_380 = arith.constant 1 : i32
        %add3A_381 = vector.broadcast %add3A_380 : i32 to vector<16xi32>
        %add3A_382 = arith.addi %mul3A_362, %add3A_381 : vector<16xi32>
        %swap3A_383 = arith.constant 1 : i32
        %swap3A_384 = arith.index_cast %swap3A_383 : i32 to index
        %swap3A_385 = arith.constant 48 : index
        %swap3A_386 = tpu.vector_load %arg19[%swap3A_384, %swap3A_385] {strides = array<i32>} : memref<4x128xi32, #tpu.memory_space<vmem>>, vector<16xi32>,
        tpu.vector_store %arg19[%swap3A_384, %swap3A_385], %add3A_382 {strides = array<i32>} : memref<4x128xi32, #tpu.memory_space<vmem>>, vector<16xi32>,
        %add3A_387 = arith.constant 1 : i32
        %add3A_388 = vector.broadcast %add3A_387 : i32 to vector<16xi32>
        %add3A_389 = arith.addi %mul3A_365, %add3A_388 : vector<16xi32>
        %swap3A_390 = arith.constant 1 : i32
        %swap3A_391 = arith.index_cast %swap3A_390 : i32 to index
        %swap3A_392 = arith.constant 48 : index
        %swap3A_393 = tpu.vector_load %arg20[%swap3A_391, %swap3A_392] {strides = array<i32>} : memref<4x128xi32, #tpu.memory_space<vmem>>, vector<16xi32>,
        tpu.vector_store %arg20[%swap3A_391, %swap3A_392], %add3A_389 {strides = array<i32>} : memref<4x128xi32, #tpu.memory_space<vmem>>, vector<16xi32>,
        %add3A_394 = arith.constant 2 : i32
        %add3A_395 = vector.broadcast %add3A_394 : i32 to vector<16xi32>
        %add3A_396 = arith.addi %mul3A_362, %add3A_395 : vector<16xi32>
        %swap3A_397 = arith.constant 2 : i32
        %swap3A_398 = arith.index_cast %swap3A_397 : i32 to index
        %swap3A_399 = arith.constant 48 : index
        %swap3A_400 = tpu.vector_load %arg19[%swap3A_398, %swap3A_399] {strides = array<i32>} : memref<4x128xi32, #tpu.memory_space<vmem>>, vector<16xi32>,
        tpu.vector_store %arg19[%swap3A_398, %swap3A_399], %add3A_396 {strides = array<i32>} : memref<4x128xi32, #tpu.memory_space<vmem>>, vector<16xi32>,
        %add3A_401 = arith.constant 2 : i32
        %add3A_402 = vector.broadcast %add3A_401 : i32 to vector<16xi32>
        %add3A_403 = arith.addi %mul3A_365, %add3A_402 : vector<16xi32>
        %swap3A_404 = arith.constant 2 : i32
        %swap3A_405 = arith.index_cast %swap3A_404 : i32 to index
        %swap3A_406 = arith.constant 48 : index
        %swap3A_407 = tpu.vector_load %arg20[%swap3A_405, %swap3A_406] {strides = array<i32>} : memref<4x128xi32, #tpu.memory_space<vmem>>, vector<16xi32>,
        tpu.vector_store %arg20[%swap3A_405, %swap3A_406], %add3A_403 {strides = array<i32>} : memref<4x128xi32, #tpu.memory_space<vmem>>, vector<16xi32>,
        %add3A_408 = arith.constant 3 : i32
        %add3A_409 = vector.broadcast %add3A_408 : i32 to vector<16xi32>
        %add3A_410 = arith.addi %mul3A_362, %add3A_409 : vector<16xi32>
        %swap3A_411 = arith.constant 3 : i32
        %swap3A_412 = arith.index_cast %swap3A_411 : i32 to index
        %swap3A_413 = arith.constant 48 : index
        %swap3A_414 = tpu.vector_load %arg19[%swap3A_412, %swap3A_413] {strides = array<i32>} : memref<4x128xi32, #tpu.memory_space<vmem>>, vector<16xi32>,
        tpu.vector_store %arg19[%swap3A_412, %swap3A_413], %add3A_410 {strides = array<i32>} : memref<4x128xi32, #tpu.memory_space<vmem>>, vector<16xi32>,
        %add3A_415 = arith.constant 3 : i32
        %add3A_416 = vector.broadcast %add3A_415 : i32 to vector<16xi32>
        %add3A_417 = arith.addi %mul3A_365, %add3A_416 : vector<16xi32>
        %swap3A_418 = arith.constant 3 : i32
        %swap3A_419 = arith.index_cast %swap3A_418 : i32 to index
        %swap3A_420 = arith.constant 48 : index
        %swap3A_421 = tpu.vector_load %arg20[%swap3A_419, %swap3A_420] {strides = array<i32>} : memref<4x128xi32, #tpu.memory_space<vmem>>, vector<16xi32>,
        tpu.vector_store %arg20[%swap3A_419, %swap3A_420], %add3A_417 {strides = array<i32>} : memref<4x128xi32, #tpu.memory_space<vmem>>, vector<16xi32>,
        %get3A_422 = arith.constant 64 : index
        %get3A_423 = tpu.vector_load %arg13[%get3A_422] {strides = array<i32>} : memref<128xi32, #tpu.memory_space<vmem>>, vector<16xi32>,
        %get3A_424 = arith.constant 64 : index
        %get3A_425 = tpu.vector_load %arg14[%get3A_424] {strides = array<i32>} : memref<128xi32, #tpu.memory_space<vmem>>, vector<16xi32>,
        %eq3A_426 = arith.cmpi eq, %get3A_423, %get3A_425 : vector<16xi32>
        %broadcast_in_dim3A_427 = arith.constant 10000 : i32
        %broadcast_in_dim3A_428 = vector.broadcast %broadcast_in_dim3A_427 : i32 to vector<16xi32>
        %select_n3A_429 = arith.select %eq3A_426, %broadcast_in_dim3A_428, %get3A_425 : vector<16xi1>, vector<16xi32>
        %swap3A_430 = arith.constant 64 : index
        %swap3A_431 = tpu.vector_load %arg15[%swap3A_430] {strides = array<i32>} : memref<128xi32, #tpu.memory_space<vmem>>, vector<16xi32>,
        tpu.vector_store %arg15[%swap3A_430], %select_n3A_429 {strides = array<i32>} : memref<128xi32, #tpu.memory_space<vmem>>, vector<16xi32>,
        %mul3A_432 = arith.constant 4 : i32
        %mul3A_433 = vector.broadcast %mul3A_432 : i32 to vector<16xi32>
        %mul3A_434 = arith.muli %get3A_423, %mul3A_433 : vector<16xi32>
        %mul3A_435 = arith.constant 4 : i32
        %mul3A_436 = vector.broadcast %mul3A_435 : i32 to vector<16xi32>
        %mul3A_437 = arith.muli %select_n3A_429, %mul3A_436 : vector<16xi32>
        %add3A_438 = arith.constant 0 : i32
        %add3A_439 = vector.broadcast %add3A_438 : i32 to vector<16xi32>
        %add3A_440 = arith.addi %mul3A_434, %add3A_439 : vector<16xi32>
        %swap3A_441 = arith.constant 0 : i32
        %swap3A_442 = arith.index_cast %swap3A_441 : i32 to index
        %swap3A_443 = arith.constant 64 : index
        %swap3A_444 = tpu.vector_load %arg19[%swap3A_442, %swap3A_443] {strides = array<i32>} : memref<4x128xi32, #tpu.memory_space<vmem>>, vector<16xi32>,
        tpu.vector_store %arg19[%swap3A_442, %swap3A_443], %add3A_440 {strides = array<i32>} : memref<4x128xi32, #tpu.memory_space<vmem>>, vector<16xi32>,
        %add3A_445 = arith.constant 0 : i32
        %add3A_446 = vector.broadcast %add3A_445 : i32 to vector<16xi32>
        %add3A_447 = arith.addi %mul3A_437, %add3A_446 : vector<16xi32>
        %swap3A_448 = arith.constant 0 : i32
        %swap3A_449 = arith.index_cast %swap3A_448 : i32 to index
        %swap3A_450 = arith.constant 64 : index
        %swap3A_451 = tpu.vector_load %arg20[%swap3A_449, %swap3A_450] {strides = array<i32>} : memref<4x128xi32, #tpu.memory_space<vmem>>, vector<16xi32>,
        tpu.vector_store %arg20[%swap3A_449, %swap3A_450], %add3A_447 {strides = array<i32>} : memref<4x128xi32, #tpu.memory_space<vmem>>, vector<16xi32>,
        %add3A_452 = arith.constant 1 : i32
        %add3A_453 = vector.broadcast %add3A_452 : i32 to vector<16xi32>
        %add3A_454 = arith.addi %mul3A_434, %add3A_453 : vector<16xi32>
        %swap3A_455 = arith.constant 1 : i32
        %swap3A_456 = arith.index_cast %swap3A_455 : i32 to index
        %swap3A_457 = arith.constant 64 : index
        %swap3A_458 = tpu.vector_load %arg19[%swap3A_456, %swap3A_457] {strides = array<i32>} : memref<4x128xi32, #tpu.memory_space<vmem>>, vector<16xi32>,
        tpu.vector_store %arg19[%swap3A_456, %swap3A_457], %add3A_454 {strides = array<i32>} : memref<4x128xi32, #tpu.memory_space<vmem>>, vector<16xi32>,
        %add3A_459 = arith.constant 1 : i32
        %add3A_460 = vector.broadcast %add3A_459 : i32 to vector<16xi32>
        %add3A_461 = arith.addi %mul3A_437, %add3A_460 : vector<16xi32>
        %swap3A_462 = arith.constant 1 : i32
        %swap3A_463 = arith.index_cast %swap3A_462 : i32 to index
        %swap3A_464 = arith.constant 64 : index
        %swap3A_465 = tpu.vector_load %arg20[%swap3A_463, %swap3A_464] {strides = array<i32>} : memref<4x128xi32, #tpu.memory_space<vmem>>, vector<16xi32>,
        tpu.vector_store %arg20[%swap3A_463, %swap3A_464], %add3A_461 {strides = array<i32>} : memref<4x128xi32, #tpu.memory_space<vmem>>, vector<16xi32>,
        %add3A_466 = arith.constant 2 : i32
        %add3A_467 = vector.broadcast %add3A_466 : i32 to vector<16xi32>
        %add3A_468 = arith.addi %mul3A_434, %add3A_467 : vector<16xi32>
        %swap3A_469 = arith.constant 2 : i32
        %swap3A_470 = arith.index_cast %swap3A_469 : i32 to index
        %swap3A_471 = arith.constant 64 : index
        %swap3A_472 = tpu.vector_load %arg19[%swap3A_470, %swap3A_471] {strides = array<i32>} : memref<4x128xi32, #tpu.memory_space<vmem>>, vector<16xi32>,
        tpu.vector_store %arg19[%swap3A_470, %swap3A_471], %add3A_468 {strides = array<i32>} : memref<4x128xi32, #tpu.memory_space<vmem>>, vector<16xi32>,
        %add3A_473 = arith.constant 2 : i32
        %add3A_474 = vector.broadcast %add3A_473 : i32 to vector<16xi32>
        %add3A_475 = arith.addi %mul3A_437, %add3A_474 : vector<16xi32>
        %swap3A_476 = arith.constant 2 : i32
        %swap3A_477 = arith.index_cast %swap3A_476 : i32 to index
        %swap3A_478 = arith.constant 64 : index
        %swap3A_479 = tpu.vector_load %arg20[%swap3A_477, %swap3A_478] {strides = array<i32>} : memref<4x128xi32, #tpu.memory_space<vmem>>, vector<16xi32>,
        tpu.vector_store %arg20[%swap3A_477, %swap3A_478], %add3A_475 {strides = array<i32>} : memref<4x128xi32, #tpu.memory_space<vmem>>, vector<16xi32>,
        %add3A_480 = arith.constant 3 : i32
        %add3A_481 = vector.broadcast %add3A_480 : i32 to vector<16xi32>
        %add3A_482 = arith.addi %mul3A_434, %add3A_481 : vector<16xi32>
        %swap3A_483 = arith.constant 3 : i32
        %swap3A_484 = arith.index_cast %swap3A_483 : i32 to index
        %swap3A_485 = arith.constant 64 : index
        %swap3A_486 = tpu.vector_load %arg19[%swap3A_484, %swap3A_485] {strides = array<i32>} : memref<4x128xi32, #tpu.memory_space<vmem>>, vector<16xi32>,
        tpu.vector_store %arg19[%swap3A_484, %swap3A_485], %add3A_482 {strides = array<i32>} : memref<4x128xi32, #tpu.memory_space<vmem>>, vector<16xi32>,
        %add3A_487 = arith.constant 3 : i32
        %add3A_488 = vector.broadcast %add3A_487 : i32 to vector<16xi32>
        %add3A_489 = arith.addi %mul3A_437, %add3A_488 : vector<16xi32>
        %swap3A_490 = arith.constant 3 : i32
        %swap3A_491 = arith.index_cast %swap3A_490 : i32 to index
        %swap3A_492 = arith.constant 64 : index
        %swap3A_493 = tpu.vector_load %arg20[%swap3A_491, %swap3A_492] {strides = array<i32>} : memref<4x128xi32, #tpu.memory_space<vmem>>, vector<16xi32>,
        tpu.vector_store %arg20[%swap3A_491, %swap3A_492], %add3A_489 {strides = array<i32>} : memref<4x128xi32, #tpu.memory_space<vmem>>, vector<16xi32>,
        %get3A_494 = arith.constant 80 : index
        %get3A_495 = tpu.vector_load %arg13[%get3A_494] {strides = array<i32>} : memref<128xi32, #tpu.memory_space<vmem>>, vector<16xi32>,
        %get3A_496 = arith.constant 80 : index
        %get3A_497 = tpu.vector_load %arg14[%get3A_496] {strides = array<i32>} : memref<128xi32, #tpu.memory_space<vmem>>, vector<16xi32>,
        %eq3A_498 = arith.cmpi eq, %get3A_495, %get3A_497 : vector<16xi32>
        %broadcast_in_dim3A_499 = arith.constant 10000 : i32
        %broadcast_in_dim3A_500 = vector.broadcast %broadcast_in_dim3A_499 : i32 to vector<16xi32>
        %select_n3A_501 = arith.select %eq3A_498, %broadcast_in_dim3A_500, %get3A_497 : vector<16xi1>, vector<16xi32>
        %swap3A_502 = arith.constant 80 : index
        %swap3A_503 = tpu.vector_load %arg15[%swap3A_502] {strides = array<i32>} : memref<128xi32, #tpu.memory_space<vmem>>, vector<16xi32>,
        tpu.vector_store %arg15[%swap3A_502], %select_n3A_501 {strides = array<i32>} : memref<128xi32, #tpu.memory_space<vmem>>, vector<16xi32>,
        %mul3A_504 = arith.constant 4 : i32
        %mul3A_505 = vector.broadcast %mul3A_504 : i32 to vector<16xi32>
        %mul3A_506 = arith.muli %get3A_495, %mul3A_505 : vector<16xi32>
        %mul3A_507 = arith.constant 4 : i32
        %mul3A_508 = vector.broadcast %mul3A_507 : i32 to vector<16xi32>
        %mul3A_509 = arith.muli %select_n3A_501, %mul3A_508 : vector<16xi32>
        %add3A_510 = arith.constant 0 : i32
        %add3A_511 = vector.broadcast %add3A_510 : i32 to vector<16xi32>
        %add3A_512 = arith.addi %mul3A_506, %add3A_511 : vector<16xi32>
        %swap3A_513 = arith.constant 0 : i32
        %swap3A_514 = arith.index_cast %swap3A_513 : i32 to index
        %swap3A_515 = arith.constant 80 : index
        %swap3A_516 = tpu.vector_load %arg19[%swap3A_514, %swap3A_515] {strides = array<i32>} : memref<4x128xi32, #tpu.memory_space<vmem>>, vector<16xi32>,
        tpu.vector_store %arg19[%swap3A_514, %swap3A_515], %add3A_512 {strides = array<i32>} : memref<4x128xi32, #tpu.memory_space<vmem>>, vector<16xi32>,
        %add3A_517 = arith.constant 0 : i32
        %add3A_518 = vector.broadcast %add3A_517 : i32 to vector<16xi32>
        %add3A_519 = arith.addi %mul3A_509, %add3A_518 : vector<16xi32>
        %swap3A_520 = arith.constant 0 : i32
        %swap3A_521 = arith.index_cast %swap3A_520 : i32 to index
        %swap3A_522 = arith.constant 80 : index
        %swap3A_523 = tpu.vector_load %arg20[%swap3A_521, %swap3A_522] {strides = array<i32>} : memref<4x128xi32, #tpu.memory_space<vmem>>, vector<16xi32>,
        tpu.vector_store %arg20[%swap3A_521, %swap3A_522], %add3A_519 {strides = array<i32>} : memref<4x128xi32, #tpu.memory_space<vmem>>, vector<16xi32>,
        %add3A_524 = arith.constant 1 : i32
        %add3A_525 = vector.broadcast %add3A_524 : i32 to vector<16xi32>
        %add3A_526 = arith.addi %mul3A_506, %add3A_525 : vector<16xi32>
        %swap3A_527 = arith.constant 1 : i32
        %swap3A_528 = arith.index_cast %swap3A_527 : i32 to index
        %swap3A_529 = arith.constant 80 : index
        %swap3A_530 = tpu.vector_load %arg19[%swap3A_528, %swap3A_529] {strides = array<i32>} : memref<4x128xi32, #tpu.memory_space<vmem>>, vector<16xi32>,
        tpu.vector_store %arg19[%swap3A_528, %swap3A_529], %add3A_526 {strides = array<i32>} : memref<4x128xi32, #tpu.memory_space<vmem>>, vector<16xi32>,
        %add3A_531 = arith.constant 1 : i32
        %add3A_532 = vector.broadcast %add3A_531 : i32 to vector<16xi32>
        %add3A_533 = arith.addi %mul3A_509, %add3A_532 : vector<16xi32>
        %swap3A_534 = arith.constant 1 : i32
        %swap3A_535 = arith.index_cast %swap3A_534 : i32 to index
        %swap3A_536 = arith.constant 80 : index
        %swap3A_537 = tpu.vector_load %arg20[%swap3A_535, %swap3A_536] {strides = array<i32>} : memref<4x128xi32, #tpu.memory_space<vmem>>, vector<16xi32>,
        tpu.vector_store %arg20[%swap3A_535, %swap3A_536], %add3A_533 {strides = array<i32>} : memref<4x128xi32, #tpu.memory_space<vmem>>, vector<16xi32>,
        %add3A_538 = arith.constant 2 : i32
        %add3A_539 = vector.broadcast %add3A_538 : i32 to vector<16xi32>
        %add3A_540 = arith.addi %mul3A_506, %add3A_539 : vector<16xi32>
        %swap3A_541 = arith.constant 2 : i32
        %swap3A_542 = arith.index_cast %swap3A_541 : i32 to index
        %swap3A_543 = arith.constant 80 : index
        %swap3A_544 = tpu.vector_load %arg19[%swap3A_542, %swap3A_543] {strides = array<i32>} : memref<4x128xi32, #tpu.memory_space<vmem>>, vector<16xi32>,
        tpu.vector_store %arg19[%swap3A_542, %swap3A_543], %add3A_540 {strides = array<i32>} : memref<4x128xi32, #tpu.memory_space<vmem>>, vector<16xi32>,
        %add3A_545 = arith.constant 2 : i32
        %add3A_546 = vector.broadcast %add3A_545 : i32 to vector<16xi32>
        %add3A_547 = arith.addi %mul3A_509, %add3A_546 : vector<16xi32>
        %swap3A_548 = arith.constant 2 : i32
        %swap3A_549 = arith.index_cast %swap3A_548 : i32 to index
        %swap3A_550 = arith.constant 80 : index
        %swap3A_551 = tpu.vector_load %arg20[%swap3A_549, %swap3A_550] {strides = array<i32>} : memref<4x128xi32, #tpu.memory_space<vmem>>, vector<16xi32>,
        tpu.vector_store %arg20[%swap3A_549, %swap3A_550], %add3A_547 {strides = array<i32>} : memref<4x128xi32, #tpu.memory_space<vmem>>, vector<16xi32>,
        %add3A_552 = arith.constant 3 : i32
        %add3A_553 = vector.broadcast %add3A_552 : i32 to vector<16xi32>
        %add3A_554 = arith.addi %mul3A_506, %add3A_553 : vector<16xi32>
        %swap3A_555 = arith.constant 3 : i32
        %swap3A_556 = arith.index_cast %swap3A_555 : i32 to index
        %swap3A_557 = arith.constant 80 : index
        %swap3A_558 = tpu.vector_load %arg19[%swap3A_556, %swap3A_557] {strides = array<i32>} : memref<4x128xi32, #tpu.memory_space<vmem>>, vector<16xi32>,
        tpu.vector_store %arg19[%swap3A_556, %swap3A_557], %add3A_554 {strides = array<i32>} : memref<4x128xi32, #tpu.memory_space<vmem>>, vector<16xi32>,
        %add3A_559 = arith.constant 3 : i32
        %add3A_560 = vector.broadcast %add3A_559 : i32 to vector<16xi32>
        %add3A_561 = arith.addi %mul3A_509, %add3A_560 : vector<16xi32>
        %swap3A_562 = arith.constant 3 : i32
        %swap3A_563 = arith.index_cast %swap3A_562 : i32 to index
        %swap3A_564 = arith.constant 80 : index
        %swap3A_565 = tpu.vector_load %arg20[%swap3A_563, %swap3A_564] {strides = array<i32>} : memref<4x128xi32, #tpu.memory_space<vmem>>, vector<16xi32>,
        tpu.vector_store %arg20[%swap3A_563, %swap3A_564], %add3A_561 {strides = array<i32>} : memref<4x128xi32, #tpu.memory_space<vmem>>, vector<16xi32>,
        %get3A_566 = arith.constant 96 : index
        %get3A_567 = tpu.vector_load %arg13[%get3A_566] {strides = array<i32>} : memref<128xi32, #tpu.memory_space<vmem>>, vector<16xi32>,
        %get3A_568 = arith.constant 96 : index
        %get3A_569 = tpu.vector_load %arg14[%get3A_568] {strides = array<i32>} : memref<128xi32, #tpu.memory_space<vmem>>, vector<16xi32>,
        %eq3A_570 = arith.cmpi eq, %get3A_567, %get3A_569 : vector<16xi32>
        %broadcast_in_dim3A_571 = arith.constant 10000 : i32
        %broadcast_in_dim3A_572 = vector.broadcast %broadcast_in_dim3A_571 : i32 to vector<16xi32>
        %select_n3A_573 = arith.select %eq3A_570, %broadcast_in_dim3A_572, %get3A_569 : vector<16xi1>, vector<16xi32>
        %swap3A_574 = arith.constant 96 : index
        %swap3A_575 = tpu.vector_load %arg15[%swap3A_574] {strides = array<i32>} : memref<128xi32, #tpu.memory_space<vmem>>, vector<16xi32>,
        tpu.vector_store %arg15[%swap3A_574], %select_n3A_573 {strides = array<i32>} : memref<128xi32, #tpu.memory_space<vmem>>, vector<16xi32>,
        %mul3A_576 = arith.constant 4 : i32
        %mul3A_577 = vector.broadcast %mul3A_576 : i32 to vector<16xi32>
        %mul3A_578 = arith.muli %get3A_567, %mul3A_577 : vector<16xi32>
        %mul3A_579 = arith.constant 4 : i32
        %mul3A_580 = vector.broadcast %mul3A_579 : i32 to vector<16xi32>
        %mul3A_581 = arith.muli %select_n3A_573, %mul3A_580 : vector<16xi32>
        %add3A_582 = arith.constant 0 : i32
        %add3A_583 = vector.broadcast %add3A_582 : i32 to vector<16xi32>
        %add3A_584 = arith.addi %mul3A_578, %add3A_583 : vector<16xi32>
        %swap3A_585 = arith.constant 0 : i32
        %swap3A_586 = arith.index_cast %swap3A_585 : i32 to index
        %swap3A_587 = arith.constant 96 : index
        %swap3A_588 = tpu.vector_load %arg19[%swap3A_586, %swap3A_587] {strides = array<i32>} : memref<4x128xi32, #tpu.memory_space<vmem>>, vector<16xi32>,
        tpu.vector_store %arg19[%swap3A_586, %swap3A_587], %add3A_584 {strides = array<i32>} : memref<4x128xi32, #tpu.memory_space<vmem>>, vector<16xi32>,
        %add3A_589 = arith.constant 0 : i32
        %add3A_590 = vector.broadcast %add3A_589 : i32 to vector<16xi32>
        %add3A_591 = arith.addi %mul3A_581, %add3A_590 : vector<16xi32>
        %swap3A_592 = arith.constant 0 : i32
        %swap3A_593 = arith.index_cast %swap3A_592 : i32 to index
        %swap3A_594 = arith.constant 96 : index
        %swap3A_595 = tpu.vector_load %arg20[%swap3A_593, %swap3A_594] {strides = array<i32>} : memref<4x128xi32, #tpu.memory_space<vmem>>, vector<16xi32>,
        tpu.vector_store %arg20[%swap3A_593, %swap3A_594], %add3A_591 {strides = array<i32>} : memref<4x128xi32, #tpu.memory_space<vmem>>, vector<16xi32>,
        %add3A_596 = arith.constant 1 : i32
        %add3A_597 = vector.broadcast %add3A_596 : i32 to vector<16xi32>
        %add3A_598 = arith.addi %mul3A_578, %add3A_597 : vector<16xi32>
        %swap3A_599 = arith.constant 1 : i32
        %swap3A_600 = arith.index_cast %swap3A_599 : i32 to index
        %swap3A_601 = arith.constant 96 : index
        %swap3A_602 = tpu.vector_load %arg19[%swap3A_600, %swap3A_601] {strides = array<i32>} : memref<4x128xi32, #tpu.memory_space<vmem>>, vector<16xi32>,
        tpu.vector_store %arg19[%swap3A_600, %swap3A_601], %add3A_598 {strides = array<i32>} : memref<4x128xi32, #tpu.memory_space<vmem>>, vector<16xi32>,
        %add3A_603 = arith.constant 1 : i32
        %add3A_604 = vector.broadcast %add3A_603 : i32 to vector<16xi32>
        %add3A_605 = arith.addi %mul3A_581, %add3A_604 : vector<16xi32>
        %swap3A_606 = arith.constant 1 : i32
        %swap3A_607 = arith.index_cast %swap3A_606 : i32 to index
        %swap3A_608 = arith.constant 96 : index
        %swap3A_609 = tpu.vector_load %arg20[%swap3A_607, %swap3A_608] {strides = array<i32>} : memref<4x128xi32, #tpu.memory_space<vmem>>, vector<16xi32>,
        tpu.vector_store %arg20[%swap3A_607, %swap3A_608], %add3A_605 {strides = array<i32>} : memref<4x128xi32, #tpu.memory_space<vmem>>, vector<16xi32>,
        %add3A_610 = arith.constant 2 : i32
        %add3A_611 = vector.broadcast %add3A_610 : i32 to vector<16xi32>
        %add3A_612 = arith.addi %mul3A_578, %add3A_611 : vector<16xi32>
        %swap3A_613 = arith.constant 2 : i32
        %swap3A_614 = arith.index_cast %swap3A_613 : i32 to index
        %swap3A_615 = arith.constant 96 : index
        %swap3A_616 = tpu.vector_load %arg19[%swap3A_614, %swap3A_615] {strides = array<i32>} : memref<4x128xi32, #tpu.memory_space<vmem>>, vector<16xi32>,
        tpu.vector_store %arg19[%swap3A_614, %swap3A_615], %add3A_612 {strides = array<i32>} : memref<4x128xi32, #tpu.memory_space<vmem>>, vector<16xi32>,
        %add3A_617 = arith.constant 2 : i32
        %add3A_618 = vector.broadcast %add3A_617 : i32 to vector<16xi32>
        %add3A_619 = arith.addi %mul3A_581, %add3A_618 : vector<16xi32>
        %swap3A_620 = arith.constant 2 : i32
        %swap3A_621 = arith.index_cast %swap3A_620 : i32 to index
        %swap3A_622 = arith.constant 96 : index
        %swap3A_623 = tpu.vector_load %arg20[%swap3A_621, %swap3A_622] {strides = array<i32>} : memref<4x128xi32, #tpu.memory_space<vmem>>, vector<16xi32>,
        tpu.vector_store %arg20[%swap3A_621, %swap3A_622], %add3A_619 {strides = array<i32>} : memref<4x128xi32, #tpu.memory_space<vmem>>, vector<16xi32>,
        %add3A_624 = arith.constant 3 : i32
        %add3A_625 = vector.broadcast %add3A_624 : i32 to vector<16xi32>
        %add3A_626 = arith.addi %mul3A_578, %add3A_625 : vector<16xi32>
        %swap3A_627 = arith.constant 3 : i32
        %swap3A_628 = arith.index_cast %swap3A_627 : i32 to index
        %swap3A_629 = arith.constant 96 : index
        %swap3A_630 = tpu.vector_load %arg19[%swap3A_628, %swap3A_629] {strides = array<i32>} : memref<4x128xi32, #tpu.memory_space<vmem>>, vector<16xi32>,
        tpu.vector_store %arg19[%swap3A_628, %swap3A_629], %add3A_626 {strides = array<i32>} : memref<4x128xi32, #tpu.memory_space<vmem>>, vector<16xi32>,
        %add3A_631 = arith.constant 3 : i32
        %add3A_632 = vector.broadcast %add3A_631 : i32 to vector<16xi32>
        %add3A_633 = arith.addi %mul3A_581, %add3A_632 : vector<16xi32>
        %swap3A_634 = arith.constant 3 : i32
        %swap3A_635 = arith.index_cast %swap3A_634 : i32 to index
        %swap3A_636 = arith.constant 96 : index
        %swap3A_637 = tpu.vector_load %arg20[%swap3A_635, %swap3A_636] {strides = array<i32>} : memref<4x128xi32, #tpu.memory_space<vmem>>, vector<16xi32>,
        tpu.vector_store %arg20[%swap3A_635, %swap3A_636], %add3A_633 {strides = array<i32>} : memref<4x128xi32, #tpu.memory_space<vmem>>, vector<16xi32>,
        %get3A_638 = arith.constant 112 : index
        %get3A_639 = tpu.vector_load %arg13[%get3A_638] {strides = array<i32>} : memref<128xi32, #tpu.memory_space<vmem>>, vector<16xi32>,
        %get3A_640 = arith.constant 112 : index
        %get3A_641 = tpu.vector_load %arg14[%get3A_640] {strides = array<i32>} : memref<128xi32, #tpu.memory_space<vmem>>, vector<16xi32>,
        %eq3A_642 = arith.cmpi eq, %get3A_639, %get3A_641 : vector<16xi32>
        %broadcast_in_dim3A_643 = arith.constant 10000 : i32
        %broadcast_in_dim3A_644 = vector.broadcast %broadcast_in_dim3A_643 : i32 to vector<16xi32>
        %select_n3A_645 = arith.select %eq3A_642, %broadcast_in_dim3A_644, %get3A_641 : vector<16xi1>, vector<16xi32>
        %swap3A_646 = arith.constant 112 : index
        %swap3A_647 = tpu.vector_load %arg15[%swap3A_646] {strides = array<i32>} : memref<128xi32, #tpu.memory_space<vmem>>, vector<16xi32>,
        tpu.vector_store %arg15[%swap3A_646], %select_n3A_645 {strides = array<i32>} : memref<128xi32, #tpu.memory_space<vmem>>, vector<16xi32>,
        %mul3A_648 = arith.constant 4 : i32
        %mul3A_649 = vector.broadcast %mul3A_648 : i32 to vector<16xi32>
        %mul3A_650 = arith.muli %get3A_639, %mul3A_649 : vector<16xi32>
        %mul3A_651 = arith.constant 4 : i32
        %mul3A_652 = vector.broadcast %mul3A_651 : i32 to vector<16xi32>
        %mul3A_653 = arith.muli %select_n3A_645, %mul3A_652 : vector<16xi32>
        %add3A_654 = arith.constant 0 : i32
        %add3A_655 = vector.broadcast %add3A_654 : i32 to vector<16xi32>
        %add3A_656 = arith.addi %mul3A_650, %add3A_655 : vector<16xi32>
        %swap3A_657 = arith.constant 0 : i32
        %swap3A_658 = arith.index_cast %swap3A_657 : i32 to index
        %swap3A_659 = arith.constant 112 : index
        %swap3A_660 = tpu.vector_load %arg19[%swap3A_658, %swap3A_659] {strides = array<i32>} : memref<4x128xi32, #tpu.memory_space<vmem>>, vector<16xi32>,
        tpu.vector_store %arg19[%swap3A_658, %swap3A_659], %add3A_656 {strides = array<i32>} : memref<4x128xi32, #tpu.memory_space<vmem>>, vector<16xi32>,
        %add3A_661 = arith.constant 0 : i32
        %add3A_662 = vector.broadcast %add3A_661 : i32 to vector<16xi32>
        %add3A_663 = arith.addi %mul3A_653, %add3A_662 : vector<16xi32>
        %swap3A_664 = arith.constant 0 : i32
        %swap3A_665 = arith.index_cast %swap3A_664 : i32 to index
        %swap3A_666 = arith.constant 112 : index
        %swap3A_667 = tpu.vector_load %arg20[%swap3A_665, %swap3A_666] {strides = array<i32>} : memref<4x128xi32, #tpu.memory_space<vmem>>, vector<16xi32>,
        tpu.vector_store %arg20[%swap3A_665, %swap3A_666], %add3A_663 {strides = array<i32>} : memref<4x128xi32, #tpu.memory_space<vmem>>, vector<16xi32>,
        %add3A_668 = arith.constant 1 : i32
        %add3A_669 = vector.broadcast %add3A_668 : i32 to vector<16xi32>
        %add3A_670 = arith.addi %mul3A_650, %add3A_669 : vector<16xi32>
        %swap3A_671 = arith.constant 1 : i32
        %swap3A_672 = arith.index_cast %swap3A_671 : i32 to index
        %swap3A_673 = arith.constant 112 : index
        %swap3A_674 = tpu.vector_load %arg19[%swap3A_672, %swap3A_673] {strides = array<i32>} : memref<4x128xi32, #tpu.memory_space<vmem>>, vector<16xi32>,
        tpu.vector_store %arg19[%swap3A_672, %swap3A_673], %add3A_670 {strides = array<i32>} : memref<4x128xi32, #tpu.memory_space<vmem>>, vector<16xi32>,
        %add3A_675 = arith.constant 1 : i32
        %add3A_676 = vector.broadcast %add3A_675 : i32 to vector<16xi32>
        %add3A_677 = arith.addi %mul3A_653, %add3A_676 : vector<16xi32>
        %swap3A_678 = arith.constant 1 : i32
        %swap3A_679 = arith.index_cast %swap3A_678 : i32 to index
        %swap3A_680 = arith.constant 112 : index
        %swap3A_681 = tpu.vector_load %arg20[%swap3A_679, %swap3A_680] {strides = array<i32>} : memref<4x128xi32, #tpu.memory_space<vmem>>, vector<16xi32>,
        tpu.vector_store %arg20[%swap3A_679, %swap3A_680], %add3A_677 {strides = array<i32>} : memref<4x128xi32, #tpu.memory_space<vmem>>, vector<16xi32>,
        %add3A_682 = arith.constant 2 : i32
        %add3A_683 = vector.broadcast %add3A_682 : i32 to vector<16xi32>
        %add3A_684 = arith.addi %mul3A_650, %add3A_683 : vector<16xi32>
        %swap3A_685 = arith.constant 2 : i32
        %swap3A_686 = arith.index_cast %swap3A_685 : i32 to index
        %swap3A_687 = arith.constant 112 : index
        %swap3A_688 = tpu.vector_load %arg19[%swap3A_686, %swap3A_687] {strides = array<i32>} : memref<4x128xi32, #tpu.memory_space<vmem>>, vector<16xi32>,
        tpu.vector_store %arg19[%swap3A_686, %swap3A_687], %add3A_684 {strides = array<i32>} : memref<4x128xi32, #tpu.memory_space<vmem>>, vector<16xi32>,
        %add3A_689 = arith.constant 2 : i32
        %add3A_690 = vector.broadcast %add3A_689 : i32 to vector<16xi32>
        %add3A_691 = arith.addi %mul3A_653, %add3A_690 : vector<16xi32>
        %swap3A_692 = arith.constant 2 : i32
        %swap3A_693 = arith.index_cast %swap3A_692 : i32 to index
        %swap3A_694 = arith.constant 112 : index
        %swap3A_695 = tpu.vector_load %arg20[%swap3A_693, %swap3A_694] {strides = array<i32>} : memref<4x128xi32, #tpu.memory_space<vmem>>, vector<16xi32>,
        tpu.vector_store %arg20[%swap3A_693, %swap3A_694], %add3A_691 {strides = array<i32>} : memref<4x128xi32, #tpu.memory_space<vmem>>, vector<16xi32>,
        %add3A_696 = arith.constant 3 : i32
        %add3A_697 = vector.broadcast %add3A_696 : i32 to vector<16xi32>
        %add3A_698 = arith.addi %mul3A_650, %add3A_697 : vector<16xi32>
        %swap3A_699 = arith.constant 3 : i32
        %swap3A_700 = arith.index_cast %swap3A_699 : i32 to index
        %swap3A_701 = arith.constant 112 : index
        %swap3A_702 = tpu.vector_load %arg19[%swap3A_700, %swap3A_701] {strides = array<i32>} : memref<4x128xi32, #tpu.memory_space<vmem>>, vector<16xi32>,
        tpu.vector_store %arg19[%swap3A_700, %swap3A_701], %add3A_698 {strides = array<i32>} : memref<4x128xi32, #tpu.memory_space<vmem>>, vector<16xi32>,
        %add3A_703 = arith.constant 3 : i32
        %add3A_704 = vector.broadcast %add3A_703 : i32 to vector<16xi32>
        %add3A_705 = arith.addi %mul3A_653, %add3A_704 : vector<16xi32>
        %swap3A_706 = arith.constant 3 : i32
        %swap3A_707 = arith.index_cast %swap3A_706 : i32 to index
        %swap3A_708 = arith.constant 112 : index
        %swap3A_709 = tpu.vector_load %arg20[%swap3A_707, %swap3A_708] {strides = array<i32>} : memref<4x128xi32, #tpu.memory_space<vmem>>, vector<16xi32>,
        tpu.vector_store %arg20[%swap3A_707, %swap3A_708], %add3A_705 {strides = array<i32>} : memref<4x128xi32, #tpu.memory_space<vmem>>, vector<16xi32>,
        %dma_start3A_710 = arith.constant 0 : i32
        %dma_start3A_711 = arith.constant 0 : i32
        %dma_start3A_712 = arith.constant 0 : i32
        %dma_start3A_713 = tpu.memref_slice %arg21[%dma_start3A_711, %dma_start3A_712] : memref<4x128xf32, #tpu.memory_space<vmem>> -> memref<1x128xf32, #tpu.memory_space<vmem>>
        %dma_start3A_714 = tpu.memref_squeeze %dma_start3A_713 : memref<1x128xf32, #tpu.memory_space<vmem>> -> memref<128xf32, #tpu.memory_space<vmem>>
        %dma_start3A_715 = arith.constant 0 : i32
        %dma_start3A_716 = tpu.memref_slice %arg19[%dma_start3A_710, %dma_start3A_715] : memref<4x128xi32, #tpu.memory_space<vmem>> -> memref<1x128xi32, #tpu.memory_space<vmem>>
        %dma_start3A_717 = tpu.memref_squeeze %dma_start3A_716 : memref<1x128xi32, #tpu.memory_space<vmem>> -> memref<128xi32, #tpu.memory_space<vmem>>
        %dma_start3A_718 = arith.constant 0 : i32
        %dma_start3A_719 = tpu.memref_slice %arg8[%dma_start3A_718] : memref<40064xf32, #tpu.memory_space<hbm>> -> memref<40064xf32, #tpu.memory_space<hbm>>
        tpu.enqueue_indirect_dma source(%dma_start3A_719 : memref<40064xf32, #tpu.memory_space<hbm>>) target(%dma_start3A_714 : memref<128xf32, #tpu.memory_space<vmem>>) offsets(%dma_start3A_717 : memref<128xi32, #tpu.memory_space<vmem>>) semaphore(%arg27 : memref<!tpu.dma_semaphore, #tpu.memory_space<semaphore_mem>>)
        %dma_start3A_720 = arith.constant 0 : i32
        %dma_start3A_721 = arith.constant 0 : i32
        %dma_start3A_722 = arith.constant 0 : i32
        %dma_start3A_723 = tpu.memref_slice %arg22[%dma_start3A_721, %dma_start3A_722] : memref<4x128xf32, #tpu.memory_space<vmem>> -> memref<1x128xf32, #tpu.memory_space<vmem>>
        %dma_start3A_724 = tpu.memref_squeeze %dma_start3A_723 : memref<1x128xf32, #tpu.memory_space<vmem>> -> memref<128xf32, #tpu.memory_space<vmem>>
        %dma_start3A_725 = arith.constant 0 : i32
        %dma_start3A_726 = tpu.memref_slice %arg20[%dma_start3A_720, %dma_start3A_725] : memref<4x128xi32, #tpu.memory_space<vmem>> -> memref<1x128xi32, #tpu.memory_space<vmem>>
        %dma_start3A_727 = tpu.memref_squeeze %dma_start3A_726 : memref<1x128xi32, #tpu.memory_space<vmem>> -> memref<128xi32, #tpu.memory_space<vmem>>
        %dma_start3A_728 = arith.constant 0 : i32
        %dma_start3A_729 = tpu.memref_slice %arg9[%dma_start3A_728] : memref<40064xf32, #tpu.memory_space<hbm>> -> memref<40064xf32, #tpu.memory_space<hbm>>
        tpu.enqueue_indirect_dma source(%dma_start3A_729 : memref<40064xf32, #tpu.memory_space<hbm>>) target(%dma_start3A_724 : memref<128xf32, #tpu.memory_space<vmem>>) offsets(%dma_start3A_727 : memref<128xi32, #tpu.memory_space<vmem>>) semaphore(%arg27 : memref<!tpu.dma_semaphore, #tpu.memory_space<semaphore_mem>>)
        %dma_start3A_730 = arith.constant 1 : i32
        %dma_start3A_731 = arith.constant 1 : i32
        %dma_start3A_732 = arith.constant 0 : i32
        %dma_start3A_733 = tpu.memref_slice %arg21[%dma_start3A_731, %dma_start3A_732] : memref<4x128xf32, #tpu.memory_space<vmem>> -> memref<1x128xf32, #tpu.memory_space<vmem>>
        %dma_start3A_734 = tpu.memref_squeeze %dma_start3A_733 : memref<1x128xf32, #tpu.memory_space<vmem>> -> memref<128xf32, #tpu.memory_space<vmem>>
        %dma_start3A_735 = arith.constant 0 : i32
        %dma_start3A_736 = tpu.memref_slice %arg19[%dma_start3A_730, %dma_start3A_735] : memref<4x128xi32, #tpu.memory_space<vmem>> -> memref<1x128xi32, #tpu.memory_space<vmem>>
        %dma_start3A_737 = tpu.memref_squeeze %dma_start3A_736 : memref<1x128xi32, #tpu.memory_space<vmem>> -> memref<128xi32, #tpu.memory_space<vmem>>
        %dma_start3A_738 = arith.constant 0 : i32
        %dma_start3A_739 = tpu.memref_slice %arg8[%dma_start3A_738] : memref<40064xf32, #tpu.memory_space<hbm>> -> memref<40064xf32, #tpu.memory_space<hbm>>
        tpu.enqueue_indirect_dma source(%dma_start3A_739 : memref<40064xf32, #tpu.memory_space<hbm>>) target(%dma_start3A_734 : memref<128xf32, #tpu.memory_space<vmem>>) offsets(%dma_start3A_737 : memref<128xi32, #tpu.memory_space<vmem>>) semaphore(%arg27 : memref<!tpu.dma_semaphore, #tpu.memory_space<semaphore_mem>>)
        %dma_start3A_740 = arith.constant 1 : i32
        %dma_start3A_741 = arith.constant 1 : i32
        %dma_start3A_742 = arith.constant 0 : i32
        %dma_start3A_743 = tpu.memref_slice %arg22[%dma_start3A_741, %dma_start3A_742] : memref<4x128xf32, #tpu.memory_space<vmem>> -> memref<1x128xf32, #tpu.memory_space<vmem>>
        %dma_start3A_744 = tpu.memref_squeeze %dma_start3A_743 : memref<1x128xf32, #tpu.memory_space<vmem>> -> memref<128xf32, #tpu.memory_space<vmem>>
        %dma_start3A_745 = arith.constant 0 : i32
        %dma_start3A_746 = tpu.memref_slice %arg20[%dma_start3A_740, %dma_start3A_745] : memref<4x128xi32, #tpu.memory_space<vmem>> -> memref<1x128xi32, #tpu.memory_space<vmem>>
        %dma_start3A_747 = tpu.memref_squeeze %dma_start3A_746 : memref<1x128xi32, #tpu.memory_space<vmem>> -> memref<128xi32, #tpu.memory_space<vmem>>
        %dma_start3A_748 = arith.constant 0 : i32
        %dma_start3A_749 = tpu.memref_slice %arg9[%dma_start3A_748] : memref<40064xf32, #tpu.memory_space<hbm>> -> memref<40064xf32, #tpu.memory_space<hbm>>
        tpu.enqueue_indirect_dma source(%dma_start3A_749 : memref<40064xf32, #tpu.memory_space<hbm>>) target(%dma_start3A_744 : memref<128xf32, #tpu.memory_space<vmem>>) offsets(%dma_start3A_747 : memref<128xi32, #tpu.memory_space<vmem>>) semaphore(%arg27 : memref<!tpu.dma_semaphore, #tpu.memory_space<semaphore_mem>>)
        %dma_start3A_750 = arith.constant 2 : i32
        %dma_start3A_751 = arith.constant 2 : i32
        %dma_start3A_752 = arith.constant 0 : i32
        %dma_start3A_753 = tpu.memref_slice %arg21[%dma_start3A_751, %dma_start3A_752] : memref<4x128xf32, #tpu.memory_space<vmem>> -> memref<1x128xf32, #tpu.memory_space<vmem>>
        %dma_start3A_754 = tpu.memref_squeeze %dma_start3A_753 : memref<1x128xf32, #tpu.memory_space<vmem>> -> memref<128xf32, #tpu.memory_space<vmem>>
        %dma_start3A_755 = arith.constant 0 : i32
        %dma_start3A_756 = tpu.memref_slice %arg19[%dma_start3A_750, %dma_start3A_755] : memref<4x128xi32, #tpu.memory_space<vmem>> -> memref<1x128xi32, #tpu.memory_space<vmem>>
        %dma_start3A_757 = tpu.memref_squeeze %dma_start3A_756 : memref<1x128xi32, #tpu.memory_space<vmem>> -> memref<128xi32, #tpu.memory_space<vmem>>
        %dma_start3A_758 = arith.constant 0 : i32
        %dma_start3A_759 = tpu.memref_slice %arg8[%dma_start3A_758] : memref<40064xf32, #tpu.memory_space<hbm>> -> memref<40064xf32, #tpu.memory_space<hbm>>
        tpu.enqueue_indirect_dma source(%dma_start3A_759 : memref<40064xf32, #tpu.memory_space<hbm>>) target(%dma_start3A_754 : memref<128xf32, #tpu.memory_space<vmem>>) offsets(%dma_start3A_757 : memref<128xi32, #tpu.memory_space<vmem>>) semaphore(%arg27 : memref<!tpu.dma_semaphore, #tpu.memory_space<semaphore_mem>>)
        %dma_start3A_760 = arith.constant 2 : i32
        %dma_start3A_761 = arith.constant 2 : i32
        %dma_start3A_762 = arith.constant 0 : i32
        %dma_start3A_763 = tpu.memref_slice %arg22[%dma_start3A_761, %dma_start3A_762] : memref<4x128xf32, #tpu.memory_space<vmem>> -> memref<1x128xf32, #tpu.memory_space<vmem>>
        %dma_start3A_764 = tpu.memref_squeeze %dma_start3A_763 : memref<1x128xf32, #tpu.memory_space<vmem>> -> memref<128xf32, #tpu.memory_space<vmem>>
        %dma_start3A_765 = arith.constant 0 : i32
        %dma_start3A_766 = tpu.memref_slice %arg20[%dma_start3A_760, %dma_start3A_765] : memref<4x128xi32, #tpu.memory_space<vmem>> -> memref<1x128xi32, #tpu.memory_space<vmem>>
        %dma_start3A_767 = tpu.memref_squeeze %dma_start3A_766 : memref<1x128xi32, #tpu.memory_space<vmem>> -> memref<128xi32, #tpu.memory_space<vmem>>
        %dma_start3A_768 = arith.constant 0 : i32
        %dma_start3A_769 = tpu.memref_slice %arg9[%dma_start3A_768] : memref<40064xf32, #tpu.memory_space<hbm>> -> memref<40064xf32, #tpu.memory_space<hbm>>
        tpu.enqueue_indirect_dma source(%dma_start3A_769 : memref<40064xf32, #tpu.memory_space<hbm>>) target(%dma_start3A_764 : memref<128xf32, #tpu.memory_space<vmem>>) offsets(%dma_start3A_767 : memref<128xi32, #tpu.memory_space<vmem>>) semaphore(%arg27 : memref<!tpu.dma_semaphore, #tpu.memory_space<semaphore_mem>>)
        %dma_start3A_770 = arith.constant 3 : i32
        %dma_start3A_771 = arith.constant 3 : i32
        %dma_start3A_772 = arith.constant 0 : i32
        %dma_start3A_773 = tpu.memref_slice %arg21[%dma_start3A_771, %dma_start3A_772] : memref<4x128xf32, #tpu.memory_space<vmem>> -> memref<1x128xf32, #tpu.memory_space<vmem>>
        %dma_start3A_774 = tpu.memref_squeeze %dma_start3A_773 : memref<1x128xf32, #tpu.memory_space<vmem>> -> memref<128xf32, #tpu.memory_space<vmem>>
        %dma_start3A_775 = arith.constant 0 : i32
        %dma_start3A_776 = tpu.memref_slice %arg19[%dma_start3A_770, %dma_start3A_775] : memref<4x128xi32, #tpu.memory_space<vmem>> -> memref<1x128xi32, #tpu.memory_space<vmem>>
        %dma_start3A_777 = tpu.memref_squeeze %dma_start3A_776 : memref<1x128xi32, #tpu.memory_space<vmem>> -> memref<128xi32, #tpu.memory_space<vmem>>
        %dma_start3A_778 = arith.constant 0 : i32
        %dma_start3A_779 = tpu.memref_slice %arg8[%dma_start3A_778] : memref<40064xf32, #tpu.memory_space<hbm>> -> memref<40064xf32, #tpu.memory_space<hbm>>
        tpu.enqueue_indirect_dma source(%dma_start3A_779 : memref<40064xf32, #tpu.memory_space<hbm>>) target(%dma_start3A_774 : memref<128xf32, #tpu.memory_space<vmem>>) offsets(%dma_start3A_777 : memref<128xi32, #tpu.memory_space<vmem>>) semaphore(%arg27 : memref<!tpu.dma_semaphore, #tpu.memory_space<semaphore_mem>>)
        %dma_start3A_780 = arith.constant 3 : i32
        %dma_start3A_781 = arith.constant 3 : i32
        %dma_start3A_782 = arith.constant 0 : i32
        %dma_start3A_783 = tpu.memref_slice %arg22[%dma_start3A_781, %dma_start3A_782] : memref<4x128xf32, #tpu.memory_space<vmem>> -> memref<1x128xf32, #tpu.memory_space<vmem>>
        %dma_start3A_784 = tpu.memref_squeeze %dma_start3A_783 : memref<1x128xf32, #tpu.memory_space<vmem>> -> memref<128xf32, #tpu.memory_space<vmem>>
        %dma_start3A_785 = arith.constant 0 : i32
        %dma_start3A_786 = tpu.memref_slice %arg20[%dma_start3A_780, %dma_start3A_785] : memref<4x128xi32, #tpu.memory_space<vmem>> -> memref<1x128xi32, #tpu.memory_space<vmem>>
        %dma_start3A_787 = tpu.memref_squeeze %dma_start3A_786 : memref<1x128xi32, #tpu.memory_space<vmem>> -> memref<128xi32, #tpu.memory_space<vmem>>
        %dma_start3A_788 = arith.constant 0 : i32
        %dma_start3A_789 = tpu.memref_slice %arg9[%dma_start3A_788] : memref<40064xf32, #tpu.memory_space<hbm>> -> memref<40064xf32, #tpu.memory_space<hbm>>
        tpu.enqueue_indirect_dma source(%dma_start3A_789 : memref<40064xf32, #tpu.memory_space<hbm>>) target(%dma_start3A_784 : memref<128xf32, #tpu.memory_space<vmem>>) offsets(%dma_start3A_787 : memref<128xi32, #tpu.memory_space<vmem>>) semaphore(%arg27 : memref<!tpu.dma_semaphore, #tpu.memory_space<semaphore_mem>>)
        %dma_wait3A = arith.constant 0 : i32
        %dma_wait3A_790 = arith.constant 0 : i32
        %dma_wait3A_791 = arith.constant 0 : i32
        %dma_wait3A_792 = tpu.memref_slice %arg21[%dma_wait3A_790, %dma_wait3A_791] : memref<4x128xf32, #tpu.memory_space<vmem>> -> memref<1x128xf32, #tpu.memory_space<vmem>>
        %dma_wait3A_793 = tpu.memref_squeeze %dma_wait3A_792 : memref<1x128xf32, #tpu.memory_space<vmem>> -> memref<128xf32, #tpu.memory_space<vmem>>
        %dma_wait3A_794 = arith.constant 0 : i32
        %dma_wait3A_795 = tpu.memref_slice %arg19[%dma_wait3A, %dma_wait3A_794] : memref<4x128xi32, #tpu.memory_space<vmem>> -> memref<1x128xi32, #tpu.memory_space<vmem>>
        %dma_wait3A_796 = tpu.memref_squeeze %dma_wait3A_795 : memref<1x128xi32, #tpu.memory_space<vmem>> -> memref<128xi32, #tpu.memory_space<vmem>>
        %dma_wait3A_797 = arith.constant 0 : i32
        %dma_wait3A_798 = tpu.memref_slice %arg8[%dma_wait3A_797] : memref<40064xf32, #tpu.memory_space<hbm>> -> memref<40064xf32, #tpu.memory_space<hbm>>
        tpu.wait_indirect_dma semaphore(%arg27 : memref<!tpu.dma_semaphore, #tpu.memory_space<semaphore_mem>>) src(%dma_wait3A_798 : memref<40064xf32, #tpu.memory_space<hbm>>) dst(%dma_wait3A_793 : memref<128xf32, #tpu.memory_space<vmem>>)
        %dma_wait3A_799 = arith.constant 0 : i32
        %dma_wait3A_800 = arith.constant 0 : i32
        %dma_wait3A_801 = arith.constant 0 : i32
        %dma_wait3A_802 = tpu.memref_slice %arg22[%dma_wait3A_800, %dma_wait3A_801] : memref<4x128xf32, #tpu.memory_space<vmem>> -> memref<1x128xf32, #tpu.memory_space<vmem>>
        %dma_wait3A_803 = tpu.memref_squeeze %dma_wait3A_802 : memref<1x128xf32, #tpu.memory_space<vmem>> -> memref<128xf32, #tpu.memory_space<vmem>>
        %dma_wait3A_804 = arith.constant 0 : i32
        %dma_wait3A_805 = tpu.memref_slice %arg20[%dma_wait3A_799, %dma_wait3A_804] : memref<4x128xi32, #tpu.memory_space<vmem>> -> memref<1x128xi32, #tpu.memory_space<vmem>>
        %dma_wait3A_806 = tpu.memref_squeeze %dma_wait3A_805 : memref<1x128xi32, #tpu.memory_space<vmem>> -> memref<128xi32, #tpu.memory_space<vmem>>
        %dma_wait3A_807 = arith.constant 0 : i32
        %dma_wait3A_808 = tpu.memref_slice %arg9[%dma_wait3A_807] : memref<40064xf32, #tpu.memory_space<hbm>> -> memref<40064xf32, #tpu.memory_space<hbm>>
        tpu.wait_indirect_dma semaphore(%arg27 : memref<!tpu.dma_semaphore, #tpu.memory_space<semaphore_mem>>) src(%dma_wait3A_808 : memref<40064xf32, #tpu.memory_space<hbm>>) dst(%dma_wait3A_803 : memref<128xf32, #tpu.memory_space<vmem>>)
        %dma_wait3A_809 = arith.constant 1 : i32
        %dma_wait3A_810 = arith.constant 1 : i32
        %dma_wait3A_811 = arith.constant 0 : i32
        %dma_wait3A_812 = tpu.memref_slice %arg21[%dma_wait3A_810, %dma_wait3A_811] : memref<4x128xf32, #tpu.memory_space<vmem>> -> memref<1x128xf32, #tpu.memory_space<vmem>>
        %dma_wait3A_813 = tpu.memref_squeeze %dma_wait3A_812 : memref<1x128xf32, #tpu.memory_space<vmem>> -> memref<128xf32, #tpu.memory_space<vmem>>
        %dma_wait3A_814 = arith.constant 0 : i32
        %dma_wait3A_815 = tpu.memref_slice %arg19[%dma_wait3A_809, %dma_wait3A_814] : memref<4x128xi32, #tpu.memory_space<vmem>> -> memref<1x128xi32, #tpu.memory_space<vmem>>
        %dma_wait3A_816 = tpu.memref_squeeze %dma_wait3A_815 : memref<1x128xi32, #tpu.memory_space<vmem>> -> memref<128xi32, #tpu.memory_space<vmem>>
        %dma_wait3A_817 = arith.constant 0 : i32
        %dma_wait3A_818 = tpu.memref_slice %arg8[%dma_wait3A_817] : memref<40064xf32, #tpu.memory_space<hbm>> -> memref<40064xf32, #tpu.memory_space<hbm>>
        tpu.wait_indirect_dma semaphore(%arg27 : memref<!tpu.dma_semaphore, #tpu.memory_space<semaphore_mem>>) src(%dma_wait3A_818 : memref<40064xf32, #tpu.memory_space<hbm>>) dst(%dma_wait3A_813 : memref<128xf32, #tpu.memory_space<vmem>>)
        %dma_wait3A_819 = arith.constant 1 : i32
        %dma_wait3A_820 = arith.constant 1 : i32
        %dma_wait3A_821 = arith.constant 0 : i32
        %dma_wait3A_822 = tpu.memref_slice %arg22[%dma_wait3A_820, %dma_wait3A_821] : memref<4x128xf32, #tpu.memory_space<vmem>> -> memref<1x128xf32, #tpu.memory_space<vmem>>
        %dma_wait3A_823 = tpu.memref_squeeze %dma_wait3A_822 : memref<1x128xf32, #tpu.memory_space<vmem>> -> memref<128xf32, #tpu.memory_space<vmem>>
        %dma_wait3A_824 = arith.constant 0 : i32
        %dma_wait3A_825 = tpu.memref_slice %arg20[%dma_wait3A_819, %dma_wait3A_824] : memref<4x128xi32, #tpu.memory_space<vmem>> -> memref<1x128xi32, #tpu.memory_space<vmem>>
        %dma_wait3A_826 = tpu.memref_squeeze %dma_wait3A_825 : memref<1x128xi32, #tpu.memory_space<vmem>> -> memref<128xi32, #tpu.memory_space<vmem>>
        %dma_wait3A_827 = arith.constant 0 : i32
        %dma_wait3A_828 = tpu.memref_slice %arg9[%dma_wait3A_827] : memref<40064xf32, #tpu.memory_space<hbm>> -> memref<40064xf32, #tpu.memory_space<hbm>>
        tpu.wait_indirect_dma semaphore(%arg27 : memref<!tpu.dma_semaphore, #tpu.memory_space<semaphore_mem>>) src(%dma_wait3A_828 : memref<40064xf32, #tpu.memory_space<hbm>>) dst(%dma_wait3A_823 : memref<128xf32, #tpu.memory_space<vmem>>)
        %dma_wait3A_829 = arith.constant 2 : i32
        %dma_wait3A_830 = arith.constant 2 : i32
        %dma_wait3A_831 = arith.constant 0 : i32
        %dma_wait3A_832 = tpu.memref_slice %arg21[%dma_wait3A_830, %dma_wait3A_831] : memref<4x128xf32, #tpu.memory_space<vmem>> -> memref<1x128xf32, #tpu.memory_space<vmem>>
        %dma_wait3A_833 = tpu.memref_squeeze %dma_wait3A_832 : memref<1x128xf32, #tpu.memory_space<vmem>> -> memref<128xf32, #tpu.memory_space<vmem>>
        %dma_wait3A_834 = arith.constant 0 : i32
        %dma_wait3A_835 = tpu.memref_slice %arg19[%dma_wait3A_829, %dma_wait3A_834] : memref<4x128xi32, #tpu.memory_space<vmem>> -> memref<1x128xi32, #tpu.memory_space<vmem>>
        %dma_wait3A_836 = tpu.memref_squeeze %dma_wait3A_835 : memref<1x128xi32, #tpu.memory_space<vmem>> -> memref<128xi32, #tpu.memory_space<vmem>>
        %dma_wait3A_837 = arith.constant 0 : i32
        %dma_wait3A_838 = tpu.memref_slice %arg8[%dma_wait3A_837] : memref<40064xf32, #tpu.memory_space<hbm>> -> memref<40064xf32, #tpu.memory_space<hbm>>
        tpu.wait_indirect_dma semaphore(%arg27 : memref<!tpu.dma_semaphore, #tpu.memory_space<semaphore_mem>>) src(%dma_wait3A_838 : memref<40064xf32, #tpu.memory_space<hbm>>) dst(%dma_wait3A_833 : memref<128xf32, #tpu.memory_space<vmem>>)
        %dma_wait3A_839 = arith.constant 2 : i32
        %dma_wait3A_840 = arith.constant 2 : i32
        %dma_wait3A_841 = arith.constant 0 : i32
        %dma_wait3A_842 = tpu.memref_slice %arg22[%dma_wait3A_840, %dma_wait3A_841] : memref<4x128xf32, #tpu.memory_space<vmem>> -> memref<1x128xf32, #tpu.memory_space<vmem>>
        %dma_wait3A_843 = tpu.memref_squeeze %dma_wait3A_842 : memref<1x128xf32, #tpu.memory_space<vmem>> -> memref<128xf32, #tpu.memory_space<vmem>>
        %dma_wait3A_844 = arith.constant 0 : i32
        %dma_wait3A_845 = tpu.memref_slice %arg20[%dma_wait3A_839, %dma_wait3A_844] : memref<4x128xi32, #tpu.memory_space<vmem>> -> memref<1x128xi32, #tpu.memory_space<vmem>>
        %dma_wait3A_846 = tpu.memref_squeeze %dma_wait3A_845 : memref<1x128xi32, #tpu.memory_space<vmem>> -> memref<128xi32, #tpu.memory_space<vmem>>
        %dma_wait3A_847 = arith.constant 0 : i32
        %dma_wait3A_848 = tpu.memref_slice %arg9[%dma_wait3A_847] : memref<40064xf32, #tpu.memory_space<hbm>> -> memref<40064xf32, #tpu.memory_space<hbm>>
        tpu.wait_indirect_dma semaphore(%arg27 : memref<!tpu.dma_semaphore, #tpu.memory_space<semaphore_mem>>) src(%dma_wait3A_848 : memref<40064xf32, #tpu.memory_space<hbm>>) dst(%dma_wait3A_843 : memref<128xf32, #tpu.memory_space<vmem>>)
        %dma_wait3A_849 = arith.constant 3 : i32
        %dma_wait3A_850 = arith.constant 3 : i32
        %dma_wait3A_851 = arith.constant 0 : i32
        %dma_wait3A_852 = tpu.memref_slice %arg21[%dma_wait3A_850, %dma_wait3A_851] : memref<4x128xf32, #tpu.memory_space<vmem>> -> memref<1x128xf32, #tpu.memory_space<vmem>>
        %dma_wait3A_853 = tpu.memref_squeeze %dma_wait3A_852 : memref<1x128xf32, #tpu.memory_space<vmem>> -> memref<128xf32, #tpu.memory_space<vmem>>
        %dma_wait3A_854 = arith.constant 0 : i32
        %dma_wait3A_855 = tpu.memref_slice %arg19[%dma_wait3A_849, %dma_wait3A_854] : memref<4x128xi32, #tpu.memory_space<vmem>> -> memref<1x128xi32, #tpu.memory_space<vmem>>
        %dma_wait3A_856 = tpu.memref_squeeze %dma_wait3A_855 : memref<1x128xi32, #tpu.memory_space<vmem>> -> memref<128xi32, #tpu.memory_space<vmem>>
        %dma_wait3A_857 = arith.constant 0 : i32
        %dma_wait3A_858 = tpu.memref_slice %arg8[%dma_wait3A_857] : memref<40064xf32, #tpu.memory_space<hbm>> -> memref<40064xf32, #tpu.memory_space<hbm>>
        tpu.wait_indirect_dma semaphore(%arg27 : memref<!tpu.dma_semaphore, #tpu.memory_space<semaphore_mem>>) src(%dma_wait3A_858 : memref<40064xf32, #tpu.memory_space<hbm>>) dst(%dma_wait3A_853 : memref<128xf32, #tpu.memory_space<vmem>>)
        %dma_wait3A_859 = arith.constant 3 : i32
        %dma_wait3A_860 = arith.constant 3 : i32
        %dma_wait3A_861 = arith.constant 0 : i32
        %dma_wait3A_862 = tpu.memref_slice %arg22[%dma_wait3A_860, %dma_wait3A_861] : memref<4x128xf32, #tpu.memory_space<vmem>> -> memref<1x128xf32, #tpu.memory_space<vmem>>
        %dma_wait3A_863 = tpu.memref_squeeze %dma_wait3A_862 : memref<1x128xf32, #tpu.memory_space<vmem>> -> memref<128xf32, #tpu.memory_space<vmem>>
        %dma_wait3A_864 = arith.constant 0 : i32
        %dma_wait3A_865 = tpu.memref_slice %arg20[%dma_wait3A_859, %dma_wait3A_864] : memref<4x128xi32, #tpu.memory_space<vmem>> -> memref<1x128xi32, #tpu.memory_space<vmem>>
        %dma_wait3A_866 = tpu.memref_squeeze %dma_wait3A_865 : memref<1x128xi32, #tpu.memory_space<vmem>> -> memref<128xi32, #tpu.memory_space<vmem>>
        %dma_wait3A_867 = arith.constant 0 : i32
        %dma_wait3A_868 = tpu.memref_slice %arg9[%dma_wait3A_867] : memref<40064xf32, #tpu.memory_space<hbm>> -> memref<40064xf32, #tpu.memory_space<hbm>>
        tpu.wait_indirect_dma semaphore(%arg27 : memref<!tpu.dma_semaphore, #tpu.memory_space<semaphore_mem>>) src(%dma_wait3A_868 : memref<40064xf32, #tpu.memory_space<hbm>>) dst(%dma_wait3A_863 : memref<128xf32, #tpu.memory_space<vmem>>)
        %iota3A_869 = tpu.iota {dimensions = array<i32: 0>} : vector<16xi32>
        %add3A_870 = arith.constant 0 : i32
        %add3A_871 = vector.broadcast %add3A_870 : i32 to vector<16xi32>
        %add3A_872 = arith.addi %iota3A_869, %add3A_871 : vector<16xi32>
        %get3A_873 = arith.constant 0 : i32
        %get3A_874 = arith.index_cast %get3A_873 : i32 to index
        %get3A_875 = arith.constant 0 : index
        %get3A_876 = tpu.vector_load %arg23[%get3A_874, %get3A_875] {strides = array<i32>} : memref<4x128xf32, #tpu.memory_space<vmem>>, vector<16xf32>,
        %get3A_877 = arith.constant 0 : i32
        %get3A_878 = arith.index_cast %get3A_877 : i32 to index
        %get3A_879 = arith.constant 0 : index
        %get3A_880 = tpu.vector_load %arg21[%get3A_878, %get3A_879] {strides = array<i32>} : memref<4x128xf32, #tpu.memory_space<vmem>>, vector<16xf32>,
        %get3A_881 = arith.constant 0 : i32
        %get3A_882 = arith.index_cast %get3A_881 : i32 to index
        %get3A_883 = arith.constant 0 : index
        %get3A_884 = tpu.vector_load %arg22[%get3A_882, %get3A_883] {strides = array<i32>} : memref<4x128xf32, #tpu.memory_space<vmem>>, vector<16xf32>,
        %add3A_885 = arith.addf %get3A_880, %get3A_884 : vector<16xf32>
        %add3A_886 = arith.addf %add3A_885, %get3A_876 : vector<16xf32>
        %mul3A_887 = arith.constant 2.000000e-01 : f32
        %mul3A_888 = vector.broadcast %mul3A_887 : f32 to vector<16xf32>
        %mul3A_889 = arith.mulf %mul3A_888, %add3A_886 : vector<16xf32>
        %max3A = arith.maximumf %add3A_886, %mul3A_889 : vector<16xf32>
        %exp3A = math.exp %max3A : vector<16xf32>
        %mul3A_890 = arith.constant 16 : i32
        %mul3A_891 = vector.broadcast %mul3A_890 : i32 to vector<16xi32>
        %mul3A_892 = arith.muli %add3A_872, %mul3A_891 : vector<16xi32>
        %add3A_893 = arith.constant 0 : i32
        %add3A_894 = vector.broadcast %add3A_893 : i32 to vector<16xi32>
        %add3A_895 = arith.addi %mul3A_892, %add3A_894 : vector<16xi32>
        tpu.vector_store_idx %arg16[%add3A_895], %exp3A : memref<2048xf32, #tpu.memory_space<vmem>>[vector<16xi32>], vector<16xf32>,
        %mul3A_896 = arith.constant 16 : i32
        %mul3A_897 = vector.broadcast %mul3A_896 : i32 to vector<16xi32>
        %mul3A_898 = arith.muli %add3A_872, %mul3A_897 : vector<16xi32>
        %add3A_899 = arith.constant 4 : i32
        %add3A_900 = vector.broadcast %add3A_899 : i32 to vector<16xi32>
        %add3A_901 = arith.addi %mul3A_898, %add3A_900 : vector<16xi32>
        tpu.vector_store_idx %arg16[%add3A_901], %get3A_876 : memref<2048xf32, #tpu.memory_space<vmem>>[vector<16xi32>], vector<16xf32>,
        %get3A_902 = arith.constant 1 : i32
        %get3A_903 = arith.index_cast %get3A_902 : i32 to index
        %get3A_904 = arith.constant 0 : index
        %get3A_905 = tpu.vector_load %arg23[%get3A_903, %get3A_904] {strides = array<i32>} : memref<4x128xf32, #tpu.memory_space<vmem>>, vector<16xf32>,
        %get3A_906 = arith.constant 1 : i32
        %get3A_907 = arith.index_cast %get3A_906 : i32 to index
        %get3A_908 = arith.constant 0 : index
        %get3A_909 = tpu.vector_load %arg21[%get3A_907, %get3A_908] {strides = array<i32>} : memref<4x128xf32, #tpu.memory_space<vmem>>, vector<16xf32>,
        %get3A_910 = arith.constant 1 : i32
        %get3A_911 = arith.index_cast %get3A_910 : i32 to index
        %get3A_912 = arith.constant 0 : index
        %get3A_913 = tpu.vector_load %arg22[%get3A_911, %get3A_912] {strides = array<i32>} : memref<4x128xf32, #tpu.memory_space<vmem>>, vector<16xf32>,
        %add3A_914 = arith.addf %get3A_909, %get3A_913 : vector<16xf32>
        %add3A_915 = arith.addf %add3A_914, %get3A_905 : vector<16xf32>
        %mul3A_916 = arith.constant 2.000000e-01 : f32
        %mul3A_917 = vector.broadcast %mul3A_916 : f32 to vector<16xf32>
        %mul3A_918 = arith.mulf %mul3A_917, %add3A_915 : vector<16xf32>
        %max3A_919 = arith.maximumf %add3A_915, %mul3A_918 : vector<16xf32>
        %exp3A_920 = math.exp %max3A_919 : vector<16xf32>
        %mul3A_921 = arith.constant 16 : i32
        %mul3A_922 = vector.broadcast %mul3A_921 : i32 to vector<16xi32>
        %mul3A_923 = arith.muli %add3A_872, %mul3A_922 : vector<16xi32>
        %add3A_924 = arith.constant 1 : i32
        %add3A_925 = vector.broadcast %add3A_924 : i32 to vector<16xi32>
        %add3A_926 = arith.addi %mul3A_923, %add3A_925 : vector<16xi32>
        tpu.vector_store_idx %arg16[%add3A_926], %exp3A_920 : memref<2048xf32, #tpu.memory_space<vmem>>[vector<16xi32>], vector<16xf32>,
        %mul3A_927 = arith.constant 16 : i32
        %mul3A_928 = vector.broadcast %mul3A_927 : i32 to vector<16xi32>
        %mul3A_929 = arith.muli %add3A_872, %mul3A_928 : vector<16xi32>
        %add3A_930 = arith.constant 5 : i32
        %add3A_931 = vector.broadcast %add3A_930 : i32 to vector<16xi32>
        %add3A_932 = arith.addi %mul3A_929, %add3A_931 : vector<16xi32>
        tpu.vector_store_idx %arg16[%add3A_932], %get3A_905 : memref<2048xf32, #tpu.memory_space<vmem>>[vector<16xi32>], vector<16xf32>,
        %get3A_933 = arith.constant 2 : i32
        %get3A_934 = arith.index_cast %get3A_933 : i32 to index
        %get3A_935 = arith.constant 0 : index
        %get3A_936 = tpu.vector_load %arg23[%get3A_934, %get3A_935] {strides = array<i32>} : memref<4x128xf32, #tpu.memory_space<vmem>>, vector<16xf32>,
        %get3A_937 = arith.constant 2 : i32
        %get3A_938 = arith.index_cast %get3A_937 : i32 to index
        %get3A_939 = arith.constant 0 : index
        %get3A_940 = tpu.vector_load %arg21[%get3A_938, %get3A_939] {strides = array<i32>} : memref<4x128xf32, #tpu.memory_space<vmem>>, vector<16xf32>,
        %get3A_941 = arith.constant 2 : i32
        %get3A_942 = arith.index_cast %get3A_941 : i32 to index
        %get3A_943 = arith.constant 0 : index
        %get3A_944 = tpu.vector_load %arg22[%get3A_942, %get3A_943] {strides = array<i32>} : memref<4x128xf32, #tpu.memory_space<vmem>>, vector<16xf32>,
        %add3A_945 = arith.addf %get3A_940, %get3A_944 : vector<16xf32>
        %add3A_946 = arith.addf %add3A_945, %get3A_936 : vector<16xf32>
        %mul3A_947 = arith.constant 2.000000e-01 : f32
        %mul3A_948 = vector.broadcast %mul3A_947 : f32 to vector<16xf32>
        %mul3A_949 = arith.mulf %mul3A_948, %add3A_946 : vector<16xf32>
        %max3A_950 = arith.maximumf %add3A_946, %mul3A_949 : vector<16xf32>
        %exp3A_951 = math.exp %max3A_950 : vector<16xf32>
        %mul3A_952 = arith.constant 16 : i32
        %mul3A_953 = vector.broadcast %mul3A_952 : i32 to vector<16xi32>
        %mul3A_954 = arith.muli %add3A_872, %mul3A_953 : vector<16xi32>
        %add3A_955 = arith.constant 2 : i32
        %add3A_956 = vector.broadcast %add3A_955 : i32 to vector<16xi32>
        %add3A_957 = arith.addi %mul3A_954, %add3A_956 : vector<16xi32>
        tpu.vector_store_idx %arg16[%add3A_957], %exp3A_951 : memref<2048xf32, #tpu.memory_space<vmem>>[vector<16xi32>], vector<16xf32>,
        %mul3A_958 = arith.constant 16 : i32
        %mul3A_959 = vector.broadcast %mul3A_958 : i32 to vector<16xi32>
        %mul3A_960 = arith.muli %add3A_872, %mul3A_959 : vector<16xi32>
        %add3A_961 = arith.constant 6 : i32
        %add3A_962 = vector.broadcast %add3A_961 : i32 to vector<16xi32>
        %add3A_963 = arith.addi %mul3A_960, %add3A_962 : vector<16xi32>
        tpu.vector_store_idx %arg16[%add3A_963], %get3A_936 : memref<2048xf32, #tpu.memory_space<vmem>>[vector<16xi32>], vector<16xf32>,
        %get3A_964 = arith.constant 3 : i32
        %get3A_965 = arith.index_cast %get3A_964 : i32 to index
        %get3A_966 = arith.constant 0 : index
        %get3A_967 = tpu.vector_load %arg23[%get3A_965, %get3A_966] {strides = array<i32>} : memref<4x128xf32, #tpu.memory_space<vmem>>, vector<16xf32>,
        %get3A_968 = arith.constant 3 : i32
        %get3A_969 = arith.index_cast %get3A_968 : i32 to index
        %get3A_970 = arith.constant 0 : index
        %get3A_971 = tpu.vector_load %arg21[%get3A_969, %get3A_970] {strides = array<i32>} : memref<4x128xf32, #tpu.memory_space<vmem>>, vector<16xf32>,
        %get3A_972 = arith.constant 3 : i32
        %get3A_973 = arith.index_cast %get3A_972 : i32 to index
        %get3A_974 = arith.constant 0 : index
        %get3A_975 = tpu.vector_load %arg22[%get3A_973, %get3A_974] {strides = array<i32>} : memref<4x128xf32, #tpu.memory_space<vmem>>, vector<16xf32>,
        %add3A_976 = arith.addf %get3A_971, %get3A_975 : vector<16xf32>
        %add3A_977 = arith.addf %add3A_976, %get3A_967 : vector<16xf32>
        %mul3A_978 = arith.constant 2.000000e-01 : f32
        %mul3A_979 = vector.broadcast %mul3A_978 : f32 to vector<16xf32>
        %mul3A_980 = arith.mulf %mul3A_979, %add3A_977 : vector<16xf32>
        %max3A_981 = arith.maximumf %add3A_977, %mul3A_980 : vector<16xf32>
        %exp3A_982 = math.exp %max3A_981 : vector<16xf32>
        %mul3A_983 = arith.constant 16 : i32
        %mul3A_984 = vector.broadcast %mul3A_983 : i32 to vector<16xi32>
        %mul3A_985 = arith.muli %add3A_872, %mul3A_984 : vector<16xi32>
        %add3A_986 = arith.constant 3 : i32
        %add3A_987 = vector.broadcast %add3A_986 : i32 to vector<16xi32>
        %add3A_988 = arith.addi %mul3A_985, %add3A_987 : vector<16xi32>
        tpu.vector_store_idx %arg16[%add3A_988], %exp3A_982 : memref<2048xf32, #tpu.memory_space<vmem>>[vector<16xi32>], vector<16xf32>,
        %mul3A_989 = arith.constant 16 : i32
        %mul3A_990 = vector.broadcast %mul3A_989 : i32 to vector<16xi32>
        %mul3A_991 = arith.muli %add3A_872, %mul3A_990 : vector<16xi32>
        %add3A_992 = arith.constant 7 : i32
        %add3A_993 = vector.broadcast %add3A_992 : i32 to vector<16xi32>
        %add3A_994 = arith.addi %mul3A_991, %add3A_993 : vector<16xi32>
        tpu.vector_store_idx %arg16[%add3A_994], %get3A_967 : memref<2048xf32, #tpu.memory_space<vmem>>[vector<16xi32>], vector<16xf32>,
        %iota3A_995 = tpu.iota {dimensions = array<i32: 0>} : vector<16xi32>
        %add3A_996 = arith.constant 16 : i32
        %add3A_997 = vector.broadcast %add3A_996 : i32 to vector<16xi32>
        %add3A_998 = arith.addi %iota3A_995, %add3A_997 : vector<16xi32>
        %get3A_999 = arith.constant 0 : i32
        %get3A_1000 = arith.index_cast %get3A_999 : i32 to index
        %get3A_1001 = arith.constant 16 : index
        %get3A_1002 = tpu.vector_load %arg23[%get3A_1000, %get3A_1001] {strides = array<i32>} : memref<4x128xf32, #tpu.memory_space<vmem>>, vector<16xf32>,
        %get3A_1003 = arith.constant 0 : i32
        %get3A_1004 = arith.index_cast %get3A_1003 : i32 to index
        %get3A_1005 = arith.constant 16 : index
        %get3A_1006 = tpu.vector_load %arg21[%get3A_1004, %get3A_1005] {strides = array<i32>} : memref<4x128xf32, #tpu.memory_space<vmem>>, vector<16xf32>,
        %get3A_1007 = arith.constant 0 : i32
        %get3A_1008 = arith.index_cast %get3A_1007 : i32 to index
        %get3A_1009 = arith.constant 16 : index
        %get3A_1010 = tpu.vector_load %arg22[%get3A_1008, %get3A_1009] {strides = array<i32>} : memref<4x128xf32, #tpu.memory_space<vmem>>, vector<16xf32>,
        %add3A_1011 = arith.addf %get3A_1006, %get3A_1010 : vector<16xf32>
        %add3A_1012 = arith.addf %add3A_1011, %get3A_1002 : vector<16xf32>
        %mul3A_1013 = arith.constant 2.000000e-01 : f32
        %mul3A_1014 = vector.broadcast %mul3A_1013 : f32 to vector<16xf32>
        %mul3A_1015 = arith.mulf %mul3A_1014, %add3A_1012 : vector<16xf32>
        %max3A_1016 = arith.maximumf %add3A_1012, %mul3A_1015 : vector<16xf32>
        %exp3A_1017 = math.exp %max3A_1016 : vector<16xf32>
        %mul3A_1018 = arith.constant 16 : i32
        %mul3A_1019 = vector.broadcast %mul3A_1018 : i32 to vector<16xi32>
        %mul3A_1020 = arith.muli %add3A_998, %mul3A_1019 : vector<16xi32>
        %add3A_1021 = arith.constant 0 : i32
        %add3A_1022 = vector.broadcast %add3A_1021 : i32 to vector<16xi32>
        %add3A_1023 = arith.addi %mul3A_1020, %add3A_1022 : vector<16xi32>
        tpu.vector_store_idx %arg16[%add3A_1023], %exp3A_1017 : memref<2048xf32, #tpu.memory_space<vmem>>[vector<16xi32>], vector<16xf32>,
        %mul3A_1024 = arith.constant 16 : i32
        %mul3A_1025 = vector.broadcast %mul3A_1024 : i32 to vector<16xi32>
        %mul3A_1026 = arith.muli %add3A_998, %mul3A_1025 : vector<16xi32>
        %add3A_1027 = arith.constant 4 : i32
        %add3A_1028 = vector.broadcast %add3A_1027 : i32 to vector<16xi32>
        %add3A_1029 = arith.addi %mul3A_1026, %add3A_1028 : vector<16xi32>
        tpu.vector_store_idx %arg16[%add3A_1029], %get3A_1002 : memref<2048xf32, #tpu.memory_space<vmem>>[vector<16xi32>], vector<16xf32>,
        %get3A_1030 = arith.constant 1 : i32
        %get3A_1031 = arith.index_cast %get3A_1030 : i32 to index
        %get3A_1032 = arith.constant 16 : index
        %get3A_1033 = tpu.vector_load %arg23[%get3A_1031, %get3A_1032] {strides = array<i32>} : memref<4x128xf32, #tpu.memory_space<vmem>>, vector<16xf32>,
        %get3A_1034 = arith.constant 1 : i32
        %get3A_1035 = arith.index_cast %get3A_1034 : i32 to index
        %get3A_1036 = arith.constant 16 : index
        %get3A_1037 = tpu.vector_load %arg21[%get3A_1035, %get3A_1036] {strides = array<i32>} : memref<4x128xf32, #tpu.memory_space<vmem>>, vector<16xf32>,
        %get3A_1038 = arith.constant 1 : i32
        %get3A_1039 = arith.index_cast %get3A_1038 : i32 to index
        %get3A_1040 = arith.constant 16 : index
        %get3A_1041 = tpu.vector_load %arg22[%get3A_1039, %get3A_1040] {strides = array<i32>} : memref<4x128xf32, #tpu.memory_space<vmem>>, vector<16xf32>,
        %add3A_1042 = arith.addf %get3A_1037, %get3A_1041 : vector<16xf32>
        %add3A_1043 = arith.addf %add3A_1042, %get3A_1033 : vector<16xf32>
        %mul3A_1044 = arith.constant 2.000000e-01 : f32
        %mul3A_1045 = vector.broadcast %mul3A_1044 : f32 to vector<16xf32>
        %mul3A_1046 = arith.mulf %mul3A_1045, %add3A_1043 : vector<16xf32>
        %max3A_1047 = arith.maximumf %add3A_1043, %mul3A_1046 : vector<16xf32>
        %exp3A_1048 = math.exp %max3A_1047 : vector<16xf32>
        %mul3A_1049 = arith.constant 16 : i32
        %mul3A_1050 = vector.broadcast %mul3A_1049 : i32 to vector<16xi32>
        %mul3A_1051 = arith.muli %add3A_998, %mul3A_1050 : vector<16xi32>
        %add3A_1052 = arith.constant 1 : i32
        %add3A_1053 = vector.broadcast %add3A_1052 : i32 to vector<16xi32>
        %add3A_1054 = arith.addi %mul3A_1051, %add3A_1053 : vector<16xi32>
        tpu.vector_store_idx %arg16[%add3A_1054], %exp3A_1048 : memref<2048xf32, #tpu.memory_space<vmem>>[vector<16xi32>], vector<16xf32>,
        %mul3A_1055 = arith.constant 16 : i32
        %mul3A_1056 = vector.broadcast %mul3A_1055 : i32 to vector<16xi32>
        %mul3A_1057 = arith.muli %add3A_998, %mul3A_1056 : vector<16xi32>
        %add3A_1058 = arith.constant 5 : i32
        %add3A_1059 = vector.broadcast %add3A_1058 : i32 to vector<16xi32>
        %add3A_1060 = arith.addi %mul3A_1057, %add3A_1059 : vector<16xi32>
        tpu.vector_store_idx %arg16[%add3A_1060], %get3A_1033 : memref<2048xf32, #tpu.memory_space<vmem>>[vector<16xi32>], vector<16xf32>,
        %get3A_1061 = arith.constant 2 : i32
        %get3A_1062 = arith.index_cast %get3A_1061 : i32 to index
        %get3A_1063 = arith.constant 16 : index
        %get3A_1064 = tpu.vector_load %arg23[%get3A_1062, %get3A_1063] {strides = array<i32>} : memref<4x128xf32, #tpu.memory_space<vmem>>, vector<16xf32>,
        %get3A_1065 = arith.constant 2 : i32
        %get3A_1066 = arith.index_cast %get3A_1065 : i32 to index
        %get3A_1067 = arith.constant 16 : index
        %get3A_1068 = tpu.vector_load %arg21[%get3A_1066, %get3A_1067] {strides = array<i32>} : memref<4x128xf32, #tpu.memory_space<vmem>>, vector<16xf32>,
        %get3A_1069 = arith.constant 2 : i32
        %get3A_1070 = arith.index_cast %get3A_1069 : i32 to index
        %get3A_1071 = arith.constant 16 : index
        %get3A_1072 = tpu.vector_load %arg22[%get3A_1070, %get3A_1071] {strides = array<i32>} : memref<4x128xf32, #tpu.memory_space<vmem>>, vector<16xf32>,
        %add3A_1073 = arith.addf %get3A_1068, %get3A_1072 : vector<16xf32>
        %add3A_1074 = arith.addf %add3A_1073, %get3A_1064 : vector<16xf32>
        %mul3A_1075 = arith.constant 2.000000e-01 : f32
        %mul3A_1076 = vector.broadcast %mul3A_1075 : f32 to vector<16xf32>
        %mul3A_1077 = arith.mulf %mul3A_1076, %add3A_1074 : vector<16xf32>
        %max3A_1078 = arith.maximumf %add3A_1074, %mul3A_1077 : vector<16xf32>
        %exp3A_1079 = math.exp %max3A_1078 : vector<16xf32>
        %mul3A_1080 = arith.constant 16 : i32
        %mul3A_1081 = vector.broadcast %mul3A_1080 : i32 to vector<16xi32>
        %mul3A_1082 = arith.muli %add3A_998, %mul3A_1081 : vector<16xi32>
        %add3A_1083 = arith.constant 2 : i32
        %add3A_1084 = vector.broadcast %add3A_1083 : i32 to vector<16xi32>
        %add3A_1085 = arith.addi %mul3A_1082, %add3A_1084 : vector<16xi32>
        tpu.vector_store_idx %arg16[%add3A_1085], %exp3A_1079 : memref<2048xf32, #tpu.memory_space<vmem>>[vector<16xi32>], vector<16xf32>,
        %mul3A_1086 = arith.constant 16 : i32
        %mul3A_1087 = vector.broadcast %mul3A_1086 : i32 to vector<16xi32>
        %mul3A_1088 = arith.muli %add3A_998, %mul3A_1087 : vector<16xi32>
        %add3A_1089 = arith.constant 6 : i32
        %add3A_1090 = vector.broadcast %add3A_1089 : i32 to vector<16xi32>
        %add3A_1091 = arith.addi %mul3A_1088, %add3A_1090 : vector<16xi32>
        tpu.vector_store_idx %arg16[%add3A_1091], %get3A_1064 : memref<2048xf32, #tpu.memory_space<vmem>>[vector<16xi32>], vector<16xf32>,
        %get3A_1092 = arith.constant 3 : i32
        %get3A_1093 = arith.index_cast %get3A_1092 : i32 to index
        %get3A_1094 = arith.constant 16 : index
        %get3A_1095 = tpu.vector_load %arg23[%get3A_1093, %get3A_1094] {strides = array<i32>} : memref<4x128xf32, #tpu.memory_space<vmem>>, vector<16xf32>,
        %get3A_1096 = arith.constant 3 : i32
        %get3A_1097 = arith.index_cast %get3A_1096 : i32 to index
        %get3A_1098 = arith.constant 16 : index
        %get3A_1099 = tpu.vector_load %arg21[%get3A_1097, %get3A_1098] {strides = array<i32>} : memref<4x128xf32, #tpu.memory_space<vmem>>, vector<16xf32>,
        %get3A_1100 = arith.constant 3 : i32
        %get3A_1101 = arith.index_cast %get3A_1100 : i32 to index
        %get3A_1102 = arith.constant 16 : index
        %get3A_1103 = tpu.vector_load %arg22[%get3A_1101, %get3A_1102] {strides = array<i32>} : memref<4x128xf32, #tpu.memory_space<vmem>>, vector<16xf32>,
        %add3A_1104 = arith.addf %get3A_1099, %get3A_1103 : vector<16xf32>
        %add3A_1105 = arith.addf %add3A_1104, %get3A_1095 : vector<16xf32>
        %mul3A_1106 = arith.constant 2.000000e-01 : f32
        %mul3A_1107 = vector.broadcast %mul3A_1106 : f32 to vector<16xf32>
        %mul3A_1108 = arith.mulf %mul3A_1107, %add3A_1105 : vector<16xf32>
        %max3A_1109 = arith.maximumf %add3A_1105, %mul3A_1108 : vector<16xf32>
        %exp3A_1110 = math.exp %max3A_1109 : vector<16xf32>
        %mul3A_1111 = arith.constant 16 : i32
        %mul3A_1112 = vector.broadcast %mul3A_1111 : i32 to vector<16xi32>
        %mul3A_1113 = arith.muli %add3A_998, %mul3A_1112 : vector<16xi32>
        %add3A_1114 = arith.constant 3 : i32
        %add3A_1115 = vector.broadcast %add3A_1114 : i32 to vector<16xi32>
        %add3A_1116 = arith.addi %mul3A_1113, %add3A_1115 : vector<16xi32>
        tpu.vector_store_idx %arg16[%add3A_1116], %exp3A_1110 : memref<2048xf32, #tpu.memory_space<vmem>>[vector<16xi32>], vector<16xf32>,
        %mul3A_1117 = arith.constant 16 : i32
        %mul3A_1118 = vector.broadcast %mul3A_1117 : i32 to vector<16xi32>
        %mul3A_1119 = arith.muli %add3A_998, %mul3A_1118 : vector<16xi32>
        %add3A_1120 = arith.constant 7 : i32
        %add3A_1121 = vector.broadcast %add3A_1120 : i32 to vector<16xi32>
        %add3A_1122 = arith.addi %mul3A_1119, %add3A_1121 : vector<16xi32>
        tpu.vector_store_idx %arg16[%add3A_1122], %get3A_1095 : memref<2048xf32, #tpu.memory_space<vmem>>[vector<16xi32>], vector<16xf32>,
        %iota3A_1123 = tpu.iota {dimensions = array<i32: 0>} : vector<16xi32>
        %add3A_1124 = arith.constant 32 : i32
        %add3A_1125 = vector.broadcast %add3A_1124 : i32 to vector<16xi32>
        %add3A_1126 = arith.addi %iota3A_1123, %add3A_1125 : vector<16xi32>
        %get3A_1127 = arith.constant 0 : i32
        %get3A_1128 = arith.index_cast %get3A_1127 : i32 to index
        %get3A_1129 = arith.constant 32 : index
        %get3A_1130 = tpu.vector_load %arg23[%get3A_1128, %get3A_1129] {strides = array<i32>} : memref<4x128xf32, #tpu.memory_space<vmem>>, vector<16xf32>,
        %get3A_1131 = arith.constant 0 : i32
        %get3A_1132 = arith.index_cast %get3A_1131 : i32 to index
        %get3A_1133 = arith.constant 32 : index
        %get3A_1134 = tpu.vector_load %arg21[%get3A_1132, %get3A_1133] {strides = array<i32>} : memref<4x128xf32, #tpu.memory_space<vmem>>, vector<16xf32>,
        %get3A_1135 = arith.constant 0 : i32
        %get3A_1136 = arith.index_cast %get3A_1135 : i32 to index
        %get3A_1137 = arith.constant 32 : index
        %get3A_1138 = tpu.vector_load %arg22[%get3A_1136, %get3A_1137] {strides = array<i32>} : memref<4x128xf32, #tpu.memory_space<vmem>>, vector<16xf32>,
        %add3A_1139 = arith.addf %get3A_1134, %get3A_1138 : vector<16xf32>
        %add3A_1140 = arith.addf %add3A_1139, %get3A_1130 : vector<16xf32>
        %mul3A_1141 = arith.constant 2.000000e-01 : f32
        %mul3A_1142 = vector.broadcast %mul3A_1141 : f32 to vector<16xf32>
        %mul3A_1143 = arith.mulf %mul3A_1142, %add3A_1140 : vector<16xf32>
        %max3A_1144 = arith.maximumf %add3A_1140, %mul3A_1143 : vector<16xf32>
        %exp3A_1145 = math.exp %max3A_1144 : vector<16xf32>
        %mul3A_1146 = arith.constant 16 : i32
        %mul3A_1147 = vector.broadcast %mul3A_1146 : i32 to vector<16xi32>
        %mul3A_1148 = arith.muli %add3A_1126, %mul3A_1147 : vector<16xi32>
        %add3A_1149 = arith.constant 0 : i32
        %add3A_1150 = vector.broadcast %add3A_1149 : i32 to vector<16xi32>
        %add3A_1151 = arith.addi %mul3A_1148, %add3A_1150 : vector<16xi32>
        tpu.vector_store_idx %arg16[%add3A_1151], %exp3A_1145 : memref<2048xf32, #tpu.memory_space<vmem>>[vector<16xi32>], vector<16xf32>,
        %mul3A_1152 = arith.constant 16 : i32
        %mul3A_1153 = vector.broadcast %mul3A_1152 : i32 to vector<16xi32>
        %mul3A_1154 = arith.muli %add3A_1126, %mul3A_1153 : vector<16xi32>
        %add3A_1155 = arith.constant 4 : i32
        %add3A_1156 = vector.broadcast %add3A_1155 : i32 to vector<16xi32>
        %add3A_1157 = arith.addi %mul3A_1154, %add3A_1156 : vector<16xi32>
        tpu.vector_store_idx %arg16[%add3A_1157], %get3A_1130 : memref<2048xf32, #tpu.memory_space<vmem>>[vector<16xi32>], vector<16xf32>,
        %get3A_1158 = arith.constant 1 : i32
        %get3A_1159 = arith.index_cast %get3A_1158 : i32 to index
        %get3A_1160 = arith.constant 32 : index
        %get3A_1161 = tpu.vector_load %arg23[%get3A_1159, %get3A_1160] {strides = array<i32>} : memref<4x128xf32, #tpu.memory_space<vmem>>, vector<16xf32>,
        %get3A_1162 = arith.constant 1 : i32
        %get3A_1163 = arith.index_cast %get3A_1162 : i32 to index
        %get3A_1164 = arith.constant 32 : index
        %get3A_1165 = tpu.vector_load %arg21[%get3A_1163, %get3A_1164] {strides = array<i32>} : memref<4x128xf32, #tpu.memory_space<vmem>>, vector<16xf32>,
        %get3A_1166 = arith.constant 1 : i32
        %get3A_1167 = arith.index_cast %get3A_1166 : i32 to index
        %get3A_1168 = arith.constant 32 : index
        %get3A_1169 = tpu.vector_load %arg22[%get3A_1167, %get3A_1168] {strides = array<i32>} : memref<4x128xf32, #tpu.memory_space<vmem>>, vector<16xf32>,
        %add3A_1170 = arith.addf %get3A_1165, %get3A_1169 : vector<16xf32>
        %add3A_1171 = arith.addf %add3A_1170, %get3A_1161 : vector<16xf32>
        %mul3A_1172 = arith.constant 2.000000e-01 : f32
        %mul3A_1173 = vector.broadcast %mul3A_1172 : f32 to vector<16xf32>
        %mul3A_1174 = arith.mulf %mul3A_1173, %add3A_1171 : vector<16xf32>
        %max3A_1175 = arith.maximumf %add3A_1171, %mul3A_1174 : vector<16xf32>
        %exp3A_1176 = math.exp %max3A_1175 : vector<16xf32>
        %mul3A_1177 = arith.constant 16 : i32
        %mul3A_1178 = vector.broadcast %mul3A_1177 : i32 to vector<16xi32>
        %mul3A_1179 = arith.muli %add3A_1126, %mul3A_1178 : vector<16xi32>
        %add3A_1180 = arith.constant 1 : i32
        %add3A_1181 = vector.broadcast %add3A_1180 : i32 to vector<16xi32>
        %add3A_1182 = arith.addi %mul3A_1179, %add3A_1181 : vector<16xi32>
        tpu.vector_store_idx %arg16[%add3A_1182], %exp3A_1176 : memref<2048xf32, #tpu.memory_space<vmem>>[vector<16xi32>], vector<16xf32>,
        %mul3A_1183 = arith.constant 16 : i32
        %mul3A_1184 = vector.broadcast %mul3A_1183 : i32 to vector<16xi32>
        %mul3A_1185 = arith.muli %add3A_1126, %mul3A_1184 : vector<16xi32>
        %add3A_1186 = arith.constant 5 : i32
        %add3A_1187 = vector.broadcast %add3A_1186 : i32 to vector<16xi32>
        %add3A_1188 = arith.addi %mul3A_1185, %add3A_1187 : vector<16xi32>
        tpu.vector_store_idx %arg16[%add3A_1188], %get3A_1161 : memref<2048xf32, #tpu.memory_space<vmem>>[vector<16xi32>], vector<16xf32>,
        %get3A_1189 = arith.constant 2 : i32
        %get3A_1190 = arith.index_cast %get3A_1189 : i32 to index
        %get3A_1191 = arith.constant 32 : index
        %get3A_1192 = tpu.vector_load %arg23[%get3A_1190, %get3A_1191] {strides = array<i32>} : memref<4x128xf32, #tpu.memory_space<vmem>>, vector<16xf32>,
        %get3A_1193 = arith.constant 2 : i32
        %get3A_1194 = arith.index_cast %get3A_1193 : i32 to index
        %get3A_1195 = arith.constant 32 : index
        %get3A_1196 = tpu.vector_load %arg21[%get3A_1194, %get3A_1195] {strides = array<i32>} : memref<4x128xf32, #tpu.memory_space<vmem>>, vector<16xf32>,
        %get3A_1197 = arith.constant 2 : i32
        %get3A_1198 = arith.index_cast %get3A_1197 : i32 to index
        %get3A_1199 = arith.constant 32 : index
        %get3A_1200 = tpu.vector_load %arg22[%get3A_1198, %get3A_1199] {strides = array<i32>} : memref<4x128xf32, #tpu.memory_space<vmem>>, vector<16xf32>,
        %add3A_1201 = arith.addf %get3A_1196, %get3A_1200 : vector<16xf32>
        %add3A_1202 = arith.addf %add3A_1201, %get3A_1192 : vector<16xf32>
        %mul3A_1203 = arith.constant 2.000000e-01 : f32
        %mul3A_1204 = vector.broadcast %mul3A_1203 : f32 to vector<16xf32>
        %mul3A_1205 = arith.mulf %mul3A_1204, %add3A_1202 : vector<16xf32>
        %max3A_1206 = arith.maximumf %add3A_1202, %mul3A_1205 : vector<16xf32>
        %exp3A_1207 = math.exp %max3A_1206 : vector<16xf32>
        %mul3A_1208 = arith.constant 16 : i32
        %mul3A_1209 = vector.broadcast %mul3A_1208 : i32 to vector<16xi32>
        %mul3A_1210 = arith.muli %add3A_1126, %mul3A_1209 : vector<16xi32>
        %add3A_1211 = arith.constant 2 : i32
        %add3A_1212 = vector.broadcast %add3A_1211 : i32 to vector<16xi32>
        %add3A_1213 = arith.addi %mul3A_1210, %add3A_1212 : vector<16xi32>
        tpu.vector_store_idx %arg16[%add3A_1213], %exp3A_1207 : memref<2048xf32, #tpu.memory_space<vmem>>[vector<16xi32>], vector<16xf32>,
        %mul3A_1214 = arith.constant 16 : i32
        %mul3A_1215 = vector.broadcast %mul3A_1214 : i32 to vector<16xi32>
        %mul3A_1216 = arith.muli %add3A_1126, %mul3A_1215 : vector<16xi32>
        %add3A_1217 = arith.constant 6 : i32
        %add3A_1218 = vector.broadcast %add3A_1217 : i32 to vector<16xi32>
        %add3A_1219 = arith.addi %mul3A_1216, %add3A_1218 : vector<16xi32>
        tpu.vector_store_idx %arg16[%add3A_1219], %get3A_1192 : memref<2048xf32, #tpu.memory_space<vmem>>[vector<16xi32>], vector<16xf32>,
        %get3A_1220 = arith.constant 3 : i32
        %get3A_1221 = arith.index_cast %get3A_1220 : i32 to index
        %get3A_1222 = arith.constant 32 : index
        %get3A_1223 = tpu.vector_load %arg23[%get3A_1221, %get3A_1222] {strides = array<i32>} : memref<4x128xf32, #tpu.memory_space<vmem>>, vector<16xf32>,
        %get3A_1224 = arith.constant 3 : i32
        %get3A_1225 = arith.index_cast %get3A_1224 : i32 to index
        %get3A_1226 = arith.constant 32 : index
        %get3A_1227 = tpu.vector_load %arg21[%get3A_1225, %get3A_1226] {strides = array<i32>} : memref<4x128xf32, #tpu.memory_space<vmem>>, vector<16xf32>,
        %get3A_1228 = arith.constant 3 : i32
        %get3A_1229 = arith.index_cast %get3A_1228 : i32 to index
        %get3A_1230 = arith.constant 32 : index
        %get3A_1231 = tpu.vector_load %arg22[%get3A_1229, %get3A_1230] {strides = array<i32>} : memref<4x128xf32, #tpu.memory_space<vmem>>, vector<16xf32>,
        %add3A_1232 = arith.addf %get3A_1227, %get3A_1231 : vector<16xf32>
        %add3A_1233 = arith.addf %add3A_1232, %get3A_1223 : vector<16xf32>
        %mul3A_1234 = arith.constant 2.000000e-01 : f32
        %mul3A_1235 = vector.broadcast %mul3A_1234 : f32 to vector<16xf32>
        %mul3A_1236 = arith.mulf %mul3A_1235, %add3A_1233 : vector<16xf32>
        %max3A_1237 = arith.maximumf %add3A_1233, %mul3A_1236 : vector<16xf32>
        %exp3A_1238 = math.exp %max3A_1237 : vector<16xf32>
        %mul3A_1239 = arith.constant 16 : i32
        %mul3A_1240 = vector.broadcast %mul3A_1239 : i32 to vector<16xi32>
        %mul3A_1241 = arith.muli %add3A_1126, %mul3A_1240 : vector<16xi32>
        %add3A_1242 = arith.constant 3 : i32
        %add3A_1243 = vector.broadcast %add3A_1242 : i32 to vector<16xi32>
        %add3A_1244 = arith.addi %mul3A_1241, %add3A_1243 : vector<16xi32>
        tpu.vector_store_idx %arg16[%add3A_1244], %exp3A_1238 : memref<2048xf32, #tpu.memory_space<vmem>>[vector<16xi32>], vector<16xf32>,
        %mul3A_1245 = arith.constant 16 : i32
        %mul3A_1246 = vector.broadcast %mul3A_1245 : i32 to vector<16xi32>
        %mul3A_1247 = arith.muli %add3A_1126, %mul3A_1246 : vector<16xi32>
        %add3A_1248 = arith.constant 7 : i32
        %add3A_1249 = vector.broadcast %add3A_1248 : i32 to vector<16xi32>
        %add3A_1250 = arith.addi %mul3A_1247, %add3A_1249 : vector<16xi32>
        tpu.vector_store_idx %arg16[%add3A_1250], %get3A_1223 : memref<2048xf32, #tpu.memory_space<vmem>>[vector<16xi32>], vector<16xf32>,
        %iota3A_1251 = tpu.iota {dimensions = array<i32: 0>} : vector<16xi32>
        %add3A_1252 = arith.constant 48 : i32
        %add3A_1253 = vector.broadcast %add3A_1252 : i32 to vector<16xi32>
        %add3A_1254 = arith.addi %iota3A_1251, %add3A_1253 : vector<16xi32>
        %get3A_1255 = arith.constant 0 : i32
        %get3A_1256 = arith.index_cast %get3A_1255 : i32 to index
        %get3A_1257 = arith.constant 48 : index
        %get3A_1258 = tpu.vector_load %arg23[%get3A_1256, %get3A_1257] {strides = array<i32>} : memref<4x128xf32, #tpu.memory_space<vmem>>, vector<16xf32>,
        %get3A_1259 = arith.constant 0 : i32
        %get3A_1260 = arith.index_cast %get3A_1259 : i32 to index
        %get3A_1261 = arith.constant 48 : index
        %get3A_1262 = tpu.vector_load %arg21[%get3A_1260, %get3A_1261] {strides = array<i32>} : memref<4x128xf32, #tpu.memory_space<vmem>>, vector<16xf32>,
        %get3A_1263 = arith.constant 0 : i32
        %get3A_1264 = arith.index_cast %get3A_1263 : i32 to index
        %get3A_1265 = arith.constant 48 : index
        %get3A_1266 = tpu.vector_load %arg22[%get3A_1264, %get3A_1265] {strides = array<i32>} : memref<4x128xf32, #tpu.memory_space<vmem>>, vector<16xf32>,
        %add3A_1267 = arith.addf %get3A_1262, %get3A_1266 : vector<16xf32>
        %add3A_1268 = arith.addf %add3A_1267, %get3A_1258 : vector<16xf32>
        %mul3A_1269 = arith.constant 2.000000e-01 : f32
        %mul3A_1270 = vector.broadcast %mul3A_1269 : f32 to vector<16xf32>
        %mul3A_1271 = arith.mulf %mul3A_1270, %add3A_1268 : vector<16xf32>
        %max3A_1272 = arith.maximumf %add3A_1268, %mul3A_1271 : vector<16xf32>
        %exp3A_1273 = math.exp %max3A_1272 : vector<16xf32>
        %mul3A_1274 = arith.constant 16 : i32
        %mul3A_1275 = vector.broadcast %mul3A_1274 : i32 to vector<16xi32>
        %mul3A_1276 = arith.muli %add3A_1254, %mul3A_1275 : vector<16xi32>
        %add3A_1277 = arith.constant 0 : i32
        %add3A_1278 = vector.broadcast %add3A_1277 : i32 to vector<16xi32>
        %add3A_1279 = arith.addi %mul3A_1276, %add3A_1278 : vector<16xi32>
        tpu.vector_store_idx %arg16[%add3A_1279], %exp3A_1273 : memref<2048xf32, #tpu.memory_space<vmem>>[vector<16xi32>], vector<16xf32>,
        %mul3A_1280 = arith.constant 16 : i32
        %mul3A_1281 = vector.broadcast %mul3A_1280 : i32 to vector<16xi32>
        %mul3A_1282 = arith.muli %add3A_1254, %mul3A_1281 : vector<16xi32>
        %add3A_1283 = arith.constant 4 : i32
        %add3A_1284 = vector.broadcast %add3A_1283 : i32 to vector<16xi32>
        %add3A_1285 = arith.addi %mul3A_1282, %add3A_1284 : vector<16xi32>
        tpu.vector_store_idx %arg16[%add3A_1285], %get3A_1258 : memref<2048xf32, #tpu.memory_space<vmem>>[vector<16xi32>], vector<16xf32>,
        %get3A_1286 = arith.constant 1 : i32
        %get3A_1287 = arith.index_cast %get3A_1286 : i32 to index
        %get3A_1288 = arith.constant 48 : index
        %get3A_1289 = tpu.vector_load %arg23[%get3A_1287, %get3A_1288] {strides = array<i32>} : memref<4x128xf32, #tpu.memory_space<vmem>>, vector<16xf32>,
        %get3A_1290 = arith.constant 1 : i32
        %get3A_1291 = arith.index_cast %get3A_1290 : i32 to index
        %get3A_1292 = arith.constant 48 : index
        %get3A_1293 = tpu.vector_load %arg21[%get3A_1291, %get3A_1292] {strides = array<i32>} : memref<4x128xf32, #tpu.memory_space<vmem>>, vector<16xf32>,
        %get3A_1294 = arith.constant 1 : i32
        %get3A_1295 = arith.index_cast %get3A_1294 : i32 to index
        %get3A_1296 = arith.constant 48 : index
        %get3A_1297 = tpu.vector_load %arg22[%get3A_1295, %get3A_1296] {strides = array<i32>} : memref<4x128xf32, #tpu.memory_space<vmem>>, vector<16xf32>,
        %add3A_1298 = arith.addf %get3A_1293, %get3A_1297 : vector<16xf32>
        %add3A_1299 = arith.addf %add3A_1298, %get3A_1289 : vector<16xf32>
        %mul3A_1300 = arith.constant 2.000000e-01 : f32
        %mul3A_1301 = vector.broadcast %mul3A_1300 : f32 to vector<16xf32>
        %mul3A_1302 = arith.mulf %mul3A_1301, %add3A_1299 : vector<16xf32>
        %max3A_1303 = arith.maximumf %add3A_1299, %mul3A_1302 : vector<16xf32>
        %exp3A_1304 = math.exp %max3A_1303 : vector<16xf32>
        %mul3A_1305 = arith.constant 16 : i32
        %mul3A_1306 = vector.broadcast %mul3A_1305 : i32 to vector<16xi32>
        %mul3A_1307 = arith.muli %add3A_1254, %mul3A_1306 : vector<16xi32>
        %add3A_1308 = arith.constant 1 : i32
        %add3A_1309 = vector.broadcast %add3A_1308 : i32 to vector<16xi32>
        %add3A_1310 = arith.addi %mul3A_1307, %add3A_1309 : vector<16xi32>
        tpu.vector_store_idx %arg16[%add3A_1310], %exp3A_1304 : memref<2048xf32, #tpu.memory_space<vmem>>[vector<16xi32>], vector<16xf32>,
        %mul3A_1311 = arith.constant 16 : i32
        %mul3A_1312 = vector.broadcast %mul3A_1311 : i32 to vector<16xi32>
        %mul3A_1313 = arith.muli %add3A_1254, %mul3A_1312 : vector<16xi32>
        %add3A_1314 = arith.constant 5 : i32
        %add3A_1315 = vector.broadcast %add3A_1314 : i32 to vector<16xi32>
        %add3A_1316 = arith.addi %mul3A_1313, %add3A_1315 : vector<16xi32>
        tpu.vector_store_idx %arg16[%add3A_1316], %get3A_1289 : memref<2048xf32, #tpu.memory_space<vmem>>[vector<16xi32>], vector<16xf32>,
        %get3A_1317 = arith.constant 2 : i32
        %get3A_1318 = arith.index_cast %get3A_1317 : i32 to index
        %get3A_1319 = arith.constant 48 : index
        %get3A_1320 = tpu.vector_load %arg23[%get3A_1318, %get3A_1319] {strides = array<i32>} : memref<4x128xf32, #tpu.memory_space<vmem>>, vector<16xf32>,
        %get3A_1321 = arith.constant 2 : i32
        %get3A_1322 = arith.index_cast %get3A_1321 : i32 to index
        %get3A_1323 = arith.constant 48 : index
        %get3A_1324 = tpu.vector_load %arg21[%get3A_1322, %get3A_1323] {strides = array<i32>} : memref<4x128xf32, #tpu.memory_space<vmem>>, vector<16xf32>,
        %get3A_1325 = arith.constant 2 : i32
        %get3A_1326 = arith.index_cast %get3A_1325 : i32 to index
        %get3A_1327 = arith.constant 48 : index
        %get3A_1328 = tpu.vector_load %arg22[%get3A_1326, %get3A_1327] {strides = array<i32>} : memref<4x128xf32, #tpu.memory_space<vmem>>, vector<16xf32>,
        %add3A_1329 = arith.addf %get3A_1324, %get3A_1328 : vector<16xf32>
        %add3A_1330 = arith.addf %add3A_1329, %get3A_1320 : vector<16xf32>
        %mul3A_1331 = arith.constant 2.000000e-01 : f32
        %mul3A_1332 = vector.broadcast %mul3A_1331 : f32 to vector<16xf32>
        %mul3A_1333 = arith.mulf %mul3A_1332, %add3A_1330 : vector<16xf32>
        %max3A_1334 = arith.maximumf %add3A_1330, %mul3A_1333 : vector<16xf32>
        %exp3A_1335 = math.exp %max3A_1334 : vector<16xf32>
        %mul3A_1336 = arith.constant 16 : i32
        %mul3A_1337 = vector.broadcast %mul3A_1336 : i32 to vector<16xi32>
        %mul3A_1338 = arith.muli %add3A_1254, %mul3A_1337 : vector<16xi32>
        %add3A_1339 = arith.constant 2 : i32
        %add3A_1340 = vector.broadcast %add3A_1339 : i32 to vector<16xi32>
        %add3A_1341 = arith.addi %mul3A_1338, %add3A_1340 : vector<16xi32>
        tpu.vector_store_idx %arg16[%add3A_1341], %exp3A_1335 : memref<2048xf32, #tpu.memory_space<vmem>>[vector<16xi32>], vector<16xf32>,
        %mul3A_1342 = arith.constant 16 : i32
        %mul3A_1343 = vector.broadcast %mul3A_1342 : i32 to vector<16xi32>
        %mul3A_1344 = arith.muli %add3A_1254, %mul3A_1343 : vector<16xi32>
        %add3A_1345 = arith.constant 6 : i32
        %add3A_1346 = vector.broadcast %add3A_1345 : i32 to vector<16xi32>
        %add3A_1347 = arith.addi %mul3A_1344, %add3A_1346 : vector<16xi32>
        tpu.vector_store_idx %arg16[%add3A_1347], %get3A_1320 : memref<2048xf32, #tpu.memory_space<vmem>>[vector<16xi32>], vector<16xf32>,
        %get3A_1348 = arith.constant 3 : i32
        %get3A_1349 = arith.index_cast %get3A_1348 : i32 to index
        %get3A_1350 = arith.constant 48 : index
        %get3A_1351 = tpu.vector_load %arg23[%get3A_1349, %get3A_1350] {strides = array<i32>} : memref<4x128xf32, #tpu.memory_space<vmem>>, vector<16xf32>,
        %get3A_1352 = arith.constant 3 : i32
        %get3A_1353 = arith.index_cast %get3A_1352 : i32 to index
        %get3A_1354 = arith.constant 48 : index
        %get3A_1355 = tpu.vector_load %arg21[%get3A_1353, %get3A_1354] {strides = array<i32>} : memref<4x128xf32, #tpu.memory_space<vmem>>, vector<16xf32>,
        %get3A_1356 = arith.constant 3 : i32
        %get3A_1357 = arith.index_cast %get3A_1356 : i32 to index
        %get3A_1358 = arith.constant 48 : index
        %get3A_1359 = tpu.vector_load %arg22[%get3A_1357, %get3A_1358] {strides = array<i32>} : memref<4x128xf32, #tpu.memory_space<vmem>>, vector<16xf32>,
        %add3A_1360 = arith.addf %get3A_1355, %get3A_1359 : vector<16xf32>
        %add3A_1361 = arith.addf %add3A_1360, %get3A_1351 : vector<16xf32>
        %mul3A_1362 = arith.constant 2.000000e-01 : f32
        %mul3A_1363 = vector.broadcast %mul3A_1362 : f32 to vector<16xf32>
        %mul3A_1364 = arith.mulf %mul3A_1363, %add3A_1361 : vector<16xf32>
        %max3A_1365 = arith.maximumf %add3A_1361, %mul3A_1364 : vector<16xf32>
        %exp3A_1366 = math.exp %max3A_1365 : vector<16xf32>
        %mul3A_1367 = arith.constant 16 : i32
        %mul3A_1368 = vector.broadcast %mul3A_1367 : i32 to vector<16xi32>
        %mul3A_1369 = arith.muli %add3A_1254, %mul3A_1368 : vector<16xi32>
        %add3A_1370 = arith.constant 3 : i32
        %add3A_1371 = vector.broadcast %add3A_1370 : i32 to vector<16xi32>
        %add3A_1372 = arith.addi %mul3A_1369, %add3A_1371 : vector<16xi32>
        tpu.vector_store_idx %arg16[%add3A_1372], %exp3A_1366 : memref<2048xf32, #tpu.memory_space<vmem>>[vector<16xi32>], vector<16xf32>,
        %mul3A_1373 = arith.constant 16 : i32
        %mul3A_1374 = vector.broadcast %mul3A_1373 : i32 to vector<16xi32>
        %mul3A_1375 = arith.muli %add3A_1254, %mul3A_1374 : vector<16xi32>
        %add3A_1376 = arith.constant 7 : i32
        %add3A_1377 = vector.broadcast %add3A_1376 : i32 to vector<16xi32>
        %add3A_1378 = arith.addi %mul3A_1375, %add3A_1377 : vector<16xi32>
        tpu.vector_store_idx %arg16[%add3A_1378], %get3A_1351 : memref<2048xf32, #tpu.memory_space<vmem>>[vector<16xi32>], vector<16xf32>,
        %iota3A_1379 = tpu.iota {dimensions = array<i32: 0>} : vector<16xi32>
        %add3A_1380 = arith.constant 64 : i32
        %add3A_1381 = vector.broadcast %add3A_1380 : i32 to vector<16xi32>
        %add3A_1382 = arith.addi %iota3A_1379, %add3A_1381 : vector<16xi32>
        %get3A_1383 = arith.constant 0 : i32
        %get3A_1384 = arith.index_cast %get3A_1383 : i32 to index
        %get3A_1385 = arith.constant 64 : index
        %get3A_1386 = tpu.vector_load %arg23[%get3A_1384, %get3A_1385] {strides = array<i32>} : memref<4x128xf32, #tpu.memory_space<vmem>>, vector<16xf32>,
        %get3A_1387 = arith.constant 0 : i32
        %get3A_1388 = arith.index_cast %get3A_1387 : i32 to index
        %get3A_1389 = arith.constant 64 : index
        %get3A_1390 = tpu.vector_load %arg21[%get3A_1388, %get3A_1389] {strides = array<i32>} : memref<4x128xf32, #tpu.memory_space<vmem>>, vector<16xf32>,
        %get3A_1391 = arith.constant 0 : i32
        %get3A_1392 = arith.index_cast %get3A_1391 : i32 to index
        %get3A_1393 = arith.constant 64 : index
        %get3A_1394 = tpu.vector_load %arg22[%get3A_1392, %get3A_1393] {strides = array<i32>} : memref<4x128xf32, #tpu.memory_space<vmem>>, vector<16xf32>,
        %add3A_1395 = arith.addf %get3A_1390, %get3A_1394 : vector<16xf32>
        %add3A_1396 = arith.addf %add3A_1395, %get3A_1386 : vector<16xf32>
        %mul3A_1397 = arith.constant 2.000000e-01 : f32
        %mul3A_1398 = vector.broadcast %mul3A_1397 : f32 to vector<16xf32>
        %mul3A_1399 = arith.mulf %mul3A_1398, %add3A_1396 : vector<16xf32>
        %max3A_1400 = arith.maximumf %add3A_1396, %mul3A_1399 : vector<16xf32>
        %exp3A_1401 = math.exp %max3A_1400 : vector<16xf32>
        %mul3A_1402 = arith.constant 16 : i32
        %mul3A_1403 = vector.broadcast %mul3A_1402 : i32 to vector<16xi32>
        %mul3A_1404 = arith.muli %add3A_1382, %mul3A_1403 : vector<16xi32>
        %add3A_1405 = arith.constant 0 : i32
        %add3A_1406 = vector.broadcast %add3A_1405 : i32 to vector<16xi32>
        %add3A_1407 = arith.addi %mul3A_1404, %add3A_1406 : vector<16xi32>
        tpu.vector_store_idx %arg16[%add3A_1407], %exp3A_1401 : memref<2048xf32, #tpu.memory_space<vmem>>[vector<16xi32>], vector<16xf32>,
        %mul3A_1408 = arith.constant 16 : i32
        %mul3A_1409 = vector.broadcast %mul3A_1408 : i32 to vector<16xi32>
        %mul3A_1410 = arith.muli %add3A_1382, %mul3A_1409 : vector<16xi32>
        %add3A_1411 = arith.constant 4 : i32
        %add3A_1412 = vector.broadcast %add3A_1411 : i32 to vector<16xi32>
        %add3A_1413 = arith.addi %mul3A_1410, %add3A_1412 : vector<16xi32>
        tpu.vector_store_idx %arg16[%add3A_1413], %get3A_1386 : memref<2048xf32, #tpu.memory_space<vmem>>[vector<16xi32>], vector<16xf32>,
        %get3A_1414 = arith.constant 1 : i32
        %get3A_1415 = arith.index_cast %get3A_1414 : i32 to index
        %get3A_1416 = arith.constant 64 : index
        %get3A_1417 = tpu.vector_load %arg23[%get3A_1415, %get3A_1416] {strides = array<i32>} : memref<4x128xf32, #tpu.memory_space<vmem>>, vector<16xf32>,
        %get3A_1418 = arith.constant 1 : i32
        %get3A_1419 = arith.index_cast %get3A_1418 : i32 to index
        %get3A_1420 = arith.constant 64 : index
        %get3A_1421 = tpu.vector_load %arg21[%get3A_1419, %get3A_1420] {strides = array<i32>} : memref<4x128xf32, #tpu.memory_space<vmem>>, vector<16xf32>,
        %get3A_1422 = arith.constant 1 : i32
        %get3A_1423 = arith.index_cast %get3A_1422 : i32 to index
        %get3A_1424 = arith.constant 64 : index
        %get3A_1425 = tpu.vector_load %arg22[%get3A_1423, %get3A_1424] {strides = array<i32>} : memref<4x128xf32, #tpu.memory_space<vmem>>, vector<16xf32>,
        %add3A_1426 = arith.addf %get3A_1421, %get3A_1425 : vector<16xf32>
        %add3A_1427 = arith.addf %add3A_1426, %get3A_1417 : vector<16xf32>
        %mul3A_1428 = arith.constant 2.000000e-01 : f32
        %mul3A_1429 = vector.broadcast %mul3A_1428 : f32 to vector<16xf32>
        %mul3A_1430 = arith.mulf %mul3A_1429, %add3A_1427 : vector<16xf32>
        %max3A_1431 = arith.maximumf %add3A_1427, %mul3A_1430 : vector<16xf32>
        %exp3A_1432 = math.exp %max3A_1431 : vector<16xf32>
        %mul3A_1433 = arith.constant 16 : i32
        %mul3A_1434 = vector.broadcast %mul3A_1433 : i32 to vector<16xi32>
        %mul3A_1435 = arith.muli %add3A_1382, %mul3A_1434 : vector<16xi32>
        %add3A_1436 = arith.constant 1 : i32
        %add3A_1437 = vector.broadcast %add3A_1436 : i32 to vector<16xi32>
        %add3A_1438 = arith.addi %mul3A_1435, %add3A_1437 : vector<16xi32>
        tpu.vector_store_idx %arg16[%add3A_1438], %exp3A_1432 : memref<2048xf32, #tpu.memory_space<vmem>>[vector<16xi32>], vector<16xf32>,
        %mul3A_1439 = arith.constant 16 : i32
        %mul3A_1440 = vector.broadcast %mul3A_1439 : i32 to vector<16xi32>
        %mul3A_1441 = arith.muli %add3A_1382, %mul3A_1440 : vector<16xi32>
        %add3A_1442 = arith.constant 5 : i32
        %add3A_1443 = vector.broadcast %add3A_1442 : i32 to vector<16xi32>
        %add3A_1444 = arith.addi %mul3A_1441, %add3A_1443 : vector<16xi32>
        tpu.vector_store_idx %arg16[%add3A_1444], %get3A_1417 : memref<2048xf32, #tpu.memory_space<vmem>>[vector<16xi32>], vector<16xf32>,
        %get3A_1445 = arith.constant 2 : i32
        %get3A_1446 = arith.index_cast %get3A_1445 : i32 to index
        %get3A_1447 = arith.constant 64 : index
        %get3A_1448 = tpu.vector_load %arg23[%get3A_1446, %get3A_1447] {strides = array<i32>} : memref<4x128xf32, #tpu.memory_space<vmem>>, vector<16xf32>,
        %get3A_1449 = arith.constant 2 : i32
        %get3A_1450 = arith.index_cast %get3A_1449 : i32 to index
        %get3A_1451 = arith.constant 64 : index
        %get3A_1452 = tpu.vector_load %arg21[%get3A_1450, %get3A_1451] {strides = array<i32>} : memref<4x128xf32, #tpu.memory_space<vmem>>, vector<16xf32>,
        %get3A_1453 = arith.constant 2 : i32
        %get3A_1454 = arith.index_cast %get3A_1453 : i32 to index
        %get3A_1455 = arith.constant 64 : index
        %get3A_1456 = tpu.vector_load %arg22[%get3A_1454, %get3A_1455] {strides = array<i32>} : memref<4x128xf32, #tpu.memory_space<vmem>>, vector<16xf32>,
        %add3A_1457 = arith.addf %get3A_1452, %get3A_1456 : vector<16xf32>
        %add3A_1458 = arith.addf %add3A_1457, %get3A_1448 : vector<16xf32>
        %mul3A_1459 = arith.constant 2.000000e-01 : f32
        %mul3A_1460 = vector.broadcast %mul3A_1459 : f32 to vector<16xf32>
        %mul3A_1461 = arith.mulf %mul3A_1460, %add3A_1458 : vector<16xf32>
        %max3A_1462 = arith.maximumf %add3A_1458, %mul3A_1461 : vector<16xf32>
        %exp3A_1463 = math.exp %max3A_1462 : vector<16xf32>
        %mul3A_1464 = arith.constant 16 : i32
        %mul3A_1465 = vector.broadcast %mul3A_1464 : i32 to vector<16xi32>
        %mul3A_1466 = arith.muli %add3A_1382, %mul3A_1465 : vector<16xi32>
        %add3A_1467 = arith.constant 2 : i32
        %add3A_1468 = vector.broadcast %add3A_1467 : i32 to vector<16xi32>
        %add3A_1469 = arith.addi %mul3A_1466, %add3A_1468 : vector<16xi32>
        tpu.vector_store_idx %arg16[%add3A_1469], %exp3A_1463 : memref<2048xf32, #tpu.memory_space<vmem>>[vector<16xi32>], vector<16xf32>,
        %mul3A_1470 = arith.constant 16 : i32
        %mul3A_1471 = vector.broadcast %mul3A_1470 : i32 to vector<16xi32>
        %mul3A_1472 = arith.muli %add3A_1382, %mul3A_1471 : vector<16xi32>
        %add3A_1473 = arith.constant 6 : i32
        %add3A_1474 = vector.broadcast %add3A_1473 : i32 to vector<16xi32>
        %add3A_1475 = arith.addi %mul3A_1472, %add3A_1474 : vector<16xi32>
        tpu.vector_store_idx %arg16[%add3A_1475], %get3A_1448 : memref<2048xf32, #tpu.memory_space<vmem>>[vector<16xi32>], vector<16xf32>,
        %get3A_1476 = arith.constant 3 : i32
        %get3A_1477 = arith.index_cast %get3A_1476 : i32 to index
        %get3A_1478 = arith.constant 64 : index
        %get3A_1479 = tpu.vector_load %arg23[%get3A_1477, %get3A_1478] {strides = array<i32>} : memref<4x128xf32, #tpu.memory_space<vmem>>, vector<16xf32>,
        %get3A_1480 = arith.constant 3 : i32
        %get3A_1481 = arith.index_cast %get3A_1480 : i32 to index
        %get3A_1482 = arith.constant 64 : index
        %get3A_1483 = tpu.vector_load %arg21[%get3A_1481, %get3A_1482] {strides = array<i32>} : memref<4x128xf32, #tpu.memory_space<vmem>>, vector<16xf32>,
        %get3A_1484 = arith.constant 3 : i32
        %get3A_1485 = arith.index_cast %get3A_1484 : i32 to index
        %get3A_1486 = arith.constant 64 : index
        %get3A_1487 = tpu.vector_load %arg22[%get3A_1485, %get3A_1486] {strides = array<i32>} : memref<4x128xf32, #tpu.memory_space<vmem>>, vector<16xf32>,
        %add3A_1488 = arith.addf %get3A_1483, %get3A_1487 : vector<16xf32>
        %add3A_1489 = arith.addf %add3A_1488, %get3A_1479 : vector<16xf32>
        %mul3A_1490 = arith.constant 2.000000e-01 : f32
        %mul3A_1491 = vector.broadcast %mul3A_1490 : f32 to vector<16xf32>
        %mul3A_1492 = arith.mulf %mul3A_1491, %add3A_1489 : vector<16xf32>
        %max3A_1493 = arith.maximumf %add3A_1489, %mul3A_1492 : vector<16xf32>
        %exp3A_1494 = math.exp %max3A_1493 : vector<16xf32>
        %mul3A_1495 = arith.constant 16 : i32
        %mul3A_1496 = vector.broadcast %mul3A_1495 : i32 to vector<16xi32>
        %mul3A_1497 = arith.muli %add3A_1382, %mul3A_1496 : vector<16xi32>
        %add3A_1498 = arith.constant 3 : i32
        %add3A_1499 = vector.broadcast %add3A_1498 : i32 to vector<16xi32>
        %add3A_1500 = arith.addi %mul3A_1497, %add3A_1499 : vector<16xi32>
        tpu.vector_store_idx %arg16[%add3A_1500], %exp3A_1494 : memref<2048xf32, #tpu.memory_space<vmem>>[vector<16xi32>], vector<16xf32>,
        %mul3A_1501 = arith.constant 16 : i32
        %mul3A_1502 = vector.broadcast %mul3A_1501 : i32 to vector<16xi32>
        %mul3A_1503 = arith.muli %add3A_1382, %mul3A_1502 : vector<16xi32>
        %add3A_1504 = arith.constant 7 : i32
        %add3A_1505 = vector.broadcast %add3A_1504 : i32 to vector<16xi32>
        %add3A_1506 = arith.addi %mul3A_1503, %add3A_1505 : vector<16xi32>
        tpu.vector_store_idx %arg16[%add3A_1506], %get3A_1479 : memref<2048xf32, #tpu.memory_space<vmem>>[vector<16xi32>], vector<16xf32>,
        %iota3A_1507 = tpu.iota {dimensions = array<i32: 0>} : vector<16xi32>
        %add3A_1508 = arith.constant 80 : i32
        %add3A_1509 = vector.broadcast %add3A_1508 : i32 to vector<16xi32>
        %add3A_1510 = arith.addi %iota3A_1507, %add3A_1509 : vector<16xi32>
        %get3A_1511 = arith.constant 0 : i32
        %get3A_1512 = arith.index_cast %get3A_1511 : i32 to index
        %get3A_1513 = arith.constant 80 : index
        %get3A_1514 = tpu.vector_load %arg23[%get3A_1512, %get3A_1513] {strides = array<i32>} : memref<4x128xf32, #tpu.memory_space<vmem>>, vector<16xf32>,
        %get3A_1515 = arith.constant 0 : i32
        %get3A_1516 = arith.index_cast %get3A_1515 : i32 to index
        %get3A_1517 = arith.constant 80 : index
        %get3A_1518 = tpu.vector_load %arg21[%get3A_1516, %get3A_1517] {strides = array<i32>} : memref<4x128xf32, #tpu.memory_space<vmem>>, vector<16xf32>,
        %get3A_1519 = arith.constant 0 : i32
        %get3A_1520 = arith.index_cast %get3A_1519 : i32 to index
        %get3A_1521 = arith.constant 80 : index
        %get3A_1522 = tpu.vector_load %arg22[%get3A_1520, %get3A_1521] {strides = array<i32>} : memref<4x128xf32, #tpu.memory_space<vmem>>, vector<16xf32>,
        %add3A_1523 = arith.addf %get3A_1518, %get3A_1522 : vector<16xf32>
        %add3A_1524 = arith.addf %add3A_1523, %get3A_1514 : vector<16xf32>
        %mul3A_1525 = arith.constant 2.000000e-01 : f32
        %mul3A_1526 = vector.broadcast %mul3A_1525 : f32 to vector<16xf32>
        %mul3A_1527 = arith.mulf %mul3A_1526, %add3A_1524 : vector<16xf32>
        %max3A_1528 = arith.maximumf %add3A_1524, %mul3A_1527 : vector<16xf32>
        %exp3A_1529 = math.exp %max3A_1528 : vector<16xf32>
        %mul3A_1530 = arith.constant 16 : i32
        %mul3A_1531 = vector.broadcast %mul3A_1530 : i32 to vector<16xi32>
        %mul3A_1532 = arith.muli %add3A_1510, %mul3A_1531 : vector<16xi32>
        %add3A_1533 = arith.constant 0 : i32
        %add3A_1534 = vector.broadcast %add3A_1533 : i32 to vector<16xi32>
        %add3A_1535 = arith.addi %mul3A_1532, %add3A_1534 : vector<16xi32>
        tpu.vector_store_idx %arg16[%add3A_1535], %exp3A_1529 : memref<2048xf32, #tpu.memory_space<vmem>>[vector<16xi32>], vector<16xf32>,
        %mul3A_1536 = arith.constant 16 : i32
        %mul3A_1537 = vector.broadcast %mul3A_1536 : i32 to vector<16xi32>
        %mul3A_1538 = arith.muli %add3A_1510, %mul3A_1537 : vector<16xi32>
        %add3A_1539 = arith.constant 4 : i32
        %add3A_1540 = vector.broadcast %add3A_1539 : i32 to vector<16xi32>
        %add3A_1541 = arith.addi %mul3A_1538, %add3A_1540 : vector<16xi32>
        tpu.vector_store_idx %arg16[%add3A_1541], %get3A_1514 : memref<2048xf32, #tpu.memory_space<vmem>>[vector<16xi32>], vector<16xf32>,
        %get3A_1542 = arith.constant 1 : i32
        %get3A_1543 = arith.index_cast %get3A_1542 : i32 to index
        %get3A_1544 = arith.constant 80 : index
        %get3A_1545 = tpu.vector_load %arg23[%get3A_1543, %get3A_1544] {strides = array<i32>} : memref<4x128xf32, #tpu.memory_space<vmem>>, vector<16xf32>,
        %get3A_1546 = arith.constant 1 : i32
        %get3A_1547 = arith.index_cast %get3A_1546 : i32 to index
        %get3A_1548 = arith.constant 80 : index
        %get3A_1549 = tpu.vector_load %arg21[%get3A_1547, %get3A_1548] {strides = array<i32>} : memref<4x128xf32, #tpu.memory_space<vmem>>, vector<16xf32>,
        %get3A_1550 = arith.constant 1 : i32
        %get3A_1551 = arith.index_cast %get3A_1550 : i32 to index
        %get3A_1552 = arith.constant 80 : index
        %get3A_1553 = tpu.vector_load %arg22[%get3A_1551, %get3A_1552] {strides = array<i32>} : memref<4x128xf32, #tpu.memory_space<vmem>>, vector<16xf32>,
        %add3A_1554 = arith.addf %get3A_1549, %get3A_1553 : vector<16xf32>
        %add3A_1555 = arith.addf %add3A_1554, %get3A_1545 : vector<16xf32>
        %mul3A_1556 = arith.constant 2.000000e-01 : f32
        %mul3A_1557 = vector.broadcast %mul3A_1556 : f32 to vector<16xf32>
        %mul3A_1558 = arith.mulf %mul3A_1557, %add3A_1555 : vector<16xf32>
        %max3A_1559 = arith.maximumf %add3A_1555, %mul3A_1558 : vector<16xf32>
        %exp3A_1560 = math.exp %max3A_1559 : vector<16xf32>
        %mul3A_1561 = arith.constant 16 : i32
        %mul3A_1562 = vector.broadcast %mul3A_1561 : i32 to vector<16xi32>
        %mul3A_1563 = arith.muli %add3A_1510, %mul3A_1562 : vector<16xi32>
        %add3A_1564 = arith.constant 1 : i32
        %add3A_1565 = vector.broadcast %add3A_1564 : i32 to vector<16xi32>
        %add3A_1566 = arith.addi %mul3A_1563, %add3A_1565 : vector<16xi32>
        tpu.vector_store_idx %arg16[%add3A_1566], %exp3A_1560 : memref<2048xf32, #tpu.memory_space<vmem>>[vector<16xi32>], vector<16xf32>,
        %mul3A_1567 = arith.constant 16 : i32
        %mul3A_1568 = vector.broadcast %mul3A_1567 : i32 to vector<16xi32>
        %mul3A_1569 = arith.muli %add3A_1510, %mul3A_1568 : vector<16xi32>
        %add3A_1570 = arith.constant 5 : i32
        %add3A_1571 = vector.broadcast %add3A_1570 : i32 to vector<16xi32>
        %add3A_1572 = arith.addi %mul3A_1569, %add3A_1571 : vector<16xi32>
        tpu.vector_store_idx %arg16[%add3A_1572], %get3A_1545 : memref<2048xf32, #tpu.memory_space<vmem>>[vector<16xi32>], vector<16xf32>,
        %get3A_1573 = arith.constant 2 : i32
        %get3A_1574 = arith.index_cast %get3A_1573 : i32 to index
        %get3A_1575 = arith.constant 80 : index
        %get3A_1576 = tpu.vector_load %arg23[%get3A_1574, %get3A_1575] {strides = array<i32>} : memref<4x128xf32, #tpu.memory_space<vmem>>, vector<16xf32>,
        %get3A_1577 = arith.constant 2 : i32
        %get3A_1578 = arith.index_cast %get3A_1577 : i32 to index
        %get3A_1579 = arith.constant 80 : index
        %get3A_1580 = tpu.vector_load %arg21[%get3A_1578, %get3A_1579] {strides = array<i32>} : memref<4x128xf32, #tpu.memory_space<vmem>>, vector<16xf32>,
        %get3A_1581 = arith.constant 2 : i32
        %get3A_1582 = arith.index_cast %get3A_1581 : i32 to index
        %get3A_1583 = arith.constant 80 : index
        %get3A_1584 = tpu.vector_load %arg22[%get3A_1582, %get3A_1583] {strides = array<i32>} : memref<4x128xf32, #tpu.memory_space<vmem>>, vector<16xf32>,
        %add3A_1585 = arith.addf %get3A_1580, %get3A_1584 : vector<16xf32>
        %add3A_1586 = arith.addf %add3A_1585, %get3A_1576 : vector<16xf32>
        %mul3A_1587 = arith.constant 2.000000e-01 : f32
        %mul3A_1588 = vector.broadcast %mul3A_1587 : f32 to vector<16xf32>
        %mul3A_1589 = arith.mulf %mul3A_1588, %add3A_1586 : vector<16xf32>
        %max3A_1590 = arith.maximumf %add3A_1586, %mul3A_1589 : vector<16xf32>
        %exp3A_1591 = math.exp %max3A_1590 : vector<16xf32>
        %mul3A_1592 = arith.constant 16 : i32
        %mul3A_1593 = vector.broadcast %mul3A_1592 : i32 to vector<16xi32>
        %mul3A_1594 = arith.muli %add3A_1510, %mul3A_1593 : vector<16xi32>
        %add3A_1595 = arith.constant 2 : i32
        %add3A_1596 = vector.broadcast %add3A_1595 : i32 to vector<16xi32>
        %add3A_1597 = arith.addi %mul3A_1594, %add3A_1596 : vector<16xi32>
        tpu.vector_store_idx %arg16[%add3A_1597], %exp3A_1591 : memref<2048xf32, #tpu.memory_space<vmem>>[vector<16xi32>], vector<16xf32>,
        %mul3A_1598 = arith.constant 16 : i32
        %mul3A_1599 = vector.broadcast %mul3A_1598 : i32 to vector<16xi32>
        %mul3A_1600 = arith.muli %add3A_1510, %mul3A_1599 : vector<16xi32>
        %add3A_1601 = arith.constant 6 : i32
        %add3A_1602 = vector.broadcast %add3A_1601 : i32 to vector<16xi32>
        %add3A_1603 = arith.addi %mul3A_1600, %add3A_1602 : vector<16xi32>
        tpu.vector_store_idx %arg16[%add3A_1603], %get3A_1576 : memref<2048xf32, #tpu.memory_space<vmem>>[vector<16xi32>], vector<16xf32>,
        %get3A_1604 = arith.constant 3 : i32
        %get3A_1605 = arith.index_cast %get3A_1604 : i32 to index
        %get3A_1606 = arith.constant 80 : index
        %get3A_1607 = tpu.vector_load %arg23[%get3A_1605, %get3A_1606] {strides = array<i32>} : memref<4x128xf32, #tpu.memory_space<vmem>>, vector<16xf32>,
        %get3A_1608 = arith.constant 3 : i32
        %get3A_1609 = arith.index_cast %get3A_1608 : i32 to index
        %get3A_1610 = arith.constant 80 : index
        %get3A_1611 = tpu.vector_load %arg21[%get3A_1609, %get3A_1610] {strides = array<i32>} : memref<4x128xf32, #tpu.memory_space<vmem>>, vector<16xf32>,
        %get3A_1612 = arith.constant 3 : i32
        %get3A_1613 = arith.index_cast %get3A_1612 : i32 to index
        %get3A_1614 = arith.constant 80 : index
        %get3A_1615 = tpu.vector_load %arg22[%get3A_1613, %get3A_1614] {strides = array<i32>} : memref<4x128xf32, #tpu.memory_space<vmem>>, vector<16xf32>,
        %add3A_1616 = arith.addf %get3A_1611, %get3A_1615 : vector<16xf32>
        %add3A_1617 = arith.addf %add3A_1616, %get3A_1607 : vector<16xf32>
        %mul3A_1618 = arith.constant 2.000000e-01 : f32
        %mul3A_1619 = vector.broadcast %mul3A_1618 : f32 to vector<16xf32>
        %mul3A_1620 = arith.mulf %mul3A_1619, %add3A_1617 : vector<16xf32>
        %max3A_1621 = arith.maximumf %add3A_1617, %mul3A_1620 : vector<16xf32>
        %exp3A_1622 = math.exp %max3A_1621 : vector<16xf32>
        %mul3A_1623 = arith.constant 16 : i32
        %mul3A_1624 = vector.broadcast %mul3A_1623 : i32 to vector<16xi32>
        %mul3A_1625 = arith.muli %add3A_1510, %mul3A_1624 : vector<16xi32>
        %add3A_1626 = arith.constant 3 : i32
        %add3A_1627 = vector.broadcast %add3A_1626 : i32 to vector<16xi32>
        %add3A_1628 = arith.addi %mul3A_1625, %add3A_1627 : vector<16xi32>
        tpu.vector_store_idx %arg16[%add3A_1628], %exp3A_1622 : memref<2048xf32, #tpu.memory_space<vmem>>[vector<16xi32>], vector<16xf32>,
        %mul3A_1629 = arith.constant 16 : i32
        %mul3A_1630 = vector.broadcast %mul3A_1629 : i32 to vector<16xi32>
        %mul3A_1631 = arith.muli %add3A_1510, %mul3A_1630 : vector<16xi32>
        %add3A_1632 = arith.constant 7 : i32
        %add3A_1633 = vector.broadcast %add3A_1632 : i32 to vector<16xi32>
        %add3A_1634 = arith.addi %mul3A_1631, %add3A_1633 : vector<16xi32>
        tpu.vector_store_idx %arg16[%add3A_1634], %get3A_1607 : memref<2048xf32, #tpu.memory_space<vmem>>[vector<16xi32>], vector<16xf32>,
        %iota3A_1635 = tpu.iota {dimensions = array<i32: 0>} : vector<16xi32>
        %add3A_1636 = arith.constant 96 : i32
        %add3A_1637 = vector.broadcast %add3A_1636 : i32 to vector<16xi32>
        %add3A_1638 = arith.addi %iota3A_1635, %add3A_1637 : vector<16xi32>
        %get3A_1639 = arith.constant 0 : i32
        %get3A_1640 = arith.index_cast %get3A_1639 : i32 to index
        %get3A_1641 = arith.constant 96 : index
        %get3A_1642 = tpu.vector_load %arg23[%get3A_1640, %get3A_1641] {strides = array<i32>} : memref<4x128xf32, #tpu.memory_space<vmem>>, vector<16xf32>,
        %get3A_1643 = arith.constant 0 : i32
        %get3A_1644 = arith.index_cast %get3A_1643 : i32 to index
        %get3A_1645 = arith.constant 96 : index
        %get3A_1646 = tpu.vector_load %arg21[%get3A_1644, %get3A_1645] {strides = array<i32>} : memref<4x128xf32, #tpu.memory_space<vmem>>, vector<16xf32>,
        %get3A_1647 = arith.constant 0 : i32
        %get3A_1648 = arith.index_cast %get3A_1647 : i32 to index
        %get3A_1649 = arith.constant 96 : index
        %get3A_1650 = tpu.vector_load %arg22[%get3A_1648, %get3A_1649] {strides = array<i32>} : memref<4x128xf32, #tpu.memory_space<vmem>>, vector<16xf32>,
        %add3A_1651 = arith.addf %get3A_1646, %get3A_1650 : vector<16xf32>
        %add3A_1652 = arith.addf %add3A_1651, %get3A_1642 : vector<16xf32>
        %mul3A_1653 = arith.constant 2.000000e-01 : f32
        %mul3A_1654 = vector.broadcast %mul3A_1653 : f32 to vector<16xf32>
        %mul3A_1655 = arith.mulf %mul3A_1654, %add3A_1652 : vector<16xf32>
        %max3A_1656 = arith.maximumf %add3A_1652, %mul3A_1655 : vector<16xf32>
        %exp3A_1657 = math.exp %max3A_1656 : vector<16xf32>
        %mul3A_1658 = arith.constant 16 : i32
        %mul3A_1659 = vector.broadcast %mul3A_1658 : i32 to vector<16xi32>
        %mul3A_1660 = arith.muli %add3A_1638, %mul3A_1659 : vector<16xi32>
        %add3A_1661 = arith.constant 0 : i32
        %add3A_1662 = vector.broadcast %add3A_1661 : i32 to vector<16xi32>
        %add3A_1663 = arith.addi %mul3A_1660, %add3A_1662 : vector<16xi32>
        tpu.vector_store_idx %arg16[%add3A_1663], %exp3A_1657 : memref<2048xf32, #tpu.memory_space<vmem>>[vector<16xi32>], vector<16xf32>,
        %mul3A_1664 = arith.constant 16 : i32
        %mul3A_1665 = vector.broadcast %mul3A_1664 : i32 to vector<16xi32>
        %mul3A_1666 = arith.muli %add3A_1638, %mul3A_1665 : vector<16xi32>
        %add3A_1667 = arith.constant 4 : i32
        %add3A_1668 = vector.broadcast %add3A_1667 : i32 to vector<16xi32>
        %add3A_1669 = arith.addi %mul3A_1666, %add3A_1668 : vector<16xi32>
        tpu.vector_store_idx %arg16[%add3A_1669], %get3A_1642 : memref<2048xf32, #tpu.memory_space<vmem>>[vector<16xi32>], vector<16xf32>,
        %get3A_1670 = arith.constant 1 : i32
        %get3A_1671 = arith.index_cast %get3A_1670 : i32 to index
        %get3A_1672 = arith.constant 96 : index
        %get3A_1673 = tpu.vector_load %arg23[%get3A_1671, %get3A_1672] {strides = array<i32>} : memref<4x128xf32, #tpu.memory_space<vmem>>, vector<16xf32>,
        %get3A_1674 = arith.constant 1 : i32
        %get3A_1675 = arith.index_cast %get3A_1674 : i32 to index
        %get3A_1676 = arith.constant 96 : index
        %get3A_1677 = tpu.vector_load %arg21[%get3A_1675, %get3A_1676] {strides = array<i32>} : memref<4x128xf32, #tpu.memory_space<vmem>>, vector<16xf32>,
        %get3A_1678 = arith.constant 1 : i32
        %get3A_1679 = arith.index_cast %get3A_1678 : i32 to index
        %get3A_1680 = arith.constant 96 : index
        %get3A_1681 = tpu.vector_load %arg22[%get3A_1679, %get3A_1680] {strides = array<i32>} : memref<4x128xf32, #tpu.memory_space<vmem>>, vector<16xf32>,
        %add3A_1682 = arith.addf %get3A_1677, %get3A_1681 : vector<16xf32>
        %add3A_1683 = arith.addf %add3A_1682, %get3A_1673 : vector<16xf32>
        %mul3A_1684 = arith.constant 2.000000e-01 : f32
        %mul3A_1685 = vector.broadcast %mul3A_1684 : f32 to vector<16xf32>
        %mul3A_1686 = arith.mulf %mul3A_1685, %add3A_1683 : vector<16xf32>
        %max3A_1687 = arith.maximumf %add3A_1683, %mul3A_1686 : vector<16xf32>
        %exp3A_1688 = math.exp %max3A_1687 : vector<16xf32>
        %mul3A_1689 = arith.constant 16 : i32
        %mul3A_1690 = vector.broadcast %mul3A_1689 : i32 to vector<16xi32>
        %mul3A_1691 = arith.muli %add3A_1638, %mul3A_1690 : vector<16xi32>
        %add3A_1692 = arith.constant 1 : i32
        %add3A_1693 = vector.broadcast %add3A_1692 : i32 to vector<16xi32>
        %add3A_1694 = arith.addi %mul3A_1691, %add3A_1693 : vector<16xi32>
        tpu.vector_store_idx %arg16[%add3A_1694], %exp3A_1688 : memref<2048xf32, #tpu.memory_space<vmem>>[vector<16xi32>], vector<16xf32>,
        %mul3A_1695 = arith.constant 16 : i32
        %mul3A_1696 = vector.broadcast %mul3A_1695 : i32 to vector<16xi32>
        %mul3A_1697 = arith.muli %add3A_1638, %mul3A_1696 : vector<16xi32>
        %add3A_1698 = arith.constant 5 : i32
        %add3A_1699 = vector.broadcast %add3A_1698 : i32 to vector<16xi32>
        %add3A_1700 = arith.addi %mul3A_1697, %add3A_1699 : vector<16xi32>
        tpu.vector_store_idx %arg16[%add3A_1700], %get3A_1673 : memref<2048xf32, #tpu.memory_space<vmem>>[vector<16xi32>], vector<16xf32>,
        %get3A_1701 = arith.constant 2 : i32
        %get3A_1702 = arith.index_cast %get3A_1701 : i32 to index
        %get3A_1703 = arith.constant 96 : index
        %get3A_1704 = tpu.vector_load %arg23[%get3A_1702, %get3A_1703] {strides = array<i32>} : memref<4x128xf32, #tpu.memory_space<vmem>>, vector<16xf32>,
        %get3A_1705 = arith.constant 2 : i32
        %get3A_1706 = arith.index_cast %get3A_1705 : i32 to index
        %get3A_1707 = arith.constant 96 : index
        %get3A_1708 = tpu.vector_load %arg21[%get3A_1706, %get3A_1707] {strides = array<i32>} : memref<4x128xf32, #tpu.memory_space<vmem>>, vector<16xf32>,
        %get3A_1709 = arith.constant 2 : i32
        %get3A_1710 = arith.index_cast %get3A_1709 : i32 to index
        %get3A_1711 = arith.constant 96 : index
        %get3A_1712 = tpu.vector_load %arg22[%get3A_1710, %get3A_1711] {strides = array<i32>} : memref<4x128xf32, #tpu.memory_space<vmem>>, vector<16xf32>,
        %add3A_1713 = arith.addf %get3A_1708, %get3A_1712 : vector<16xf32>
        %add3A_1714 = arith.addf %add3A_1713, %get3A_1704 : vector<16xf32>
        %mul3A_1715 = arith.constant 2.000000e-01 : f32
        %mul3A_1716 = vector.broadcast %mul3A_1715 : f32 to vector<16xf32>
        %mul3A_1717 = arith.mulf %mul3A_1716, %add3A_1714 : vector<16xf32>
        %max3A_1718 = arith.maximumf %add3A_1714, %mul3A_1717 : vector<16xf32>
        %exp3A_1719 = math.exp %max3A_1718 : vector<16xf32>
        %mul3A_1720 = arith.constant 16 : i32
        %mul3A_1721 = vector.broadcast %mul3A_1720 : i32 to vector<16xi32>
        %mul3A_1722 = arith.muli %add3A_1638, %mul3A_1721 : vector<16xi32>
        %add3A_1723 = arith.constant 2 : i32
        %add3A_1724 = vector.broadcast %add3A_1723 : i32 to vector<16xi32>
        %add3A_1725 = arith.addi %mul3A_1722, %add3A_1724 : vector<16xi32>
        tpu.vector_store_idx %arg16[%add3A_1725], %exp3A_1719 : memref<2048xf32, #tpu.memory_space<vmem>>[vector<16xi32>], vector<16xf32>,
        %mul3A_1726 = arith.constant 16 : i32
        %mul3A_1727 = vector.broadcast %mul3A_1726 : i32 to vector<16xi32>
        %mul3A_1728 = arith.muli %add3A_1638, %mul3A_1727 : vector<16xi32>
        %add3A_1729 = arith.constant 6 : i32
        %add3A_1730 = vector.broadcast %add3A_1729 : i32 to vector<16xi32>
        %add3A_1731 = arith.addi %mul3A_1728, %add3A_1730 : vector<16xi32>
        tpu.vector_store_idx %arg16[%add3A_1731], %get3A_1704 : memref<2048xf32, #tpu.memory_space<vmem>>[vector<16xi32>], vector<16xf32>,
        %get3A_1732 = arith.constant 3 : i32
        %get3A_1733 = arith.index_cast %get3A_1732 : i32 to index
        %get3A_1734 = arith.constant 96 : index
        %get3A_1735 = tpu.vector_load %arg23[%get3A_1733, %get3A_1734] {strides = array<i32>} : memref<4x128xf32, #tpu.memory_space<vmem>>, vector<16xf32>,
        %get3A_1736 = arith.constant 3 : i32
        %get3A_1737 = arith.index_cast %get3A_1736 : i32 to index
        %get3A_1738 = arith.constant 96 : index
        %get3A_1739 = tpu.vector_load %arg21[%get3A_1737, %get3A_1738] {strides = array<i32>} : memref<4x128xf32, #tpu.memory_space<vmem>>, vector<16xf32>,
        %get3A_1740 = arith.constant 3 : i32
        %get3A_1741 = arith.index_cast %get3A_1740 : i32 to index
        %get3A_1742 = arith.constant 96 : index
        %get3A_1743 = tpu.vector_load %arg22[%get3A_1741, %get3A_1742] {strides = array<i32>} : memref<4x128xf32, #tpu.memory_space<vmem>>, vector<16xf32>,
        %add3A_1744 = arith.addf %get3A_1739, %get3A_1743 : vector<16xf32>
        %add3A_1745 = arith.addf %add3A_1744, %get3A_1735 : vector<16xf32>
        %mul3A_1746 = arith.constant 2.000000e-01 : f32
        %mul3A_1747 = vector.broadcast %mul3A_1746 : f32 to vector<16xf32>
        %mul3A_1748 = arith.mulf %mul3A_1747, %add3A_1745 : vector<16xf32>
        %max3A_1749 = arith.maximumf %add3A_1745, %mul3A_1748 : vector<16xf32>
        %exp3A_1750 = math.exp %max3A_1749 : vector<16xf32>
        %mul3A_1751 = arith.constant 16 : i32
        %mul3A_1752 = vector.broadcast %mul3A_1751 : i32 to vector<16xi32>
        %mul3A_1753 = arith.muli %add3A_1638, %mul3A_1752 : vector<16xi32>
        %add3A_1754 = arith.constant 3 : i32
        %add3A_1755 = vector.broadcast %add3A_1754 : i32 to vector<16xi32>
        %add3A_1756 = arith.addi %mul3A_1753, %add3A_1755 : vector<16xi32>
        tpu.vector_store_idx %arg16[%add3A_1756], %exp3A_1750 : memref<2048xf32, #tpu.memory_space<vmem>>[vector<16xi32>], vector<16xf32>,
        %mul3A_1757 = arith.constant 16 : i32
        %mul3A_1758 = vector.broadcast %mul3A_1757 : i32 to vector<16xi32>
        %mul3A_1759 = arith.muli %add3A_1638, %mul3A_1758 : vector<16xi32>
        %add3A_1760 = arith.constant 7 : i32
        %add3A_1761 = vector.broadcast %add3A_1760 : i32 to vector<16xi32>
        %add3A_1762 = arith.addi %mul3A_1759, %add3A_1761 : vector<16xi32>
        tpu.vector_store_idx %arg16[%add3A_1762], %get3A_1735 : memref<2048xf32, #tpu.memory_space<vmem>>[vector<16xi32>], vector<16xf32>,
        %iota3A_1763 = tpu.iota {dimensions = array<i32: 0>} : vector<16xi32>
        %add3A_1764 = arith.constant 112 : i32
        %add3A_1765 = vector.broadcast %add3A_1764 : i32 to vector<16xi32>
        %add3A_1766 = arith.addi %iota3A_1763, %add3A_1765 : vector<16xi32>
        %get3A_1767 = arith.constant 0 : i32
        %get3A_1768 = arith.index_cast %get3A_1767 : i32 to index
        %get3A_1769 = arith.constant 112 : index
        %get3A_1770 = tpu.vector_load %arg23[%get3A_1768, %get3A_1769] {strides = array<i32>} : memref<4x128xf32, #tpu.memory_space<vmem>>, vector<16xf32>,
        %get3A_1771 = arith.constant 0 : i32
        %get3A_1772 = arith.index_cast %get3A_1771 : i32 to index
        %get3A_1773 = arith.constant 112 : index
        %get3A_1774 = tpu.vector_load %arg21[%get3A_1772, %get3A_1773] {strides = array<i32>} : memref<4x128xf32, #tpu.memory_space<vmem>>, vector<16xf32>,
        %get3A_1775 = arith.constant 0 : i32
        %get3A_1776 = arith.index_cast %get3A_1775 : i32 to index
        %get3A_1777 = arith.constant 112 : index
        %get3A_1778 = tpu.vector_load %arg22[%get3A_1776, %get3A_1777] {strides = array<i32>} : memref<4x128xf32, #tpu.memory_space<vmem>>, vector<16xf32>,
        %add3A_1779 = arith.addf %get3A_1774, %get3A_1778 : vector<16xf32>
        %add3A_1780 = arith.addf %add3A_1779, %get3A_1770 : vector<16xf32>
        %mul3A_1781 = arith.constant 2.000000e-01 : f32
        %mul3A_1782 = vector.broadcast %mul3A_1781 : f32 to vector<16xf32>
        %mul3A_1783 = arith.mulf %mul3A_1782, %add3A_1780 : vector<16xf32>
        %max3A_1784 = arith.maximumf %add3A_1780, %mul3A_1783 : vector<16xf32>
        %exp3A_1785 = math.exp %max3A_1784 : vector<16xf32>
        %mul3A_1786 = arith.constant 16 : i32
        %mul3A_1787 = vector.broadcast %mul3A_1786 : i32 to vector<16xi32>
        %mul3A_1788 = arith.muli %add3A_1766, %mul3A_1787 : vector<16xi32>
        %add3A_1789 = arith.constant 0 : i32
        %add3A_1790 = vector.broadcast %add3A_1789 : i32 to vector<16xi32>
        %add3A_1791 = arith.addi %mul3A_1788, %add3A_1790 : vector<16xi32>
        tpu.vector_store_idx %arg16[%add3A_1791], %exp3A_1785 : memref<2048xf32, #tpu.memory_space<vmem>>[vector<16xi32>], vector<16xf32>,
        %mul3A_1792 = arith.constant 16 : i32
        %mul3A_1793 = vector.broadcast %mul3A_1792 : i32 to vector<16xi32>
        %mul3A_1794 = arith.muli %add3A_1766, %mul3A_1793 : vector<16xi32>
        %add3A_1795 = arith.constant 4 : i32
        %add3A_1796 = vector.broadcast %add3A_1795 : i32 to vector<16xi32>
        %add3A_1797 = arith.addi %mul3A_1794, %add3A_1796 : vector<16xi32>
        tpu.vector_store_idx %arg16[%add3A_1797], %get3A_1770 : memref<2048xf32, #tpu.memory_space<vmem>>[vector<16xi32>], vector<16xf32>,
        %get3A_1798 = arith.constant 1 : i32
        %get3A_1799 = arith.index_cast %get3A_1798 : i32 to index
        %get3A_1800 = arith.constant 112 : index
        %get3A_1801 = tpu.vector_load %arg23[%get3A_1799, %get3A_1800] {strides = array<i32>} : memref<4x128xf32, #tpu.memory_space<vmem>>, vector<16xf32>,
        %get3A_1802 = arith.constant 1 : i32
        %get3A_1803 = arith.index_cast %get3A_1802 : i32 to index
        %get3A_1804 = arith.constant 112 : index
        %get3A_1805 = tpu.vector_load %arg21[%get3A_1803, %get3A_1804] {strides = array<i32>} : memref<4x128xf32, #tpu.memory_space<vmem>>, vector<16xf32>,
        %get3A_1806 = arith.constant 1 : i32
        %get3A_1807 = arith.index_cast %get3A_1806 : i32 to index
        %get3A_1808 = arith.constant 112 : index
        %get3A_1809 = tpu.vector_load %arg22[%get3A_1807, %get3A_1808] {strides = array<i32>} : memref<4x128xf32, #tpu.memory_space<vmem>>, vector<16xf32>,
        %add3A_1810 = arith.addf %get3A_1805, %get3A_1809 : vector<16xf32>
        %add3A_1811 = arith.addf %add3A_1810, %get3A_1801 : vector<16xf32>
        %mul3A_1812 = arith.constant 2.000000e-01 : f32
        %mul3A_1813 = vector.broadcast %mul3A_1812 : f32 to vector<16xf32>
        %mul3A_1814 = arith.mulf %mul3A_1813, %add3A_1811 : vector<16xf32>
        %max3A_1815 = arith.maximumf %add3A_1811, %mul3A_1814 : vector<16xf32>
        %exp3A_1816 = math.exp %max3A_1815 : vector<16xf32>
        %mul3A_1817 = arith.constant 16 : i32
        %mul3A_1818 = vector.broadcast %mul3A_1817 : i32 to vector<16xi32>
        %mul3A_1819 = arith.muli %add3A_1766, %mul3A_1818 : vector<16xi32>
        %add3A_1820 = arith.constant 1 : i32
        %add3A_1821 = vector.broadcast %add3A_1820 : i32 to vector<16xi32>
        %add3A_1822 = arith.addi %mul3A_1819, %add3A_1821 : vector<16xi32>
        tpu.vector_store_idx %arg16[%add3A_1822], %exp3A_1816 : memref<2048xf32, #tpu.memory_space<vmem>>[vector<16xi32>], vector<16xf32>,
        %mul3A_1823 = arith.constant 16 : i32
        %mul3A_1824 = vector.broadcast %mul3A_1823 : i32 to vector<16xi32>
        %mul3A_1825 = arith.muli %add3A_1766, %mul3A_1824 : vector<16xi32>
        %add3A_1826 = arith.constant 5 : i32
        %add3A_1827 = vector.broadcast %add3A_1826 : i32 to vector<16xi32>
        %add3A_1828 = arith.addi %mul3A_1825, %add3A_1827 : vector<16xi32>
        tpu.vector_store_idx %arg16[%add3A_1828], %get3A_1801 : memref<2048xf32, #tpu.memory_space<vmem>>[vector<16xi32>], vector<16xf32>,
        %get3A_1829 = arith.constant 2 : i32
        %get3A_1830 = arith.index_cast %get3A_1829 : i32 to index
        %get3A_1831 = arith.constant 112 : index
        %get3A_1832 = tpu.vector_load %arg23[%get3A_1830, %get3A_1831] {strides = array<i32>} : memref<4x128xf32, #tpu.memory_space<vmem>>, vector<16xf32>,
        %get3A_1833 = arith.constant 2 : i32
        %get3A_1834 = arith.index_cast %get3A_1833 : i32 to index
        %get3A_1835 = arith.constant 112 : index
        %get3A_1836 = tpu.vector_load %arg21[%get3A_1834, %get3A_1835] {strides = array<i32>} : memref<4x128xf32, #tpu.memory_space<vmem>>, vector<16xf32>,
        %get3A_1837 = arith.constant 2 : i32
        %get3A_1838 = arith.index_cast %get3A_1837 : i32 to index
        %get3A_1839 = arith.constant 112 : index
        %get3A_1840 = tpu.vector_load %arg22[%get3A_1838, %get3A_1839] {strides = array<i32>} : memref<4x128xf32, #tpu.memory_space<vmem>>, vector<16xf32>,
        %add3A_1841 = arith.addf %get3A_1836, %get3A_1840 : vector<16xf32>
        %add3A_1842 = arith.addf %add3A_1841, %get3A_1832 : vector<16xf32>
        %mul3A_1843 = arith.constant 2.000000e-01 : f32
        %mul3A_1844 = vector.broadcast %mul3A_1843 : f32 to vector<16xf32>
        %mul3A_1845 = arith.mulf %mul3A_1844, %add3A_1842 : vector<16xf32>
        %max3A_1846 = arith.maximumf %add3A_1842, %mul3A_1845 : vector<16xf32>
        %exp3A_1847 = math.exp %max3A_1846 : vector<16xf32>
        %mul3A_1848 = arith.constant 16 : i32
        %mul3A_1849 = vector.broadcast %mul3A_1848 : i32 to vector<16xi32>
        %mul3A_1850 = arith.muli %add3A_1766, %mul3A_1849 : vector<16xi32>
        %add3A_1851 = arith.constant 2 : i32
        %add3A_1852 = vector.broadcast %add3A_1851 : i32 to vector<16xi32>
        %add3A_1853 = arith.addi %mul3A_1850, %add3A_1852 : vector<16xi32>
        tpu.vector_store_idx %arg16[%add3A_1853], %exp3A_1847 : memref<2048xf32, #tpu.memory_space<vmem>>[vector<16xi32>], vector<16xf32>,
        %mul3A_1854 = arith.constant 16 : i32
        %mul3A_1855 = vector.broadcast %mul3A_1854 : i32 to vector<16xi32>
        %mul3A_1856 = arith.muli %add3A_1766, %mul3A_1855 : vector<16xi32>
        %add3A_1857 = arith.constant 6 : i32
        %add3A_1858 = vector.broadcast %add3A_1857 : i32 to vector<16xi32>
        %add3A_1859 = arith.addi %mul3A_1856, %add3A_1858 : vector<16xi32>
        tpu.vector_store_idx %arg16[%add3A_1859], %get3A_1832 : memref<2048xf32, #tpu.memory_space<vmem>>[vector<16xi32>], vector<16xf32>,
        %get3A_1860 = arith.constant 3 : i32
        %get3A_1861 = arith.index_cast %get3A_1860 : i32 to index
        %get3A_1862 = arith.constant 112 : index
        %get3A_1863 = tpu.vector_load %arg23[%get3A_1861, %get3A_1862] {strides = array<i32>} : memref<4x128xf32, #tpu.memory_space<vmem>>, vector<16xf32>,
        %get3A_1864 = arith.constant 3 : i32
        %get3A_1865 = arith.index_cast %get3A_1864 : i32 to index
        %get3A_1866 = arith.constant 112 : index
        %get3A_1867 = tpu.vector_load %arg21[%get3A_1865, %get3A_1866] {strides = array<i32>} : memref<4x128xf32, #tpu.memory_space<vmem>>, vector<16xf32>,
        %get3A_1868 = arith.constant 3 : i32
        %get3A_1869 = arith.index_cast %get3A_1868 : i32 to index
        %get3A_1870 = arith.constant 112 : index
        %get3A_1871 = tpu.vector_load %arg22[%get3A_1869, %get3A_1870] {strides = array<i32>} : memref<4x128xf32, #tpu.memory_space<vmem>>, vector<16xf32>,
        %add3A_1872 = arith.addf %get3A_1867, %get3A_1871 : vector<16xf32>
        %add3A_1873 = arith.addf %add3A_1872, %get3A_1863 : vector<16xf32>
        %mul3A_1874 = arith.constant 2.000000e-01 : f32
        %mul3A_1875 = vector.broadcast %mul3A_1874 : f32 to vector<16xf32>
        %mul3A_1876 = arith.mulf %mul3A_1875, %add3A_1873 : vector<16xf32>
        %max3A_1877 = arith.maximumf %add3A_1873, %mul3A_1876 : vector<16xf32>
        %exp3A_1878 = math.exp %max3A_1877 : vector<16xf32>
        %mul3A_1879 = arith.constant 16 : i32
        %mul3A_1880 = vector.broadcast %mul3A_1879 : i32 to vector<16xi32>
        %mul3A_1881 = arith.muli %add3A_1766, %mul3A_1880 : vector<16xi32>
        %add3A_1882 = arith.constant 3 : i32
        %add3A_1883 = vector.broadcast %add3A_1882 : i32 to vector<16xi32>
        %add3A_1884 = arith.addi %mul3A_1881, %add3A_1883 : vector<16xi32>
        tpu.vector_store_idx %arg16[%add3A_1884], %exp3A_1878 : memref<2048xf32, #tpu.memory_space<vmem>>[vector<16xi32>], vector<16xf32>,
        %mul3A_1885 = arith.constant 16 : i32
        %mul3A_1886 = vector.broadcast %mul3A_1885 : i32 to vector<16xi32>
        %mul3A_1887 = arith.muli %add3A_1766, %mul3A_1886 : vector<16xi32>
        %add3A_1888 = arith.constant 7 : i32
        %add3A_1889 = vector.broadcast %add3A_1888 : i32 to vector<16xi32>
        %add3A_1890 = arith.addi %mul3A_1887, %add3A_1889 : vector<16xi32>
        tpu.vector_store_idx %arg16[%add3A_1890], %get3A_1863 : memref<2048xf32, #tpu.memory_space<vmem>>[vector<16xi32>], vector<16xf32>,
        %dma_wait3A_1891 = arith.constant 0 : i32
        %dma_wait3A_1892 = arith.constant 0 : i32
        %dma_wait3A_1893 = tpu.memref_slice %arg10[%dma_wait3A_1891, %dma_wait3A_1892] : memref<10000x128xf32, #tpu.memory_space<hbm>> -> memref<10000x128xf32, #tpu.memory_space<hbm>>
        tpu.wait_indirect_dma semaphore(%arg26 : memref<!tpu.dma_semaphore, #tpu.memory_space<semaphore_mem>>) src(%dma_wait3A_1893 : memref<10000x128xf32, #tpu.memory_space<hbm>>) dst(%arg18 : memref<128x128xf32, #tpu.memory_space<vmem>>)
        %scan3A_1894 = arith.constant 0 : i32
        %scan3A_1895 = arith.constant 0 : i32
        %scan3A_1896 = arith.constant 128 : i32
        %scan3A_1897 = arith.addi %scan3A_1895, %scan3A_1896 : i32
        %scan3A_1898 = arith.constant 1 : i32
        %scan3A_1899 = scf.for %scan3A_1901 = %scan3A_1895 to %scan3A_1897 step %scan3A_1898 iter_args(%scan3A_1902 = %scan3A_1894) -> (i32)  : i32 {
          %mul3A_1903 = arith.constant 16 : i32
          %mul3A_1904 = arith.muli %scan3A_1901, %mul3A_1903 : i32
          %get3A_1905 = arith.index_cast %mul3A_1904 : i32 to index
          %get3A_1906 = tpu.vector_load %arg16[%get3A_1905] {strides = array<i32>} : memref<2048xf32, #tpu.memory_space<vmem>>, vector<16xf32>,
          %swap3A_1907 = arith.index_cast %scan3A_1901 : i32 to index
          %swap3A_1908 = arith.constant 0 : index
          %swap3A_1909 = tpu.vector_load %arg17[%swap3A_1907, %swap3A_1908] {strides = array<i32>} : memref<128x16xf32, #tpu.memory_space<vmem>>, vector<16xf32>,
          tpu.vector_store %arg17[%swap3A_1907, %swap3A_1908], %get3A_1906 {strides = array<i32>} : memref<128x16xf32, #tpu.memory_space<vmem>>, vector<16xf32>,
          %slice3A = vector.extract_strided_slice %get3A_1906 {offsets = [0], sizes = [1], strides = [1]} : vector<16xf32> to vector<1xf32>
          %squeeze3A = vector.extract %slice3A[0] : f32 from vector<1xf32>
          %slice3A_1910 = vector.extract_strided_slice %get3A_1906 {offsets = [0], sizes = [1], strides = [1]} : vector<16xf32> to vector<1xf32>
          %squeeze3A_1911 = vector.extract %slice3A_1910[0] : f32 from vector<1xf32>
          %slice3A_1912 = vector.extract_strided_slice %get3A_1906 {offsets = [1], sizes = [1], strides = [1]} : vector<16xf32> to vector<1xf32>
          %squeeze3A_1913 = vector.extract %slice3A_1912[0] : f32 from vector<1xf32>
          %slice3A_1914 = vector.extract_strided_slice %get3A_1906 {offsets = [1], sizes = [1], strides = [1]} : vector<16xf32> to vector<1xf32>
          %squeeze3A_1915 = vector.extract %slice3A_1914[0] : f32 from vector<1xf32>
          %slice3A_1916 = vector.extract_strided_slice %get3A_1906 {offsets = [2], sizes = [1], strides = [1]} : vector<16xf32> to vector<1xf32>
          %squeeze3A_1917 = vector.extract %slice3A_1916[0] : f32 from vector<1xf32>
          %slice3A_1918 = vector.extract_strided_slice %get3A_1906 {offsets = [2], sizes = [1], strides = [1]} : vector<16xf32> to vector<1xf32>
          %squeeze3A_1919 = vector.extract %slice3A_1918[0] : f32 from vector<1xf32>
          %slice3A_1920 = vector.extract_strided_slice %get3A_1906 {offsets = [3], sizes = [1], strides = [1]} : vector<16xf32> to vector<1xf32>
          %squeeze3A_1921 = vector.extract %slice3A_1920[0] : f32 from vector<1xf32>
          %slice3A_1922 = vector.extract_strided_slice %get3A_1906 {offsets = [3], sizes = [1], strides = [1]} : vector<16xf32> to vector<1xf32>
          %squeeze3A_1923 = vector.extract %slice3A_1922[0] : f32 from vector<1xf32>
          %get3A_1924 = arith.index_cast %scan3A_1901 : i32 to index
          %get3A_1925 = arith.constant 0 : index
          %get3A_1926 = tpu.vector_load %arg18[%get3A_1924, %get3A_1925] {strides = array<i32>} : memref<128x128xf32, #tpu.memory_space<vmem>>, vector<16xf32>,
          %mul3A_1927 = vector.broadcast %squeeze3A : f32 to vector<16xf32>
          %mul3A_1928 = arith.mulf %get3A_1926, %mul3A_1927 : vector<16xf32>
          %swap3A_1929 = arith.index_cast %scan3A_1901 : i32 to index
          %swap3A_1930 = arith.constant 0 : index
          %swap3A_1931 = tpu.vector_load %arg18[%swap3A_1929, %swap3A_1930] {strides = array<i32>} : memref<128x128xf32, #tpu.memory_space<vmem>>, vector<16xf32>,
          tpu.vector_store %arg18[%swap3A_1929, %swap3A_1930], %mul3A_1928 {strides = array<i32>} : memref<128x128xf32, #tpu.memory_space<vmem>>, vector<16xf32>,
          %get3A_1932 = arith.index_cast %scan3A_1901 : i32 to index
          %get3A_1933 = arith.constant 16 : index
          %get3A_1934 = tpu.vector_load %arg18[%get3A_1932, %get3A_1933] {strides = array<i32>} : memref<128x128xf32, #tpu.memory_space<vmem>>, vector<16xf32>,
          %mul3A_1935 = vector.broadcast %squeeze3A_1911 : f32 to vector<16xf32>
          %mul3A_1936 = arith.mulf %get3A_1934, %mul3A_1935 : vector<16xf32>
          %swap3A_1937 = arith.index_cast %scan3A_1901 : i32 to index
          %swap3A_1938 = arith.constant 16 : index
          %swap3A_1939 = tpu.vector_load %arg18[%swap3A_1937, %swap3A_1938] {strides = array<i32>} : memref<128x128xf32, #tpu.memory_space<vmem>>, vector<16xf32>,
          tpu.vector_store %arg18[%swap3A_1937, %swap3A_1938], %mul3A_1936 {strides = array<i32>} : memref<128x128xf32, #tpu.memory_space<vmem>>, vector<16xf32>,
          %get3A_1940 = arith.index_cast %scan3A_1901 : i32 to index
          %get3A_1941 = arith.constant 32 : index
          %get3A_1942 = tpu.vector_load %arg18[%get3A_1940, %get3A_1941] {strides = array<i32>} : memref<128x128xf32, #tpu.memory_space<vmem>>, vector<16xf32>,
          %mul3A_1943 = vector.broadcast %squeeze3A_1913 : f32 to vector<16xf32>
          %mul3A_1944 = arith.mulf %get3A_1942, %mul3A_1943 : vector<16xf32>
          %swap3A_1945 = arith.index_cast %scan3A_1901 : i32 to index
          %swap3A_1946 = arith.constant 32 : index
          %swap3A_1947 = tpu.vector_load %arg18[%swap3A_1945, %swap3A_1946] {strides = array<i32>} : memref<128x128xf32, #tpu.memory_space<vmem>>, vector<16xf32>,
          tpu.vector_store %arg18[%swap3A_1945, %swap3A_1946], %mul3A_1944 {strides = array<i32>} : memref<128x128xf32, #tpu.memory_space<vmem>>, vector<16xf32>,
          %get3A_1948 = arith.index_cast %scan3A_1901 : i32 to index
          %get3A_1949 = arith.constant 48 : index
          %get3A_1950 = tpu.vector_load %arg18[%get3A_1948, %get3A_1949] {strides = array<i32>} : memref<128x128xf32, #tpu.memory_space<vmem>>, vector<16xf32>,
          %mul3A_1951 = vector.broadcast %squeeze3A_1915 : f32 to vector<16xf32>
          %mul3A_1952 = arith.mulf %get3A_1950, %mul3A_1951 : vector<16xf32>
          %swap3A_1953 = arith.index_cast %scan3A_1901 : i32 to index
          %swap3A_1954 = arith.constant 48 : index
          %swap3A_1955 = tpu.vector_load %arg18[%swap3A_1953, %swap3A_1954] {strides = array<i32>} : memref<128x128xf32, #tpu.memory_space<vmem>>, vector<16xf32>,
          tpu.vector_store %arg18[%swap3A_1953, %swap3A_1954], %mul3A_1952 {strides = array<i32>} : memref<128x128xf32, #tpu.memory_space<vmem>>, vector<16xf32>,
          %get3A_1956 = arith.index_cast %scan3A_1901 : i32 to index
          %get3A_1957 = arith.constant 64 : index
          %get3A_1958 = tpu.vector_load %arg18[%get3A_1956, %get3A_1957] {strides = array<i32>} : memref<128x128xf32, #tpu.memory_space<vmem>>, vector<16xf32>,
          %mul3A_1959 = vector.broadcast %squeeze3A_1917 : f32 to vector<16xf32>
          %mul3A_1960 = arith.mulf %get3A_1958, %mul3A_1959 : vector<16xf32>
          %swap3A_1961 = arith.index_cast %scan3A_1901 : i32 to index
          %swap3A_1962 = arith.constant 64 : index
          %swap3A_1963 = tpu.vector_load %arg18[%swap3A_1961, %swap3A_1962] {strides = array<i32>} : memref<128x128xf32, #tpu.memory_space<vmem>>, vector<16xf32>,
          tpu.vector_store %arg18[%swap3A_1961, %swap3A_1962], %mul3A_1960 {strides = array<i32>} : memref<128x128xf32, #tpu.memory_space<vmem>>, vector<16xf32>,
          %get3A_1964 = arith.index_cast %scan3A_1901 : i32 to index
          %get3A_1965 = arith.constant 80 : index
          %get3A_1966 = tpu.vector_load %arg18[%get3A_1964, %get3A_1965] {strides = array<i32>} : memref<128x128xf32, #tpu.memory_space<vmem>>, vector<16xf32>,
          %mul3A_1967 = vector.broadcast %squeeze3A_1919 : f32 to vector<16xf32>
          %mul3A_1968 = arith.mulf %get3A_1966, %mul3A_1967 : vector<16xf32>
          %swap3A_1969 = arith.index_cast %scan3A_1901 : i32 to index
          %swap3A_1970 = arith.constant 80 : index
          %swap3A_1971 = tpu.vector_load %arg18[%swap3A_1969, %swap3A_1970] {strides = array<i32>} : memref<128x128xf32, #tpu.memory_space<vmem>>, vector<16xf32>,
          tpu.vector_store %arg18[%swap3A_1969, %swap3A_1970], %mul3A_1968 {strides = array<i32>} : memref<128x128xf32, #tpu.memory_space<vmem>>, vector<16xf32>,
          %get3A_1972 = arith.index_cast %scan3A_1901 : i32 to index
          %get3A_1973 = arith.constant 96 : index
          %get3A_1974 = tpu.vector_load %arg18[%get3A_1972, %get3A_1973] {strides = array<i32>} : memref<128x128xf32, #tpu.memory_space<vmem>>, vector<16xf32>,
          %mul3A_1975 = vector.broadcast %squeeze3A_1921 : f32 to vector<16xf32>
          %mul3A_1976 = arith.mulf %get3A_1974, %mul3A_1975 : vector<16xf32>
          %swap3A_1977 = arith.index_cast %scan3A_1901 : i32 to index
          %swap3A_1978 = arith.constant 96 : index
          %swap3A_1979 = tpu.vector_load %arg18[%swap3A_1977, %swap3A_1978] {strides = array<i32>} : memref<128x128xf32, #tpu.memory_space<vmem>>, vector<16xf32>,
          tpu.vector_store %arg18[%swap3A_1977, %swap3A_1978], %mul3A_1976 {strides = array<i32>} : memref<128x128xf32, #tpu.memory_space<vmem>>, vector<16xf32>,
          %get3A_1980 = arith.index_cast %scan3A_1901 : i32 to index
          %get3A_1981 = arith.constant 112 : index
          %get3A_1982 = tpu.vector_load %arg18[%get3A_1980, %get3A_1981] {strides = array<i32>} : memref<128x128xf32, #tpu.memory_space<vmem>>, vector<16xf32>,
          %mul3A_1983 = vector.broadcast %squeeze3A_1923 : f32 to vector<16xf32>
          %mul3A_1984 = arith.mulf %get3A_1982, %mul3A_1983 : vector<16xf32>
          %swap3A_1985 = arith.index_cast %scan3A_1901 : i32 to index
          %swap3A_1986 = arith.constant 112 : index
          %swap3A_1987 = tpu.vector_load %arg18[%swap3A_1985, %swap3A_1986] {strides = array<i32>} : memref<128x128xf32, #tpu.memory_space<vmem>>, vector<16xf32>,
          tpu.vector_store %arg18[%swap3A_1985, %swap3A_1986], %mul3A_1984 {strides = array<i32>} : memref<128x128xf32, #tpu.memory_space<vmem>>, vector<16xf32>,
          %scan3A_1988 = arith.constant 0 : i32
          scf.yield %scan3A_1988 : i32
        }
        %scan3A_1900 = arith.constant 128 : i32
        "tpu.region"() ({
          %run_scoped3A_1901 = tpu.sem_alloc : memref<!tpu.dma_semaphore, #tpu.memory_space<semaphore_mem>>
          %dma_start3A_1902 = arith.constant 0 : i32
          %dma_start3A_1903 = arith.constant 0 : i32
          %dma_start3A_1904 = tpu.memref_slice %arg25[%dma_start3A_1902, %dma_start3A_1903] : memref<10240x128xf32, #tpu.memory_space<vmem_shared>> -> memref<10240x128xf32, #tpu.memory_space<vmem_shared>>
          tpu.enqueue_indirect_dma source(%arg18 : memref<128x128xf32, #tpu.memory_space<vmem>>) target(%dma_start3A_1904 : memref<10240x128xf32, #tpu.memory_space<vmem_shared>>) offsets(%arg15 : memref<128xi32, #tpu.memory_space<vmem>>) semaphore(%run_scoped3A_1901 : memref<!tpu.dma_semaphore, #tpu.memory_space<semaphore_mem>>) {add = true}
          %dma_wait3A_1905 = arith.constant 0 : i32
          %dma_wait3A_1906 = arith.constant 0 : i32
          %dma_wait3A_1907 = tpu.memref_slice %arg25[%dma_wait3A_1905, %dma_wait3A_1906] : memref<10240x128xf32, #tpu.memory_space<vmem_shared>> -> memref<10240x128xf32, #tpu.memory_space<vmem_shared>>
          tpu.wait_indirect_dma semaphore(%run_scoped3A_1901 : memref<!tpu.dma_semaphore, #tpu.memory_space<semaphore_mem>>) src(%arg18 : memref<128x128xf32, #tpu.memory_space<vmem>>) dst(%dma_wait3A_1907 : memref<10240x128xf32, #tpu.memory_space<vmem_shared>>)
          tpu.yield
        }) : () -> ()
        "tpu.region"() ({
          %run_scoped3A_1901 = tpu.sem_alloc : memref<!tpu.dma_semaphore, #tpu.memory_space<semaphore_mem>>
          %dma_start3A_1902 = arith.constant 0 : i32
          %dma_start3A_1903 = arith.constant 0 : i32
          %dma_start3A_1904 = tpu.memref_slice %arg24[%dma_start3A_1902, %dma_start3A_1903] : memref<10240x16xf32, #tpu.memory_space<vmem_shared>> -> memref<10240x16xf32, #tpu.memory_space<vmem_shared>>
          tpu.enqueue_indirect_dma source(%arg17 : memref<128x16xf32, #tpu.memory_space<vmem>>) target(%dma_start3A_1904 : memref<10240x16xf32, #tpu.memory_space<vmem_shared>>) offsets(%arg15 : memref<128xi32, #tpu.memory_space<vmem>>) semaphore(%run_scoped3A_1901 : memref<!tpu.dma_semaphore, #tpu.memory_space<semaphore_mem>>) {add = true}
          %dma_wait3A_1905 = arith.constant 0 : i32
          %dma_wait3A_1906 = arith.constant 0 : i32
          %dma_wait3A_1907 = tpu.memref_slice %arg24[%dma_wait3A_1905, %dma_wait3A_1906] : memref<10240x16xf32, #tpu.memory_space<vmem_shared>> -> memref<10240x16xf32, #tpu.memory_space<vmem_shared>>
          tpu.wait_indirect_dma semaphore(%run_scoped3A_1901 : memref<!tpu.dma_semaphore, #tpu.memory_space<semaphore_mem>>) src(%arg17 : memref<128x16xf32, #tpu.memory_space<vmem>>) dst(%dma_wait3A_1907 : memref<10240x16xf32, #tpu.memory_space<vmem_shared>>)
          tpu.yield
        }) : () -> ()
      } else {
      }
      %scan3A_130 = arith.constant 0 : i32
      scf.yield %scan3A_130 : i32
    }
    %scan3A_121 = arith.constant 79 : i32
    %barrier3A_122 = arith.constant 0 : index
    tpu.barrier barrier_id(%barrier3A_122)
    "tpu.region"() ({
      %run_scoped3A = tpu.sem_alloc : memref<!tpu.dma_semaphore, #tpu.memory_space<semaphore_mem>>
      %dma_start3A = arith.constant 0 : i32
      %dma_start3A_123 = tpu.memref_slice %arg11[%arg0, %mul3A_8, %dma_start3A] : memref<2x10240x128xf32, #tpu.memory_space<hbm>> -> memref<1x640x128xf32, #tpu.memory_space<hbm>>
      %dma_start3A_124 = tpu.memref_squeeze %dma_start3A_123 : memref<1x640x128xf32, #tpu.memory_space<hbm>> -> memref<640x128xf32, #tpu.memory_space<hbm>>
      %dma_start3A_125 = arith.constant 0 : i32
      %dma_start3A_126 = tpu.memref_slice %arg25[%mul3A_8, %dma_start3A_125] : memref<10240x128xf32, #tpu.memory_space<vmem_shared>> -> memref<640x128xf32, #tpu.memory_space<vmem_shared>>
      tpu.enqueue_dma source(%dma_start3A_126 : memref<640x128xf32, #tpu.memory_space<vmem_shared>>) target(%dma_start3A_124 : memref<640x128xf32, #tpu.memory_space<hbm>>) target_semaphore(%run_scoped3A : memref<!tpu.dma_semaphore, #tpu.memory_space<semaphore_mem>>)
      %dma_wait3A = arith.constant 0 : i32
      %dma_wait3A_127 = tpu.memref_slice %arg11[%arg0, %mul3A_8, %dma_wait3A] : memref<2x10240x128xf32, #tpu.memory_space<hbm>> -> memref<1x640x128xf32, #tpu.memory_space<hbm>>
      %dma_wait3A_128 = tpu.memref_squeeze %dma_wait3A_127 : memref<1x640x128xf32, #tpu.memory_space<hbm>> -> memref<640x128xf32, #tpu.memory_space<hbm>>
      %dma_wait3A_129 = arith.constant 0 : i32
      %dma_wait3A_130 = tpu.memref_slice %arg25[%mul3A_8, %dma_wait3A_129] : memref<10240x128xf32, #tpu.memory_space<vmem_shared>> -> memref<640x128xf32, #tpu.memory_space<vmem_shared>>
      tpu.wait_dma2 semaphore(%run_scoped3A : memref<!tpu.dma_semaphore, #tpu.memory_space<semaphore_mem>>) src(%dma_wait3A_130 : memref<640x128xf32, #tpu.memory_space<vmem_shared>>) dst(%dma_wait3A_128 : memref<640x128xf32, #tpu.memory_space<hbm>>)
      tpu.yield
    }) : () -> ()
    "tpu.region"() ({
      %run_scoped3A = tpu.sem_alloc : memref<!tpu.dma_semaphore, #tpu.memory_space<semaphore_mem>>
      %dma_start3A = arith.constant 0 : i32
      %dma_start3A_123 = tpu.memref_slice %arg12[%arg0, %mul3A_8, %dma_start3A] : memref<2x10240x16xf32, #tpu.memory_space<hbm>> -> memref<1x640x16xf32, #tpu.memory_space<hbm>>
      %dma_start3A_124 = tpu.memref_squeeze %dma_start3A_123 : memref<1x640x16xf32, #tpu.memory_space<hbm>> -> memref<640x16xf32, #tpu.memory_space<hbm>>
      %dma_start3A_125 = arith.constant 0 : i32
      %dma_start3A_126 = tpu.memref_slice %arg24[%mul3A_8, %dma_start3A_125] : memref<10240x16xf32, #tpu.memory_space<vmem_shared>> -> memref<640x16xf32, #tpu.memory_space<vmem_shared>>
      tpu.enqueue_dma source(%dma_start3A_126 : memref<640x16xf32, #tpu.memory_space<vmem_shared>>) target(%dma_start3A_124 : memref<640x16xf32, #tpu.memory_space<hbm>>) target_semaphore(%run_scoped3A : memref<!tpu.dma_semaphore, #tpu.memory_space<semaphore_mem>>)
      %dma_wait3A = arith.constant 0 : i32
      %dma_wait3A_127 = tpu.memref_slice %arg12[%arg0, %mul3A_8, %dma_wait3A] : memref<2x10240x16xf32, #tpu.memory_space<hbm>> -> memref<1x640x16xf32, #tpu.memory_space<hbm>>
      %dma_wait3A_128 = tpu.memref_squeeze %dma_wait3A_127 : memref<1x640x16xf32, #tpu.memory_space<hbm>> -> memref<640x16xf32, #tpu.memory_space<hbm>>
      %dma_wait3A_129 = arith.constant 0 : i32
      %dma_wait3A_130 = tpu.memref_slice %arg24[%mul3A_8, %dma_wait3A_129] : memref<10240x16xf32, #tpu.memory_space<vmem_shared>> -> memref<640x16xf32, #tpu.memory_space<vmem_shared>>
      tpu.wait_dma2 semaphore(%run_scoped3A : memref<!tpu.dma_semaphore, #tpu.memory_space<semaphore_mem>>) src(%dma_wait3A_130 : memref<640x16xf32, #tpu.memory_space<vmem_shared>>) dst(%dma_wait3A_128 : memref<640x16xf32, #tpu.memory_space<hbm>>)
      tpu.yield
    }) : () -> ()
    return
  }
}

module attributes {stable_mosaic.version = 14 : i64} {
  func.func @_edge_body(%arg0: i32, %arg1: memref<4x16xf32, #tpu.memory_space<vmem>>, %arg2: memref<3200x16xf32, #tpu.memory_space<vmem>>, %arg3: memref<4x3200xf32, #tpu.memory_space<vmem>>) attributes {dimension_semantics = [#tpu.dimension_semantics<arbitrary>], iteration_bounds = array<i64: 100>, scalar_prefetch = 0 : i64, scratch_operands = 0 : i64, tpu.core_type = #tpu.core_type<tc>, window_params = [{pipeline_mode = #tpu.pipeline_mode<synchronous>, transform_indices = @transform_0, window_bounds = array<i64: 4, 16>}, {transform_indices = @transform_1, window_bounds = array<i64: 3200, 16>}, {transform_indices = @transform_2, window_bounds = array<i64: 4, 3200>}]} {
    %get3A = arith.constant 0 : index
    %get3A_0 = arith.constant 0 : index
    %get3A_1 = vector.load %arg1[%get3A, %get3A_0] : memref<4x16xf32, #tpu.memory_space<vmem>>, vector<4x16xf32>
    %get3A_2 = arith.constant 0 : index
    %get3A_3 = arith.constant 0 : index
    %get3A_4 = vector.load %arg2[%get3A_2, %get3A_3] : memref<3200x16xf32, #tpu.memory_space<vmem>>, vector<3200x16xf32>
    %dot_general3A = arith.constant dense<0.000000e+00> : vector<4x3200xf32>
    %dot_general3A_5 = tpu.matmul %get3A_1, %get3A_4, %dot_general3A {dimension_numbers = #tpu.dot_dimension_numbers<[1], [1], [0], [0], [0, 0, 1, 0], [], []>, transpose_lhs_hint = false} : vector<4x16xf32>, vector<3200x16xf32>, vector<4x3200xf32> -> vector<4x3200xf32>
    %swap3A = arith.constant 0 : index
    %swap3A_6 = arith.constant 0 : index
    %swap3A_7 = vector.load %arg3[%swap3A, %swap3A_6] : memref<4x3200xf32, #tpu.memory_space<vmem>>, vector<4x3200xf32>
    tpu.vector_store %arg3[%swap3A, %swap3A_6], %dot_general3A_5 {strides = array<i32>} : memref<4x3200xf32, #tpu.memory_space<vmem>>, vector<4x3200xf32>,
    return
  }
  func.func @transform_0(%arg0: i32) -> (i32, i32) {
    %c0_i32 = arith.constant 0 : i32
    %c0_i32_0 = arith.constant 0 : i32
    %c0_i32_1 = arith.constant 0 : i32
    return %c0_i32, %c0_i32_0 : i32, i32
  }
  func.func @transform_1(%arg0: i32) -> (i32, i32) {
    %c0_i32 = arith.constant 0 : i32
    %c0_i32_0 = arith.constant 0 : i32
    return %arg0, %c0_i32 : i32, i32
  }
  func.func @transform_2(%arg0: i32) -> (i32, i32) {
    %c0_i32 = arith.constant 0 : i32
    %c0_i32_0 = arith.constant 0 : i32
    return %c0_i32, %arg0 : i32, i32
  }
}

module attributes {stable_mosaic.version = 14 : i64} {
  func.func @_pre_body(%arg0: i32, %arg1: memref<400x128xf32, #tpu.memory_space<vmem>>, %arg2: memref<128x128xf32, #tpu.memory_space<vmem>>, %arg3: memref<128x8xf32, #tpu.memory_space<vmem>>, %arg4: memref<400x128xf32, #tpu.memory_space<vmem>>, %arg5: memref<400x8xf32, #tpu.memory_space<vmem>>) attributes {dimension_semantics = [#tpu.dimension_semantics<arbitrary>], iteration_bounds = array<i64: 25>, scalar_prefetch = 0 : i64, scratch_operands = 0 : i64, tpu.core_type = #tpu.core_type<tc>, window_params = [{transform_indices = @transform_0, window_bounds = array<i64: 400, 128>}, {pipeline_mode = #tpu.pipeline_mode<synchronous>, transform_indices = @transform_1, window_bounds = array<i64: 128, 128>}, {pipeline_mode = #tpu.pipeline_mode<synchronous>, transform_indices = @transform_2, window_bounds = array<i64: 128, 8>}, {transform_indices = @transform_3, window_bounds = array<i64: 400, 128>}, {transform_indices = @transform_4, window_bounds = array<i64: 400, 8>}]} {
    %get3A = arith.constant 0 : index
    %get3A_0 = arith.constant 0 : index
    %get3A_1 = vector.load %arg1[%get3A, %get3A_0] : memref<400x128xf32, #tpu.memory_space<vmem>>, vector<400x128xf32>
    %get3A_2 = arith.constant 0 : index
    %get3A_3 = arith.constant 0 : index
    %get3A_4 = vector.load %arg2[%get3A_2, %get3A_3] : memref<128x128xf32, #tpu.memory_space<vmem>>, vector<128x128xf32>
    %dot_general3A = arith.constant dense<0.000000e+00> : vector<400x128xf32>
    %dot_general3A_5 = tpu.matmul %get3A_1, %get3A_4, %dot_general3A {dimension_numbers = #tpu.dot_dimension_numbers<[1], [0], [0], [1], [0, 0, 1, 1], [], []>, transpose_lhs_hint = false} : vector<400x128xf32>, vector<128x128xf32>, vector<400x128xf32> -> vector<400x128xf32>
    %swap3A = arith.constant 0 : index
    %swap3A_6 = arith.constant 0 : index
    %swap3A_7 = vector.load %arg4[%swap3A, %swap3A_6] : memref<400x128xf32, #tpu.memory_space<vmem>>, vector<400x128xf32>
    tpu.vector_store %arg4[%swap3A, %swap3A_6], %dot_general3A_5 {strides = array<i32>} : memref<400x128xf32, #tpu.memory_space<vmem>>, vector<400x128xf32>,
    %get3A_8 = arith.constant 0 : index
    %get3A_9 = arith.constant 0 : index
    %get3A_10 = vector.load %arg3[%get3A_8, %get3A_9] : memref<128x8xf32, #tpu.memory_space<vmem>>, vector<128x8xf32>
    %dot_general3A_11 = arith.constant dense<0.000000e+00> : vector<400x8xf32>
    %dot_general3A_12 = tpu.matmul %get3A_1, %get3A_10, %dot_general3A_11 {dimension_numbers = #tpu.dot_dimension_numbers<[1], [0], [0], [1], [0, 0, 1, 1], [], []>, transpose_lhs_hint = false} : vector<400x128xf32>, vector<128x8xf32>, vector<400x8xf32> -> vector<400x8xf32>
    %swap3A_13 = arith.constant 0 : index
    %swap3A_14 = arith.constant 0 : index
    %swap3A_15 = vector.load %arg5[%swap3A_13, %swap3A_14] : memref<400x8xf32, #tpu.memory_space<vmem>>, vector<400x8xf32>
    tpu.vector_store %arg5[%swap3A_13, %swap3A_14], %dot_general3A_12 {strides = array<i32>} : memref<400x8xf32, #tpu.memory_space<vmem>>, vector<400x8xf32>,
    return
  }
  func.func @transform_0(%arg0: i32) -> (i32, i32) {
    %c0_i32 = arith.constant 0 : i32
    %c0_i32_0 = arith.constant 0 : i32
    return %arg0, %c0_i32 : i32, i32
  }
  func.func @transform_1(%arg0: i32) -> (i32, i32) {
    %c0_i32 = arith.constant 0 : i32
    %c0_i32_0 = arith.constant 0 : i32
    %c0_i32_1 = arith.constant 0 : i32
    return %c0_i32, %c0_i32_0 : i32, i32
  }
  func.func @transform_2(%arg0: i32) -> (i32, i32) {
    %c0_i32 = arith.constant 0 : i32
    %c0_i32_0 = arith.constant 0 : i32
    %c0_i32_1 = arith.constant 0 : i32
    return %c0_i32, %c0_i32_0 : i32, i32
  }
  func.func @transform_3(%arg0: i32) -> (i32, i32) {
    %c0_i32 = arith.constant 0 : i32
    %c0_i32_0 = arith.constant 0 : i32
    return %arg0, %c0_i32 : i32, i32
  }
  func.func @transform_4(%arg0: i32) -> (i32, i32) {
    %c0_i32 = arith.constant 0 : i32
    %c0_i32_0 = arith.constant 0 : i32
    return %arg0, %c0_i32 : i32, i32
  }
}

module attributes {stable_mosaic.version = 14 : i64} {
  func.func @_post_body(%arg0: i32, %arg1: memref<2x400x128xf32, #tpu.memory_space<vmem>>, %arg2: memref<2x400x16xf32, #tpu.memory_space<vmem>>, %arg3: memref<400x8xf32, #tpu.memory_space<vmem>>, %arg4: memref<400x128xf32, #tpu.memory_space<vmem>>, %arg5: memref<4x128xf32, #tpu.memory_space<vmem>>, %arg6: memref<1x128xf32, #tpu.memory_space<vmem>>, %arg7: memref<400x128xf32, #tpu.memory_space<vmem>>) attributes {dimension_semantics = [#tpu.dimension_semantics<arbitrary>], iteration_bounds = array<i64: 25>, scalar_prefetch = 0 : i64, scratch_operands = 0 : i64, tpu.core_type = #tpu.core_type<tc>, window_params = [{transform_indices = @transform_0, window_bounds = array<i64: 2, 400, 128>}, {transform_indices = @transform_1, window_bounds = array<i64: 2, 400, 16>}, {transform_indices = @transform_2, window_bounds = array<i64: 400, 8>}, {transform_indices = @transform_3, window_bounds = array<i64: 400, 128>}, {pipeline_mode = #tpu.pipeline_mode<synchronous>, transform_indices = @transform_4, window_bounds = array<i64: 4, 128>}, {pipeline_mode = #tpu.pipeline_mode<synchronous>, transform_indices = @transform_5, window_bounds = array<i64: 1, 128>}, {transform_indices = @transform_6, window_bounds = array<i64: 400, 128>}]} {
    %get3A = arith.constant 0 : index
    %get3A_0 = arith.constant 0 : index
    %get3A_1 = arith.constant 0 : index
    %get3A_2 = vector.load %arg2[%get3A, %get3A_0, %get3A_1] : memref<2x400x16xf32, #tpu.memory_space<vmem>>, vector<1x400x16xf32>
    %get3A_3 = vector.shape_cast %get3A_2 : vector<1x400x16xf32> to vector<400x16xf32>
    %get3A_4 = arith.constant 1 : index
    %get3A_5 = arith.constant 0 : index
    %get3A_6 = arith.constant 0 : index
    %get3A_7 = vector.load %arg2[%get3A_4, %get3A_5, %get3A_6] : memref<2x400x16xf32, #tpu.memory_space<vmem>>, vector<1x400x16xf32>
    %get3A_8 = vector.shape_cast %get3A_7 : vector<1x400x16xf32> to vector<400x16xf32>
    %add3A = arith.addf %get3A_3, %get3A_8 : vector<400x16xf32>
    %slice3A = vector.extract_strided_slice %add3A {offsets = [0, 0], sizes = [400, 4], strides = [1, 1]} : vector<400x16xf32> to vector<400x4xf32>
    %slice3A_9 = vector.extract_strided_slice %add3A {offsets = [0, 4], sizes = [400, 4], strides = [1, 1]} : vector<400x16xf32> to vector<400x4xf32>
    %slice3A_10 = vector.extract_strided_slice %add3A {offsets = [0, 8], sizes = [400, 1], strides = [1, 1]} : vector<400x16xf32> to vector<400x1xf32>
    %max3A = arith.constant 1.000000e+00 : f32
    %max3A_11 = vector.broadcast %max3A : f32 to vector<400x1xf32>
    %max3A_12 = arith.maximumf %slice3A_10, %max3A_11 : vector<400x1xf32>
    %div3A = vector.broadcast %max3A_12 : vector<400x1xf32> to vector<400x4xf32>
    %div3A_13 = arith.divf %slice3A_9, %div3A : vector<400x4xf32>
    %get3A_14 = arith.constant 0 : index
    %get3A_15 = arith.constant 0 : index
    %get3A_16 = vector.load %arg3[%get3A_14, %get3A_15] : memref<400x8xf32, #tpu.memory_space<vmem>>, vector<400x8xf32>
    %slice3A_17 = vector.extract_strided_slice %get3A_16 {offsets = [0, 0], sizes = [400, 4], strides = [1, 1]} : vector<400x8xf32> to vector<400x4xf32>
    %slice3A_18 = vector.extract_strided_slice %get3A_16 {offsets = [0, 4], sizes = [400, 4], strides = [1, 1]} : vector<400x8xf32> to vector<400x4xf32>
    %add3A_19 = arith.addf %slice3A_17, %slice3A_18 : vector<400x4xf32>
    %add3A_20 = arith.addf %add3A_19, %div3A_13 : vector<400x4xf32>
    %mul3A = arith.constant 2.000000e-01 : f32
    %mul3A_21 = vector.broadcast %mul3A : f32 to vector<400x4xf32>
    %mul3A_22 = arith.mulf %mul3A_21, %add3A_20 : vector<400x4xf32>
    %max3A_23 = arith.maximumf %add3A_20, %mul3A_22 : vector<400x4xf32>
    %exp3A = math.exp %max3A_23 : vector<400x4xf32>
    %add3A_24 = arith.addf %slice3A, %exp3A : vector<400x4xf32>
    %div3A_25 = arith.constant 1.000000e+00 : f32
    %div3A_26 = vector.broadcast %div3A_25 : f32 to vector<400x4xf32>
    %div3A_27 = arith.divf %div3A_26, %add3A_24 : vector<400x4xf32>
    %get3A_28 = arith.constant 0 : index
    %get3A_29 = arith.constant 0 : index
    %get3A_30 = vector.load %arg5[%get3A_28, %get3A_29] : memref<4x128xf32, #tpu.memory_space<vmem>>, vector<4x128xf32>
    %dot_general3A = arith.constant dense<0.000000e+00> : vector<400x128xf32>
    %dot_general3A_31 = tpu.matmul %exp3A, %get3A_30, %dot_general3A {dimension_numbers = #tpu.dot_dimension_numbers<[1], [0], [0], [1], [0, 0, 1, 1], [], []>, transpose_lhs_hint = false} : vector<400x4xf32>, vector<4x128xf32>, vector<400x128xf32> -> vector<400x128xf32>
    %dot_general3A_32 = arith.constant dense<0.000000e+00> : vector<400x128xf32>
    %dot_general3A_33 = tpu.matmul %div3A_27, %get3A_30, %dot_general3A_32 {dimension_numbers = #tpu.dot_dimension_numbers<[1], [0], [0], [1], [0, 0, 1, 1], [], []>, transpose_lhs_hint = false} : vector<400x4xf32>, vector<4x128xf32>, vector<400x128xf32> -> vector<400x128xf32>
    %get3A_34 = arith.constant 0 : index
    %get3A_35 = arith.constant 0 : index
    %get3A_36 = arith.constant 0 : index
    %get3A_37 = vector.load %arg1[%get3A_34, %get3A_35, %get3A_36] : memref<2x400x128xf32, #tpu.memory_space<vmem>>, vector<1x400x128xf32>
    %get3A_38 = vector.shape_cast %get3A_37 : vector<1x400x128xf32> to vector<400x128xf32>
    %get3A_39 = arith.constant 1 : index
    %get3A_40 = arith.constant 0 : index
    %get3A_41 = arith.constant 0 : index
    %get3A_42 = vector.load %arg1[%get3A_39, %get3A_40, %get3A_41] : memref<2x400x128xf32, #tpu.memory_space<vmem>>, vector<1x400x128xf32>
    %get3A_43 = vector.shape_cast %get3A_42 : vector<1x400x128xf32> to vector<400x128xf32>
    %add3A_44 = arith.addf %get3A_38, %get3A_43 : vector<400x128xf32>
    %get3A_45 = arith.constant 0 : index
    %get3A_46 = arith.constant 0 : index
    %get3A_47 = vector.load %arg4[%get3A_45, %get3A_46] : memref<400x128xf32, #tpu.memory_space<vmem>>, vector<400x128xf32>
    %mul3A_48 = arith.mulf %dot_general3A_31, %get3A_47 : vector<400x128xf32>
    %add3A_49 = arith.addf %add3A_44, %mul3A_48 : vector<400x128xf32>
    %mul3A_50 = arith.mulf %add3A_49, %dot_general3A_33 : vector<400x128xf32>
    %get3A_51 = arith.constant 0 : index
    %get3A_52 = arith.constant 0 : index
    %get3A_53 = vector.load %arg6[%get3A_51, %get3A_52] : memref<1x128xf32, #tpu.memory_space<vmem>>, vector<1x128xf32>
    %add3A_54 = vector.broadcast %get3A_53 : vector<1x128xf32> to vector<400x128xf32>
    %add3A_55 = arith.addf %mul3A_50, %add3A_54 : vector<400x128xf32>
    %swap3A = arith.constant 0 : index
    %swap3A_56 = arith.constant 0 : index
    %swap3A_57 = vector.load %arg7[%swap3A, %swap3A_56] : memref<400x128xf32, #tpu.memory_space<vmem>>, vector<400x128xf32>
    tpu.vector_store %arg7[%swap3A, %swap3A_56], %add3A_55 {strides = array<i32>} : memref<400x128xf32, #tpu.memory_space<vmem>>, vector<400x128xf32>,
    return
  }
  func.func @transform_0(%arg0: i32) -> (i32, i32, i32) {
    %c0_i32 = arith.constant 0 : i32
    %c0_i32_0 = arith.constant 0 : i32
    %c0_i32_1 = arith.constant 0 : i32
    return %c0_i32, %arg0, %c0_i32_0 : i32, i32, i32
  }
  func.func @transform_1(%arg0: i32) -> (i32, i32, i32) {
    %c0_i32 = arith.constant 0 : i32
    %c0_i32_0 = arith.constant 0 : i32
    %c0_i32_1 = arith.constant 0 : i32
    return %c0_i32, %arg0, %c0_i32_0 : i32, i32, i32
  }
  func.func @transform_2(%arg0: i32) -> (i32, i32) {
    %c0_i32 = arith.constant 0 : i32
    %c0_i32_0 = arith.constant 0 : i32
    return %arg0, %c0_i32 : i32, i32
  }
  func.func @transform_3(%arg0: i32) -> (i32, i32) {
    %c0_i32 = arith.constant 0 : i32
    %c0_i32_0 = arith.constant 0 : i32
    return %arg0, %c0_i32 : i32, i32
  }
  func.func @transform_4(%arg0: i32) -> (i32, i32) {
    %c0_i32 = arith.constant 0 : i32
    %c0_i32_0 = arith.constant 0 : i32
    %c0_i32_1 = arith.constant 0 : i32
    return %c0_i32, %c0_i32_0 : i32, i32
  }
  func.func @transform_5(%arg0: i32) -> (i32, i32) {
    %c0_i32 = arith.constant 0 : i32
    %c0_i32_0 = arith.constant 0 : i32
    %c0_i32_1 = arith.constant 0 : i32
    return %c0_i32, %c0_i32_0 : i32, i32
  }
  func.func @transform_6(%arg0: i32) -> (i32, i32) {
    %c0_i32 = arith.constant 0 : i32
    %c0_i32_0 = arith.constant 0 : i32
    return %arg0, %c0_i32 : i32, i32
  }
}

</mosaic_0001>

<sc_bundles>
// kernel: kernel.6.cloned.1.call-start
scs
__scs_entry_jumppad:
0x0: {  	(pc) =	sbr.rel $0x88, $3  }
0x1: {  	(tag) =	ssettag $0x0;
	lr =	simm.s32 $0x1  }
0x2: {  	[smem:$0x3F98] =	sst lr;
	_ =	strace $0xD0000000  }
0x3: {  	_ = 	snop  }
0x4: {  	_ = 	snop  }
0x5: {  	_ = 	snop  }
0x6: {  	_ = 	snop  }
0x7: {  	_ = 	snop  }
__scs_overlays_trampoline_lowered:
0x8: {  	[smem:$0x3FA7] =	sst s0  }
0x9: {  	[smem:$0x3FA8] =	sst s1  }
0xa: {  	[smem:$0x3FA9] =	sst s2  }
0xb: {  	[smem:$0x3FAA] =	sst s3  }
0xc: {  	[smem:$0x3FAB] =	sst s4  }
0xd: {  	[smem:$0x3FAC] =	sst s5  }
0xe: {  	[smem:$0x3FAD] =	sst s6  }
0xf: {  	[smem:$0x3FAE] =	sst s7  }
0x10: {  	[smem:$0x3FAF] =	sst s8  }
0x11: {  	[smem:$0x3FB0] =	sst s9;
	s0 =	simm.s32 @!p0 $0x0  }
0x12: {  	s1 =	sld [smem:$0x3F96];
	s0 =	simm.s32 @p0 $0x1  }
0x13: {  	[smem:$0x3FB1] =	sst s0;
	s0 =	simm.s32 @!p1 $0x0  }
0x14: {  	s2 =	sld [smem:$0x3F95];
	s0 =	simm.s32 @p1 $0x1  }
0x15: {  	[smem:$0x3FB2] =	sst s0;
	s0 =	simm.s32 @!p2 $0x0  }
0x16: {  	s3 =	sld [smem:$0x3FDB];
	s0 =	simm.s32 @p2 $0x1  }
0x17: {  	s4 =	simm.s32 $0x1BF5;
	[smem:$0x3FB4] =	sst s0  }
0x18: {  	s0 =	sld [smem:$0x3F97];
	_ =	swait.ge [sflag:s4], $0x0  }
0x19: {  	s7 =	sld [smem:$0x3F98]  }
0x1a: {  	s8 =	sadd.s32 $0xFFFFE003, lr  }
0x1b: {  	s9 =	sadd.s32 $0xFFFFFEF7, lr;
	s5 =	simm.s32 $0xFFFFFFFF;
	p2 =	slt.u32 s8, $0xFFFFF086  }
0x1c: {  	p1 =	slt.u32 s9, $0xF7A;
	s5 =	simm.s32 @!p2 $0x0  }
0x1d: {  	s5 =	simm.s32 @p1 $0x1;
	p0 =	seq.s32 s7, s2  }
0x1e: {  	s7 =	smul.u32 @!p0 $0xF7A, s2;
	p2 =	seq.s32 @!p0 s5, $0x0  }
0x1f: {  	s9 =	smul.u32 $0xF7A, s1;
	s8 =	simm.s32 @!p0 $0x1BF5;
	p2 =	por !p2, p0  }
0x20: {  	[sflag:s8] =	ssyncset.s32 @!p0 $0xFFFFF086;
	s6 =	sadd.s32 @!p0 s3, s7;
	s7 =	simm.s32 @!p0 $0x108  }
0x21: {  	s3 =	sadd.s32 s3, s9;
	s6 =	sadd.s32 @!p0 $0x88, s6;
	s7 =	simm.s32 @p2 $0x1082  }
0x22: {  	[simem:s7], [sflag:s8] =	dma.local @!p0 [hbm:s6], $0xF7A  }
0x23: {  	s9 =	sor.u32 $0xD0000000, s2;
	s6 =	simm.s32 $0x108;
	_ =	swait.ge @!p0 [sflag:s8], $0x0  }
0x24: {  	s3 =	sadd.s32 $0x88, s3;
	s6 =	simm.s32 @!p1 $0x1082;
	[sflag:s4] =	ssyncset.s32 $0xFFFFF086  }
0x25: {  	[simem:s6], [sflag:s4] =	dma.local [hbm:s3], $0xF7A  }
0x26: {  	[smem:$0x3F98] =	sst s1;
	(tag) =	ssettag s2;
	_ =	strace s9  }
0x27: {  	s1 =	sld [smem:$0x3FA8]  }
0x28: {  	s2 =	sld [smem:$0x3FA9]  }
0x29: {  	s4 =	sld [smem:$0x3FAB]  }
0x2a: {  	p0 =	seq.s32 s5, $0x0;
	s5 =	sld [smem:$0x3FAC]  }
0x2b: {  	s6 =	sld [smem:$0x3FAD]  }
0x2c: {  	s7 =	sld [smem:$0x3FAE]  }
0x2d: {  	s3 =	simm.s32 $0x108;
	s8 =	sld [smem:$0x3FAF]  }
0x2e: {  	s3 =	simm.s32 @!p0 $0x1082;
	s9 =	sld [smem:$0x3FB0]  }
0x2f: {  	lr =	sadd.s32 s0, s3;
	s0 =	sld [smem:$0x3FA7]  }
0x30: {  	s3 =	sld [smem:$0x3FAA]  }
0x31: {  	[smem:$0x3FB3] =	sst s10  }
0x32: {  	s10 =	sld [smem:$0x3FB1];
	_ =	sdelay $0x3  }
0x33: {  	p0 =	seq.s32 s10, $0x1;
	s10 =	sld [smem:$0x3FB3];
	_ =	sdelay $0x3  }
0x34: {  	[smem:$0x3FB3] =	sst s10  }
0x35: {  	s10 =	sld [smem:$0x3FB2];
	_ =	sdelay $0x3  }
0x36: {  	p1 =	seq.s32 s10, $0x1;
	s10 =	sld [smem:$0x3FB3];
	_ =	sdelay $0x3  }
0x37: {  	[smem:$0x3FB3] =	sst s10  }
0x38: {  	s10 =	sld [smem:$0x3FB4]  }
0x39: {  	_ = 	snop;
	(pc) =	sbr.ind lr, $3  }
0x3a: {  	_ = 	snop  }
0x3b: {  	_ = 	snop  }
0x3c: {  	p2 =	seq.s32 s10, $0x1;
	s10 =	sld [smem:$0x3FB3]  }
0x3d: {  	_ =	shalt  }
0x3e: {  	_ =	shalt  }
0x3f: {  	_ =	shalt  }
0x40: {  	_ =	shalt  }
0x41: {  	_ =	shalt  }
0x42: {  	_ =	shalt  }
0x43: {  	_ =	shalt  }
0x44: {  	_ =	shalt  }
0x45: {  	_ =	shalt  }
0x46: {  	_ =	shalt  }
0x47: {  	_ =	shalt  }
0x48: {  	_ =	shalt  }
0x49: {  	_ =	shalt  }
0x4a: {  	_ =	shalt  }
0x4b: {  	_ =	shalt  }
0x4c: {  	_ =	shalt  }
0x4d: {  	_ =	shalt  }
0x4e: {  	_ =	shalt  }
0x4f: {  	_ =	shalt  }
0x50: {  	_ =	shalt  }
0x51: {  	_ =	shalt  }
0x52: {  	_ =	shalt  }
0x53: {  	_ =	shalt  }
0x54: {  	_ =	shalt  }
0x55: {  	_ =	shalt  }
0x56: {  	_ =	shalt  }
0x57: {  	_ =	shalt  }
0x58: {  	_ =	shalt  }
0x59: {  	_ =	shalt  }
0x5a: {  	_ =	shalt  }
0x5b: {  	_ =	shalt  }
0x5c: {  	_ =	shalt  }
0x5d: {  	_ =	shalt  }
0x5e: {  	_ =	shalt  }
0x5f: {  	_ =	shalt  }
0x60: {  	_ =	shalt  }
0x61: {  	_ =	shalt  }
0x62: {  	_ =	shalt  }
0x63: {  	_ =	shalt  }
0x64: {  	_ =	shalt  }
0x65: {  	_ =	shalt  }
0x66: {  	_ =	shalt  }
0x67: {  	_ =	shalt  }
0x68: {  	_ =	shalt  }
0x69: {  	_ =	shalt  }
0x6a: {  	_ =	shalt  }
0x6b: {  	_ =	shalt  }
0x6c: {  	_ =	shalt  }
0x6d: {  	_ =	shalt  }
0x6e: {  	_ =	shalt  }
0x6f: {  	_ =	shalt  }
0x70: {  	_ =	shalt  }
0x71: {  	_ =	shalt  }
0x72: {  	_ =	shalt  }
0x73: {  	_ =	shalt  }
0x74: {  	_ =	shalt  }
0x75: {  	_ =	shalt  }
0x76: {  	_ =	shalt  }
0x77: {  	_ =	shalt  }
0x78: {  	_ =	shalt  }
0x79: {  	_ =	shalt  }
0x7a: {  	_ =	shalt  }
0x7b: {  	_ =	shalt  }
0x7c: {  	_ =	shalt  }
0x7d: {  	_ =	shalt  }
0x7e: {  	_ =	shalt  }
0x7f: {  	_ =	shalt  }
0x80: {  	_ =	shalt  }
0x81: {  	_ =	shalt  }
0x82: {  	_ =	shalt  }
0x83: {  	_ =	shalt  }
0x84: {  	_ =	shalt  }
0x85: {  	_ =	shalt  }
0x86: {  	_ =	shalt  }
0x87: {  	_ =	shalt  }
.Lfunc_end0:
.L_simem_size_0:
called_computation_lowered:
.L_overlay_start_0:
0x88: {  	s2 =	sld [smem:$0x3FD9]  }
0x89: {  	s3 =	sld [smem:$0x3FFE];
	_ =	sdelay $0x1  }
0x8a: {  	s1 =	srdreg.scid  }
0x8b: {  	s0 =	sand.u32 $0x1, s1  }
0x8c: {  	s17 =	sshll.u32 s0, $0xA;
	s2 =	sadd.s32 s3, s2  }
0x8d: {  	s2 =	sadd.s32 s2, s17  }
0x8e: {  	[smem:$0x3FBF] =	sst s2  }
0x8f: {  	_ = 	snop  }
0x90: {  	s2 =	sld [smem:$0x3FD0];
	(tm) =	ssettm $0x1  }
0x91: {  	s18 =	sld [smem:$0x3FFB];
	_ =	sdelay $0x3  }
0x92: {  	_ =	strace s18  }
0x93: {  	s3 =	sld [smem:$0x3FFC];
	_ =	sdelay $0x3  }
0x94: {  	_ =	strace s3  }
0x95: {  	s3 =	sld [smem:$0x3FFD];
	_ =	sdelay $0x3  }
0x96: {  	_ =	strace s3  }
0x97: {  	_ =	strace $0x8FFFFFFF  }
0x98: {  	s19 =	sld [smem:$0x3FDB];
	_ =	sdelay $0x1  }
0x99: {  	s4 =	simm.s32 $_scs_section_size  }
0x9a: {  	s5 =	simm.s32 $_size__tile_overlayer_lowered;
	s6 =	simm.s32 $_tile_overlayer_lowered  }
0x9b: {  	s22 =	simm.s32 $0x1BFF;
	s21 =	sshll.u32 s6, $0x1;
	s3 =	sadd.s32 s4, s19  }
0x9c: {  	s7 =	simm.s32 $0x0;
	s20 =	sshll.u32 s5, $0x1;
	s5 =	sadd.s32 s21, s3  }
0x9d: {  	[timem:s7], [sflag:s22] =	dma.local [hbm:s5], s20  }
0x9e: {  	_ =	swait.ge [sflag:s22], s20  }
0x9f: {  	s4 =	ssub.s32 $0x0, s20;
	[sflag:s22] =	ssyncset.done $0x0  }
0xa0: {  	[sflag:s22] =	ssyncadd.s32 s4;
	_ =	sdelay $0x1  }
0xa1: {  	s23 =	simm.s32 $0x1B8B  }
0xa2: {  	_ =	swait.ge [sflag:s23], $0x1  }
0xa3: {  	[sflag:s23] =	ssyncset.done $0x0  }
0xa4: {  	s25 =	simm.s32 $0x1B8E;
	s24 =	sld [smem:$0x3FFE];
	[sflag:s23] =	ssyncadd.s32 $0xFFFFFFFF  }
0xa5: {  	s26 =	simm.s32 $execute0_lowered;
	[smem:$0x3FD2] =	sst s25  }
0xa6: {  	s5 =	sshll.u32 s26, $0x1;
	_ =	strace $0x80000046;
	[dreg:$0x1] =	wrdreg $0xFFFFFFFF  }
0xa7: {  	s28 =	simm.s32 $_size_execute0_lowered;
	s3 =	sadd.s32 s3, s5;
	[dreg:$0x0] =	wrdreg $0x0  }
0xa8: {  	s5 =	sshll.u32 s28, $0x1;
	[dreg:$0x2] =	wrdreg s3  }
0xa9: {  	[dreg:$0x3] =	wrdreg s5  }
0xaa: {  	[dreg:$0x4] =	wrdreg $0xC0  }
0xab: {  	_ =	task [dreg:s7], $0x5FFFF  }
0xac: {  	[dreg:$0x1] =	wrdreg $0xFFFFFFFF  }
0xad: {  	[dreg:$0x0] =	wrdreg $0x60  }
0xae: {  	[dreg:$0x2] =	wrdreg s24  }
0xaf: {  	[dreg:$0x3] =	wrdreg s2  }
0xb0: {  	[dreg:$0x4] =	wrdreg $0x83800  }
0xb1: {  	[dreg:$0x5] =	wrdreg $0x5B800  }
0xb2: {  	[dreg:$0x6] =	wrdreg $0x9  }
0xb3: {  	_ =	task.clear_ibuf [dreg:s7], $0x7FFFF;
	_ =	strace $0x90000046  }
0xb4: {  	s29 =	simm.s32 $0x9;
	_ =	strace $0x80000048  }
0xb5: {  	_ =	swait.ge [sflag:s29], $0x1  }
0xb6: {  	[sflag:s29] =	ssyncadd.s32 $0xFFFFFFFF  }
0xb7: {  	_ =	strace $0x90000048  }
0xb8: {  	_ =	sfence  }
0xb9: {  	s30 =	sld [smem:$0x0];
	_ =	sdelay $0x2  }
0xba: {  	s31 =	sshll.u32 s1, $0xD;
	s1 =	sshrl.u32 s1, $0x2  }
0xbb: {  	s3 =	sand.u32 $0x4000, s31;
	s1 =	sadd.s32 s1, s30  }
0xbc: {  	s0 =	sor.u32 s3, s0;
	s1 =	sshll.u32 s1, $0x11  }
0xbd: {  	s0 =	sor.u32 s1, s0  }
0xbe: {  	s0 =	sadd.s32 $0x8F2B, s0  }
0xbf: {  	[sflag:s0] =	ssyncadd.remote.s32 $0x1  }
0xc0: {  	_ =	sfence.sel $0xFFFF  }
0xc1: {  	[dreg:$0x0] =	wrdreg $0xFFFFFFFF;
	(pc) =	sbr.abs _section_cstart, $3  }
0xc2: {  	[dreg:$0x1] =	wrdreg $0xFFFFFFFF  }
0xc3: {  	_ =	task.clear_ibuf [dreg:s7], $0x2FFFF;
	_ =	strace $0x9FFFFFFF  }
0xc4: {  	(tm) =	ssettm $0x7FFFFFFF  }
0xc5: {  	_ =	shalt  }
tec
execute0_lowered:
.L_overlay_start_1:
0x0: {  	(tag) =	ssettag $0x1  }
0x1: {  	s0 =	rddreg [dreg:$0x0]  }
0x2: {  	s18 =	rddreg [dreg:$0x2]  }
0x3: {  	s19 =	rddreg [dreg:$0x3]  }
0x4: {  	s28 =	simm.s32 $0x0;
	s1 =	srdreg.scid;
	s4 =	stileid.u32  }
0x5: {  	s29 =	simm.s32 $0x1180;
	s30 =	simm.s32 $0x3;
	s31 =	simm.s32 $0x980  }
0x6: {  	[smem:$0x7FF] =	sst s28;
	s6 =	sadd.s32 $0xAC00, s0;
	s1 =	sand.u32 $0x1, s1  }
0x7: {  	s2 =	smul.u32 $0x14000, s4;
	s7 =	sadd.s32 $0xE00, s0;
	s8 =	sadd.s32 $0x32400, s0  }
0x8: {  	v0 =	vlaneseq.u32;
	s9 =	sadd.s32 $0x28600, s0;
	s10 =	sadd.s32 $0x1E800, s0;
	s5 =	smul.u32 $0x2800, s4  }
0x9: {  	s11 =	sadd.s32 $0x14A00, s0;
	v0 =	vmul.u32 $0x10, v0;
	s12 =	sadd.s32 $0x3C200, s0;
	s17 =	smul.u32 $0x280, s4  }
0xa: {  	s13 =	sadd.s32 $0x3D600, s0;
	s3 =	smul.u32 $0x140000, s1;
	s15 =	ssub.s32 $0x2, s1  }
0xb: {  	v1 =	vimm.f32 $0.0e+00;
	_ =	strace $0x80000047;
	s14 =	smul.u32 $0x28000, s1;
	v2 =	vor.u32 $0x8, v0;
	s16 =	sshrl.u32 s15, $0x1;
	v14 =	vor.u32 $0x6, v0  }
0xc: {  	s22 =	sadd.s32 s2, s18;
	s23 =	sadd.s32 s5, s19;
	s24 =	sadd.s32 $0x80, s17;
	v15 =	vor.u32 $0x3, v0;
	v16 =	vor.u32 $0x7, v0;
	v17 =	vor.u32 $0x100, v0  }
0xd: {  	s26 =	sadd.s32 $0x100, s17;
	v18 =	vor.u32 $0x104, v0;
	s20 =	sadd.s32 $0x180, s17;
	v19 =	vor.u32 $0x101, v0;
	v20 =	vor.u32 $0x105, v0;
	s21 =	sadd.s32 $0x200, s17  }
0xe: {  	v21 =	vor.u32 $0x102, v0;
	v22 =	vor.u32 $0x106, v0;
	v23 =	vor.u32 $0x103, v0;
	s17 =	simm.s32 $0x4;
	s3 =	sadd.s32 s2, s3;
	[dreg:$0x6] =	wrdreg s22  }
0xf: {  	v24 =	vor.u32 $0x107, v0;
	v25 =	vor.u32 $0x200, v0;
	v26 =	vor.u32 $0x204, v0;
	s14 =	sadd.s32 s5, s14;
	s15 =	ssub.s32 s15, s16;
	[dreg:$0x7] =	wrdreg s23  }
0x10: {  	v27 =	vor.u32 $0x201, v0;
	v28 =	vor.u32 $0x205, v0;
	v29 =	vor.u32 $0x202, v0;
	s25 =	sshll.u32 s24, $0x7;
	s16 =	sshll.u32 s26, $0x4;
	s22 =	sshll.u32 s20, $0x7  }
0x11: {  	v30 =	vor.u32 $0x206, v0;
	v31 =	vor.u32 $0x203, v0;
	v32 =	vor.u32 $0x207, v0;
	s23 =	sshll.u32 s21, $0x7;
	s3 =	sshrl.u32 s3, $0x3;
	s14 =	sshrl.u32 s14, $0x3  }
0x12: {  	v33 =	vor.u32 $0x300, v0;
	v34 =	vor.u32 $0x304, v0;
	v35 =	vor.u32 $0x301, v0;
	s2 =	sadd.s32 s25, s18;
	s5 =	sadd.s32 s22, s18;
	s22 =	simm.s32 $0x5500  }
0x13: {  	v36 =	vor.u32 $0x305, v0;
	v37 =	vor.u32 $0x302, v0;
	v38 =	vor.u32 $0x306, v0;
	s3 =	sadd.s32 s3, s0;
	s0 =	sadd.s32 s14, s0;
	s14 =	sshll.u32 s1, $0x4  }
0x14: {  	v39 =	vor.u32 $0x303, v0;
	v40 =	vor.u32 $0x307, v0;
	[tilespmem:$0x1FF40] =	vst v2;
	v2 =	vor.u32 $0x108, v0;
	s1 =	sshll.u32 s24, $0x4;
	[dreg:$0x8] =	wrdreg s2;
	s2 =	sshll.u32 s26, $0x7  }
0x15: {  	v41 =	vor.u32 $0x400, v0;
	v42 =	vor.u32 $0x404, v0;
	[tilespmem:$0x1FF50] =	vst v2;
	v2 =	vor.u32 $0x208, v0;
	[dreg:$0xc] =	wrdreg s5;
	s24 =	sadd.s32 s23, s18;
	s26 =	smax.u32 s15, $0x1  }
0x16: {  	v43 =	vor.u32 $0x401, v0;
	v44 =	vor.u32 $0x405, v0;
	[tilespmem:$0x1FF60] =	vst v2;
	v2 =	vor.u32 $0x308, v0;
	s23 =	simm.s32 $0x5900;
	s1 =	sadd.s32 s1, s19;
	[dreg:$0xe] =	wrdreg s24  }
0x17: {  	v45 =	vor.u32 $0x402, v0;
	v46 =	vor.u32 $0x406, v0;
	[tilespmem:$0x1FF70] =	vst v2;
	v2 =	vor.u32 $0x408, v0;
	s25 =	sadd.s32 $0x48A00, s3;
	s0 =	sadd.s32 $0x3EA00, s0;
	[dreg:$0x12] =	wrdreg s26  }
0x18: {  	v47 =	vor.u32 $0x403, v0;
	v48 =	vor.u32 $0x407, v0;
	s3 =	simm.s32 $0x5480;
	s24 =	simm.s32 $0x2;
	[tilespmem:$0x1FF80] =	vst v2;
	v2 =	vor.u32 $0x508, v0;
	[dreg:$0x9] =	wrdreg s1  }
0x19: {  	v49 =	vor.u32 $0x500, v0;
	v50 =	vor.u32 $0x504, v0;
	s26 =	simm.s32 $0x100;
	s1 =	sadd.s32 s2, s18;
	[dreg:$0x10] =	wrdreg s25;
	[tilespmem:$0x1FF90] =	vst v2;
	v2 =	vor.u32 $0x608, v0  }
0x1a: {  	v51 =	vor.u32 $0x501, v0;
	v52 =	vor.u32 $0x505, v0;
	s2 =	sshll.u32 s20, $0x4;
	[dreg:$0x11] =	wrdreg s0;
	s0 =	simm.s32 $0x180;
	[tilespmem:$0x1FFA0] =	vst v2;
	v2 =	vor.u32 $0x708, v0  }
.Ltmp0:
0x1b: {  	v53 =	vor.u32 $0x502, v0;
	v54 =	vor.u32 $0x506, v0;
	s18 =	simm.s32 $0x80;
	s20 =	simm.s32 $0x5300;
	[tilespmem:$0x1FFB0] =	vst v2;
	v2 =	vor.u32 $0x4, v0;
	(pc) =	sbr.rel .LBB2_1-.Ltmp0, $4  }
0x1c: {  	v55 =	vor.u32 $0x503, v0;
	v56 =	vor.u32 $0x507, v0;
	s25 =	simm.s32 $0x1;
	[dreg:$0xa] =	wrdreg s1;
	s1 =	sadd.s32 s16, s19;
	[tilespmem:$0x1FFC0] =	vst v2;
	v2 =	vor.u32 $0x1, v0  }
0x1d: {  	v57 =	vor.u32 $0x600, v0;
	v58 =	vor.u32 $0x604, v0;
	s2 =	sadd.s32 s2, s19;
	[dreg:$0xb] =	wrdreg s1;
	s1 =	sshll.u32 s21, $0x4;
	[tilespmem:$0x1FFD0] =	vst v2;
	v2 =	vor.u32 $0x5, v0  }
0x1e: {  	v59 =	vor.u32 $0x601, v0;
	v60 =	vor.u32 $0x605, v0;
	[dreg:$0xd] =	wrdreg s2;
	s2 =	simm.s32 $0x5680;
	s1 =	sadd.s32 s1, s19;
	[tilespmem:$0x1FFE0] =	vst v2;
	v2 =	vor.u32 $0x2, v0  }
0x1f: {  	v61 =	vor.u32 $0x602, v0;
	v62 =	vor.u32 $0x606, v0;
	v63 =	vor.u32 $0x603, v0;
	s21 =	simm.s32 $0x5700;
	s19 =	simm.s32 $0x5880;
	[dreg:$0xf] =	wrdreg s1;
	[tilespmem:$0x1FFF0] =	vst v2  }
.LBB2_9:
0x20: {  	[bflag:$0x0] =	sbarrier.arrive $0xFFFF  }
0x21: {  	s1 =	sshll.u32 s4, $0x6;
	s5 =	rddreg [dreg:$0x6]  }
0x22: {  	s1 =	sor.u32 $0x1C03, s1;
	s15 =	rddreg [dreg:$0x10];
	s5 =	sshrl.u32 s5, $0x3  }
0x23: {  	[hbm:s15], [sflag:s1] =	dma.local [spmem:s5], $0x2800  }
0x24: {  	_ =	swait.ge [sflag:s30], $0x2800  }
0x25: {  	[sflag:s30] =	ssyncset.done $0x0;
	s15 =	rddreg [dreg:$0x7]  }
0x26: {  	s16 =	rddreg [dreg:$0x11];
	[sflag:s30] =	ssyncadd.s32 $0xFFFFD800;
	s5 =	sshrl.u32 s15, $0x3  }
0x27: {  	[hbm:s16], [sflag:s1] =	dma.local [spmem:s5], $0x500  }
0x28: {  	_ =	swait.ge [sflag:s30], $0x500  }
0x29: {  	s28 =	rddreg [dreg:$0x5]  }
0x2a: {  	s16 =	rddreg [dreg:$0x12];
	s28 =	sadd.s32 $0x1, s28  }
0x2b: {  	p0 =	sne.s32 s28, s16  }
.Ltmp1:
0x2c: {  	_ = 	snop;
	(pc) =	sbr.rel @!p0 .LBB2_10-.Ltmp1, $3  }
0x2d: {  	_ =	sdelay $0x1  }
0x2e: {  	[sflag:s30] =	ssyncset.done $0x0  }
0x2f: {  	[sflag:s30] =	ssyncadd.s32 $0xFFFFFB00  }
.LBB2_1:
0x30: {  	s5 =	simm.s32 $0x11C0  }
0x31: {  	[tilespmem:s5+$0x20] =	vst v1  }
0x32: {  	[tilespmem:s5+$0x10] =	vst v1  }
0x33: {  	[tilespmem:s5+$0x0] =	vst v1  }
0x34: {  	[tilespmem:s5+$0xFFFFFFF0] =	vst v1  }
0x35: {  	[tilespmem:s5+$0xFFFFFFE0] =	vst v1  }
0x36: {  	[tilespmem:s5+$0xFFFFFFD0] =	vst v1  }
0x37: {  	[tilespmem:s5+$0xFFFFFFC0] =	vst v1  }
0x38: {  	[dreg:$0x5] =	wrdreg s28;
	s16 =	simm.s32 $0x0;
	s15 =	simm.s32 $0x40;
	[tilespmem:s5+$0x30] =	vst v1  }
.LBB2_2:
0x39: {  	p0 =	sne.s32 s15, $0x1FC0;
	[tilespmem:s16+$0x980] =	vst v1  }
0x3a: {  	s5 =	sadd.s32 $0x80, s5;
	[tilespmem:s16+$0x180] =	vst v1  }
0x3b: {  	[tilespmem:s5+$0x20] =	vst v1  }
0x3c: {  	[tilespmem:s5+$0x10] =	vst v1  }
0x3d: {  	[tilespmem:s5+$0x0] =	vst v1  }
.Ltmp2:
0x3e: {  	[tilespmem:s5+$0xFFFFFFF0] =	vst v1;
	(pc) =	sbr.rel @p0 .LBB2_2-.Ltmp2, $4  }
0x3f: {  	[tilespmem:s5+$0xFFFFFFE0] =	vst v1  }
0x40: {  	[tilespmem:s5+$0xFFFFFFD0] =	vst v1  }
0x41: {  	[tilespmem:s5+$0xFFFFFFC0] =	vst v1  }
0x42: {  	s16 =	sshra.s32 s15, $0x2;
	s15 =	sadd.s32 $0x40, s15;
	[tilespmem:s5+$0x30] =	vst v1  }
0x43: {  	[tilespmem:s16+$0x980] =	vst v1  }
0x44: {  	[tilespmem:s16+$0x180] =	vst v1;
	s1 =	rddreg [dreg:$0x6]  }
0x45: {  	[spmem:s1] =	stream.linear.scatter [tilespmem:s29], [sflag:$0x3], $0x4000, $0x38;
	[tilespmem:$0x1C380] =	vst v63  }
0x46: {  	_ =	swait.ge [sflag:s30], $0x4000  }
0x47: {  	[sflag:s30] =	ssyncset.done $0x0  }
0x48: {  	s5 =	rddreg [dreg:$0x7];
	[sflag:s30] =	ssyncadd.s32 $0xFFFFC000  }
0x49: {  	[spmem:s5] =	stream.linear.scatter [tilespmem:s31], [sflag:$0x3], $0x800, $0x38;
	[tilespmem:$0x1C380] =	vst v63  }
0x4a: {  	_ =	swait.ge [sflag:s30], $0x800  }
0x4b: {  	[sflag:s30] =	ssyncset.done $0x0  }
0x4c: {  	s15 =	rddreg [dreg:$0x8];
	[sflag:s30] =	ssyncadd.s32 $0xFFFFF800  }
0x4d: {  	[spmem:s15] =	stream.linear.scatter [tilespmem:s29], [sflag:$0x3], $0x4000, $0x38;
	[tilespmem:$0x1C380] =	vst v63  }
0x4e: {  	_ =	swait.ge [sflag:s30], $0x4000  }
0x4f: {  	[sflag:s30] =	ssyncset.done $0x0  }
0x50: {  	s16 =	rddreg [dreg:$0x9];
	[sflag:s30] =	ssyncadd.s32 $0xFFFFC000  }
0x51: {  	[spmem:s16] =	stream.linear.scatter [tilespmem:s31], [sflag:$0x3], $0x800, $0x38;
	[tilespmem:$0x1C380] =	vst v63  }
0x52: {  	_ =	swait.ge [sflag:s30], $0x800  }
0x53: {  	[sflag:s30] =	ssyncset.done $0x0  }
0x54: {  	s5 =	rddreg [dreg:$0xa];
	[sflag:s30] =	ssyncadd.s32 $0xFFFFF800  }
0x55: {  	[spmem:s5] =	stream.linear.scatter [tilespmem:s29], [sflag:$0x3], $0x4000, $0x38;
	[tilespmem:$0x1C380] =	vst v63  }
0x56: {  	_ =	swait.ge [sflag:s30], $0x4000  }
0x57: {  	[sflag:s30] =	ssyncset.done $0x0  }
0x58: {  	s15 =	rddreg [dreg:$0xb];
	[sflag:s30] =	ssyncadd.s32 $0xFFFFC000  }
0x59: {  	[spmem:s15] =	stream.linear.scatter [tilespmem:s31], [sflag:$0x3], $0x800, $0x38;
	[tilespmem:$0x1C380] =	vst v63  }
0x5a: {  	_ =	swait.ge [sflag:s30], $0x800  }
0x5b: {  	[sflag:s30] =	ssyncset.done $0x0  }
0x5c: {  	s16 =	rddreg [dreg:$0xc];
	[sflag:s30] =	ssyncadd.s32 $0xFFFFF800  }
0x5d: {  	[spmem:s16] =	stream.linear.scatter [tilespmem:s29], [sflag:$0x3], $0x4000, $0x38;
	[tilespmem:$0x1C380] =	vst v63  }
0x5e: {  	_ =	swait.ge [sflag:s30], $0x4000  }
0x5f: {  	[sflag:s30] =	ssyncset.done $0x0  }
0x60: {  	s5 =	rddreg [dreg:$0xd];
	[sflag:s30] =	ssyncadd.s32 $0xFFFFC000  }
0x61: {  	[spmem:s5] =	stream.linear.scatter [tilespmem:s31], [sflag:$0x3], $0x800, $0x38;
	[tilespmem:$0x1C380] =	vst v63  }
0x62: {  	_ =	swait.ge [sflag:s30], $0x800  }
0x63: {  	[sflag:s30] =	ssyncset.done $0x0  }
0x64: {  	s15 =	rddreg [dreg:$0xe];
	[sflag:s30] =	ssyncadd.s32 $0xFFFFF800  }
0x65: {  	[spmem:s15] =	stream.linear.scatter [tilespmem:s29], [sflag:$0x3], $0x4000, $0x38;
	[tilespmem:$0x1C380] =	vst v63  }
0x66: {  	_ =	swait.ge [sflag:s30], $0x4000  }
0x67: {  	[sflag:s30] =	ssyncset.done $0x0  }
0x68: {  	s16 =	rddreg [dreg:$0xf];
	[sflag:s30] =	ssyncadd.s32 $0xFFFFC000  }
0x69: {  	[spmem:s16] =	stream.linear.scatter [tilespmem:s31], [sflag:$0x3], $0x800, $0x38;
	[tilespmem:$0x1C380] =	vst v63  }
0x6a: {  	_ =	swait.ge [sflag:s30], $0x800  }
0x6b: {  	[sflag:s30] =	ssyncset.done $0x0  }
0x6c: {  	[sflag:s30] =	ssyncadd.s32 $0xFFFFF800  }
0x6d: {  	v2 =	vld [tilespmem:$0x180]  }
0x6e: {  	v3 =	vld [tilespmem:$0x1FF40];
	_ =	sdelay $0x3  }
0x6f: {  	v2 =	vmul.f32 $0.0e+00, v2;
	_ =	sdelay $0x1  }
0x70: {  	v2 =	vadd.f32 $1.000000000e+00, v2;
	_ =	sdelay $0x1  }
0x71: {  	[tilespmem:v3+s0+$0x0] =	vst.idx.msk $0xffff, v2;
	v3 =	vld [tilespmem:$0x1FF50];
	_ =	sdelay $0x7  }
0x72: {  	[tilespmem:v3+s0+$0x0] =	vst.idx.msk $0xffff, v2;
	v3 =	vld [tilespmem:$0x1FF60];
	_ =	sdelay $0x7  }
0x73: {  	[tilespmem:v3+s0+$0x0] =	vst.idx.msk $0xffff, v2;
	v3 =	vld [tilespmem:$0x1FF70];
	_ =	sdelay $0x7  }
0x74: {  	[tilespmem:v3+s0+$0x0] =	vst.idx.msk $0xffff, v2;
	v3 =	vld [tilespmem:$0x1FF80];
	_ =	sdelay $0x7  }
0x75: {  	[tilespmem:v3+s0+$0x0] =	vst.idx.msk $0xffff, v2;
	v3 =	vld [tilespmem:$0x1FF90];
	_ =	sdelay $0x7  }
0x76: {  	[tilespmem:v3+s0+$0x0] =	vst.idx.msk $0xffff, v2;
	v3 =	vld [tilespmem:$0x1FFA0];
	_ =	sdelay $0x7  }
0x77: {  	[tilespmem:v3+s0+$0x0] =	vst.idx.msk $0xffff, v2;
	v3 =	vld [tilespmem:$0x1FFB0];
	_ =	sdelay $0x5  }
.Ltmp3:
0x78: {  	_ = 	snop;
	(pc) =	sbr.rel .LBB2_4-.Ltmp3, $4  }
0x79: {  	_ = 	snop  }
0x7a: {  	[tilespmem:v3+s0+$0x0] =	vst.idx.msk $0xffff, v2  }
0x7b: {  	[bflag:$0x0] =	sbarrier.arrive $0xFFFF  }
0x7c: {  	s28 =	simm.s32 $0x0  }
.LBB2_8:
0x7d: {  	s28 =	sadd.s32 $0x1, s28  }
0x7e: {  	p0 =	sne.s32 s28, $0x4F  }
.Ltmp4:
0x7f: {  	_ = 	snop;
	(pc) =	sbr.rel @!p0 .LBB2_9-.Ltmp4, $1  }
0x80: {  	_ =	sdelay $0x3  }
.LBB2_4:
0x81: {  	s5 =	sshll.u32 s28, $0x5  }
0x82: {  	s5 =	sor.u32 s5, s14  }
0x83: {  	s5 =	sor.u32 s4, s5  }
0x84: {  	p0 =	sgt.u32 s5, $0x9C3  }
.Ltmp5:
0x85: {  	_ = 	snop;
	(pc) =	sbr.rel @p0 .LBB2_8-.Ltmp5, $1  }
0x86: {  	_ =	sdelay $0x3  }
0x87: {  	s5 =	sshll.u32 s5, $0x4  }
0x88: {  	s16 =	simm.s32 $0x0;
	s15 =	sadd.s32 s6, s5  }
0x89: {  	[tilespmem:s16], [sflag:$0x4] =	stream.linear.gather [hbm4b:s15+s16], $0x80, $0x38;
	[tilespmem:$0x1C380] =	vst v63  }
0x8a: {  	_ =	swait.ge [sflag:s17], $0x80  }
0x8b: {  	[sflag:s17] =	ssyncset.done $0x0  }
0x8c: {  	s1 =	sadd.s32 s7, s5;
	[sflag:s17] =	ssyncadd.s32 $0xFFFFFF80  }
0x8d: {  	[tilespmem:s18], [sflag:$0x4] =	stream.linear.gather [hbm4b:s1+s16], $0x80, $0x38;
	[tilespmem:$0x1C380] =	vst v63  }
0x8e: {  	_ =	swait.ge [sflag:s17], $0x80  }
0x8f: {  	[sflag:s17] =	ssyncset.done $0x0  }
0x90: {  	s15 =	sadd.s32 s8, s5;
	s1 =	simm.s32 $0x5980;
	[sflag:s17] =	ssyncadd.s32 $0xFFFFFF80  }
0x91: {  	[tilespmem:s1], [sflag:$0x4] =	stream.linear.gather [hbm4b:s15+s16], $0x80, $0x38;
	[tilespmem:$0x1C380] =	vst v63  }
0x92: {  	_ =	swait.ge [sflag:s17], $0x80  }
0x93: {  	[sflag:s17] =	ssyncset.done $0x0  }
0x94: {  	s15 =	sadd.s32 s9, s5;
	s1 =	simm.s32 $0x5A00;
	[sflag:s17] =	ssyncadd.s32 $0xFFFFFF80  }
0x95: {  	[tilespmem:s1], [sflag:$0x4] =	stream.linear.gather [hbm4b:s15+s16], $0x80, $0x38;
	[tilespmem:$0x1C380] =	vst v63  }
0x96: {  	_ =	swait.ge [sflag:s17], $0x80  }
0x97: {  	[sflag:s17] =	ssyncset.done $0x0  }
0x98: {  	s15 =	sadd.s32 s10, s5;
	s1 =	simm.s32 $0x5A80;
	[sflag:s17] =	ssyncadd.s32 $0xFFFFFF80  }
0x99: {  	[tilespmem:s1], [sflag:$0x4] =	stream.linear.gather [hbm4b:s15+s16], $0x80, $0x38;
	[tilespmem:$0x1C380] =	vst v63  }
0x9a: {  	_ =	swait.ge [sflag:s17], $0x80  }
0x9b: {  	[sflag:s17] =	ssyncset.done $0x0  }
0x9c: {  	s5 =	sadd.s32 s11, s5;
	s15 =	simm.s32 $0x5B00;
	[sflag:s17] =	ssyncadd.s32 $0xFFFFFF80  }
0x9d: {  	[tilespmem:s15], [sflag:$0x4] =	stream.linear.gather [hbm4b:s5+s16], $0x80, $0x38;
	[tilespmem:$0x1C380] =	vst v63  }
0x9e: {  	_ =	swait.ge [sflag:s17], $0x80  }
0x9f: {  	[sflag:s17] =	ssyncset.done $0x0  }
0xa0: {  	[sflag:s17] =	ssyncadd.s32 $0xFFFFFF80  }
0xa1: {  	s5 =	rddreg [dreg:$0x1]  }
0xa2: {  	[tilespmem:s29], [sflag:$0x1] =	stream.indirect.gather [hbm4b:s5+s18], $0x80, s16, s18, $0xb8;
	[tilespmem:$0x1C380] =	vst v63  }
0xa3: {  	v2 =	vld [tilespmem:$0x0]  }
0xa4: {  	v3 =	vld [tilespmem:$0x80];
	_ =	sdelay $0x4  }
0xa5: {  	vm0 =	veq.s32 v2, v3;
	v2 =	vshll.u32 v2, $0x2  }
0xa6: {  	v3 =	vsel vm0, $0x2710, v3;
	[tilespmem:$0x5180] =	vst v2  }
0xa7: {  	v5 =	vor.u32 $0x1, v2;
	[tilespmem:$0x100] =	vst v3  }
0xa8: {  	v4 =	vld [tilespmem:$0x10];
	v3 =	vshll.u32 v3, $0x2;
	[tilespmem:$0x5200] =	vst v5  }
0xa9: {  	v6 =	vld [tilespmem:$0x90];
	[tilespmem:$0x5380] =	vst v3;
	v5 =	vor.u32 $0x1, v3  }
0xaa: {  	[tilespmem:$0x5400] =	vst v5;
	v5 =	vor.u32 $0x2, v2  }
0xab: {  	v2 =	vor.u32 $0x3, v2;
	[tilespmem:$0x5280] =	vst v5  }
0xac: {  	v5 =	vor.u32 $0x2, v3;
	[tilespmem:$0x5300] =	vst v2  }
0xad: {  	v2 =	vor.u32 $0x3, v3;
	[tilespmem:$0x5480] =	vst v5  }
0xae: {  	vm9 =	veq.s32 v4, v6;
	v3 =	vshll.u32 v4, $0x2;
	[tilespmem:$0x5500] =	vst v2  }
0xaf: {  	v2 =	vsel vm9, $0x2710, v6;
	[tilespmem:$0x5190] =	vst v3  }
0xb0: {  	v5 =	vor.u32 $0x1, v3;
	[tilespmem:$0x110] =	vst v2  }
0xb1: {  	v2 =	vshll.u32 v2, $0x2;
	[tilespmem:$0x5210] =	vst v5  }
0xb2: {  	v4 =	vld [tilespmem:$0x20];
	[tilespmem:$0x5390] =	vst v2;
	v5 =	vor.u32 $0x1, v2  }
0xb3: {  	v6 =	vld [tilespmem:$0xA0];
	[tilespmem:$0x5410] =	vst v5;
	v5 =	vor.u32 $0x2, v3  }
0xb4: {  	v3 =	vor.u32 $0x3, v3;
	[tilespmem:$0x5290] =	vst v5  }
0xb5: {  	v5 =	vor.u32 $0x2, v2;
	[tilespmem:$0x5310] =	vst v3  }
0xb6: {  	v2 =	vor.u32 $0x3, v2;
	[tilespmem:$0x5490] =	vst v5  }
0xb7: {  	v3 =	vshll.u32 v4, $0x2;
	[tilespmem:$0x5510] =	vst v2  }
0xb8: {  	vm10 =	veq.s32 v4, v6;
	[tilespmem:$0x51A0] =	vst v3;
	v5 =	vor.u32 $0x1, v3  }
0xb9: {  	v2 =	vsel vm10, $0x2710, v6;
	[tilespmem:$0x5220] =	vst v5  }
0xba: {  	[tilespmem:$0x120] =	vst v2;
	v2 =	vshll.u32 v2, $0x2  }
0xbb: {  	v4 =	vld [tilespmem:$0x30];
	[tilespmem:$0x53A0] =	vst v2;
	v5 =	vor.u32 $0x1, v2  }
0xbc: {  	v6 =	vld [tilespmem:$0xB0];
	[tilespmem:$0x5420] =	vst v5;
	v5 =	vor.u32 $0x2, v3  }
0xbd: {  	v3 =	vor.u32 $0x3, v3;
	[tilespmem:$0x52A0] =	vst v5  }
0xbe: {  	v5 =	vor.u32 $0x2, v2;
	[tilespmem:$0x5320] =	vst v3  }
0xbf: {  	v2 =	vor.u32 $0x3, v2;
	[tilespmem:$0x54A0] =	vst v5  }
0xc0: {  	v3 =	vshll.u32 v4, $0x2;
	[tilespmem:$0x5520] =	vst v2  }
0xc1: {  	vm11 =	veq.s32 v4, v6;
	[tilespmem:$0x51B0] =	vst v3;
	v5 =	vor.u32 $0x1, v3  }
0xc2: {  	v2 =	vsel vm11, $0x2710, v6;
	[tilespmem:$0x5230] =	vst v5  }
0xc3: {  	[tilespmem:$0x130] =	vst v2;
	v2 =	vshll.u32 v2, $0x2  }
0xc4: {  	v4 =	vld [tilespmem:$0x40];
	[tilespmem:$0x53B0] =	vst v2;
	v5 =	vor.u32 $0x1, v2  }
0xc5: {  	v6 =	vld [tilespmem:$0xC0];
	[tilespmem:$0x5430] =	vst v5;
	v5 =	vor.u32 $0x2, v3  }
0xc6: {  	v3 =	vor.u32 $0x3, v3;
	[tilespmem:$0x52B0] =	vst v5  }
0xc7: {  	v5 =	vor.u32 $0x2, v2;
	[tilespmem:$0x5330] =	vst v3  }
0xc8: {  	v2 =	vor.u32 $0x3, v2;
	[tilespmem:$0x54B0] =	vst v5  }
0xc9: {  	v3 =	vshll.u32 v4, $0x2;
	[tilespmem:$0x5530] =	vst v2  }
0xca: {  	vm12 =	veq.s32 v4, v6;
	[tilespmem:$0x51C0] =	vst v3;
	v5 =	vor.u32 $0x1, v3  }
0xcb: {  	v2 =	vsel vm12, $0x2710, v6;
	[tilespmem:$0x5240] =	vst v5  }
0xcc: {  	[tilespmem:$0x140] =	vst v2;
	v2 =	vshll.u32 v2, $0x2  }
0xcd: {  	v4 =	vld [tilespmem:$0x50];
	[tilespmem:$0x53C0] =	vst v2;
	v5 =	vor.u32 $0x1, v2  }
0xce: {  	v6 =	vld [tilespmem:$0xD0];
	[tilespmem:$0x5440] =	vst v5;
	v5 =	vor.u32 $0x2, v3  }
0xcf: {  	v3 =	vor.u32 $0x3, v3;
	[tilespmem:$0x52C0] =	vst v5  }
0xd0: {  	v5 =	vor.u32 $0x2, v2;
	[tilespmem:$0x5340] =	vst v3  }
0xd1: {  	v2 =	vor.u32 $0x3, v2;
	[tilespmem:$0x54C0] =	vst v5  }
0xd2: {  	v3 =	vshll.u32 v4, $0x2;
	[tilespmem:$0x5540] =	vst v2  }
0xd3: {  	vm13 =	veq.s32 v4, v6;
	[tilespmem:$0x51D0] =	vst v3;
	v5 =	vor.u32 $0x1, v3  }
0xd4: {  	v2 =	vsel vm13, $0x2710, v6;
	[tilespmem:$0x5250] =	vst v5  }
0xd5: {  	[tilespmem:$0x150] =	vst v2;
	v2 =	vshll.u32 v2, $0x2  }
0xd6: {  	v4 =	vld [tilespmem:$0x60];
	[tilespmem:$0x53D0] =	vst v2;
	v5 =	vor.u32 $0x1, v2  }
0xd7: {  	v6 =	vld [tilespmem:$0xE0];
	[tilespmem:$0x5450] =	vst v5;
	v5 =	vor.u32 $0x2, v3  }
0xd8: {  	v3 =	vor.u32 $0x3, v3;
	[tilespmem:$0x52D0] =	vst v5  }
0xd9: {  	v5 =	vor.u32 $0x2, v2;
	[tilespmem:$0x5350] =	vst v3  }
0xda: {  	v2 =	vor.u32 $0x3, v2;
	[tilespmem:$0x54D0] =	vst v5  }
0xdb: {  	v3 =	vshll.u32 v4, $0x2;
	[tilespmem:$0x5550] =	vst v2  }
0xdc: {  	vm14 =	veq.s32 v4, v6;
	[tilespmem:$0x51E0] =	vst v3;
	v5 =	vor.u32 $0x1, v3  }
0xdd: {  	v2 =	vsel vm14, $0x2710, v6;
	[tilespmem:$0x5260] =	vst v5  }
0xde: {  	[tilespmem:$0x160] =	vst v2;
	v2 =	vshll.u32 v2, $0x2  }
0xdf: {  	v4 =	vld [tilespmem:$0x70];
	[tilespmem:$0x53E0] =	vst v2;
	v5 =	vor.u32 $0x1, v2  }
0xe0: {  	v6 =	vld [tilespmem:$0xF0];
	[tilespmem:$0x5460] =	vst v5;
	v5 =	vor.u32 $0x2, v3  }
0xe1: {  	v3 =	vor.u32 $0x3, v3;
	[tilespmem:$0x52E0] =	vst v5  }
0xe2: {  	v5 =	vor.u32 $0x2, v2;
	[tilespmem:$0x5360] =	vst v3  }
0xe3: {  	v2 =	vor.u32 $0x3, v2;
	[tilespmem:$0x54E0] =	vst v5  }
0xe4: {  	v3 =	vshll.u32 v4, $0x2;
	[tilespmem:$0x5560] =	vst v2  }
0xe5: {  	vm15 =	veq.s32 v4, v6;
	[tilespmem:$0x51F0] =	vst v3;
	v4 =	vor.u32 $0x1, v3  }
0xe6: {  	v2 =	vsel vm15, $0x2710, v6;
	[tilespmem:$0x5270] =	vst v4  }
0xe7: {  	[tilespmem:$0x170] =	vst v2;
	v2 =	vshll.u32 v2, $0x2  }
0xe8: {  	[tilespmem:$0x53F0] =	vst v2;
	v4 =	vor.u32 $0x1, v2  }
0xe9: {  	[tilespmem:$0x5470] =	vst v4;
	v4 =	vor.u32 $0x2, v3  }
0xea: {  	v3 =	vor.u32 $0x3, v3;
	[tilespmem:$0x52F0] =	vst v4  }
0xeb: {  	v4 =	vor.u32 $0x2, v2;
	[tilespmem:$0x5370] =	vst v3  }
0xec: {  	v2 =	vor.u32 $0x3, v2;
	[tilespmem:$0x54F0] =	vst v4  }
0xed: {  	s15 =	simm.s32 $0x5180;
	s16 =	simm.s32 $0x5580;
	[tilespmem:$0x5570] =	vst v2  }
0xee: {  	[tilespmem:s16], [sflag:$0x2] =	stream.indirect.gather [hbm4b:s12+s18], $0x1, s15, s18, $0xb8;
	[tilespmem:$0x1C380] =	vst v63  }
0xef: {  	s15 =	simm.s32 $0x5380;
	s16 =	simm.s32 $0x5780  }
0xf0: {  	[tilespmem:s16], [sflag:$0x2] =	stream.indirect.gather [hbm4b:s13+s18], $0x1, s15, s18, $0xb8;
	[tilespmem:$0x1C380] =	vst v63  }
0xf1: {  	s15 =	simm.s32 $0x5200;
	s16 =	simm.s32 $0x5600  }
0xf2: {  	[tilespmem:s16], [sflag:$0x2] =	stream.indirect.gather [hbm4b:s12+s18], $0x1, s15, s18, $0xb8;
	[tilespmem:$0x1C380] =	vst v63  }
0xf3: {  	s15 =	simm.s32 $0x5400;
	s16 =	simm.s32 $0x5800  }
0xf4: {  	[tilespmem:s16], [sflag:$0x2] =	stream.indirect.gather [hbm4b:s13+s18], $0x1, s15, s18, $0xb8;
	[tilespmem:$0x1C380] =	vst v63  }
0xf5: {  	s15 =	simm.s32 $0x5280  }
0xf6: {  	[tilespmem:s2], [sflag:$0x2] =	stream.indirect.gather [hbm4b:s12+s18], $0x1, s15, s18, $0xb8;
	[tilespmem:$0x1C380] =	vst v63  }
0xf7: {  	_ = 	snop  }
0xf8: {  	[tilespmem:s19], [sflag:$0x2] =	stream.indirect.gather [hbm4b:s13+s18], $0x1, s3, s18, $0xb8;
	[tilespmem:$0x1C380] =	vst v63  }
0xf9: {  	_ = 	snop  }
0xfa: {  	[tilespmem:s21], [sflag:$0x2] =	stream.indirect.gather [hbm4b:s12+s18], $0x1, s20, s18, $0xb8;
	[tilespmem:$0x1C380] =	vst v63  }
0xfb: {  	_ = 	snop  }
0xfc: {  	[tilespmem:s23], [sflag:$0x2] =	stream.indirect.gather [hbm4b:s13+s18], $0x1, s22, s18, $0xb8;
	[tilespmem:$0x1C380] =	vst v63  }
0xfd: {  	_ =	swait.ge [sflag:s24], $0x80  }
0xfe: {  	[sflag:s24] =	ssyncset.done $0x0  }
0xff: {  	[sflag:s24] =	ssyncadd.s32 $0xFFFFFF80  }
0x100: {  	_ =	swait.ge [sflag:s24], $0x80  }
0x101: {  	[sflag:s24] =	ssyncset.done $0x0  }
0x102: {  	[sflag:s24] =	ssyncadd.s32 $0xFFFFFF80  }
0x103: {  	_ =	swait.ge [sflag:s24], $0x80  }
0x104: {  	[sflag:s24] =	ssyncset.done $0x0  }
0x105: {  	[sflag:s24] =	ssyncadd.s32 $0xFFFFFF80  }
0x106: {  	_ =	swait.ge [sflag:s24], $0x80  }
0x107: {  	[sflag:s24] =	ssyncset.done $0x0  }
0x108: {  	[sflag:s24] =	ssyncadd.s32 $0xFFFFFF80  }
0x109: {  	_ =	swait.ge [sflag:s24], $0x80  }
0x10a: {  	[sflag:s24] =	ssyncset.done $0x0  }
0x10b: {  	[sflag:s24] =	ssyncadd.s32 $0xFFFFFF80  }
0x10c: {  	_ =	swait.ge [sflag:s24], $0x80  }
0x10d: {  	[sflag:s24] =	ssyncset.done $0x0  }
0x10e: {  	[sflag:s24] =	ssyncadd.s32 $0xFFFFFF80  }
0x10f: {  	_ =	swait.ge [sflag:s24], $0x80  }
0x110: {  	[sflag:s24] =	ssyncset.done $0x0  }
0x111: {  	[sflag:s24] =	ssyncadd.s32 $0xFFFFFF80  }
0x112: {  	_ =	swait.ge [sflag:s24], $0x80  }
0x113: {  	[sflag:s24] =	ssyncset.done $0x0  }
0x114: {  	[sflag:s24] =	ssyncadd.s32 $0xFFFFFF80  }
0x115: {  	v2 =	vld [tilespmem:$0x5580]  }
0x116: {  	v3 =	vld [tilespmem:$0x5780];
	_ =	sdelay $0x1  }
0x117: {  	v4 =	vld [tilespmem:$0x5980];
	_ =	sdelay $0x2  }
0x118: {  	v2 =	vadd.f32 v3, v2;
	_ =	sdelay $0x1  }
0x119: {  	v2 =	vadd.f32 v2, v4;
	_ =	sdelay $0x1  }
0x11a: {  	v3 =	vmul.f32 $2.000000030e-01, v2;
	_ =	sdelay $0x1  }
0x11b: {  	v2 =	vmax.f32 v2, v3  }
0x11c: {  	v2 =	vmul.f32 $1.442695020e+00, v2;
	_ =	sdelay $0x1  }
0x11d: {  	(erf) = vpow2.f32 v2;
	_ =	sdelay $0x8  }
0x11e: {  	v2 =	vpop (erf)  }
0x11f: {  	[tilespmem:v0+s0+$0x0] =	vst.idx.msk $0xffff, v2;
	v2 =	vld [tilespmem:$0x1FFC0];
	_ =	sdelay $0x7  }
0x120: {  	[tilespmem:v2+s0+$0x0] =	vst.idx.msk $0xffff, v4  }
0x121: {  	v2 =	vld [tilespmem:$0x5600]  }
0x122: {  	v3 =	vld [tilespmem:$0x5800];
	_ =	sdelay $0x1  }
0x123: {  	v4 =	vld [tilespmem:$0x5A00];
	_ =	sdelay $0x2  }
0x124: {  	v2 =	vadd.f32 v3, v2;
	_ =	sdelay $0x1  }
0x125: {  	v2 =	vadd.f32 v2, v4;
	_ =	sdelay $0x1  }
0x126: {  	v3 =	vmul.f32 $2.000000030e-01, v2;
	_ =	sdelay $0x1  }
0x127: {  	v2 =	vmax.f32 v2, v3  }
0x128: {  	v2 =	vmul.f32 $1.442695020e+00, v2;
	_ =	sdelay $0x1  }
0x129: {  	(erf) = vpow2.f32 v2;
	_ =	sdelay $0x1  }
0x12a: {  	v3 =	vld [tilespmem:$0x1FFD0];
	_ =	sdelay $0x6  }
0x12b: {  	v2 =	vpop (erf)  }
0x12c: {  	[tilespmem:v3+s0+$0x0] =	vst.idx.msk $0xffff, v2;
	v2 =	vld [tilespmem:$0x1FFE0];
	_ =	sdelay $0x7  }
0x12d: {  	[tilespmem:v2+s0+$0x0] =	vst.idx.msk $0xffff, v4  }
0x12e: {  	v2 =	vld [tilespmem:$0x5680]  }
0x12f: {  	v3 =	vld [tilespmem:$0x5880];
	_ =	sdelay $0x1  }
0x130: {  	v4 =	vld [tilespmem:$0x5A80];
	_ =	sdelay $0x2  }
0x131: {  	v2 =	vadd.f32 v3, v2;
	_ =	sdelay $0x1  }
0x132: {  	v2 =	vadd.f32 v2, v4;
	_ =	sdelay $0x1  }
0x133: {  	v3 =	vmul.f32 $2.000000030e-01, v2;
	_ =	sdelay $0x1  }
0x134: {  	v2 =	vmax.f32 v2, v3  }
0x135: {  	v2 =	vmul.f32 $1.442695020e+00, v2;
	_ =	sdelay $0x1  }
0x136: {  	(erf) = vpow2.f32 v2;
	_ =	sdelay $0x1  }
0x137: {  	v3 =	vld [tilespmem:$0x1FFF0];
	_ =	sdelay $0x6  }
0x138: {  	v2 =	vpop (erf)  }
0x139: {  	[tilespmem:v3+s0+$0x0] =	vst.idx.msk $0xffff, v2  }
0x13a: {  	[tilespmem:v14+s0+$0x0] =	vst.idx.msk $0xffff, v4  }
0x13b: {  	v2 =	vld [tilespmem:$0x5700]  }
0x13c: {  	v3 =	vld [tilespmem:$0x5900];
	_ =	sdelay $0x1  }
0x13d: {  	v4 =	vld [tilespmem:$0x5B00];
	_ =	sdelay $0x2  }
0x13e: {  	v2 =	vadd.f32 v3, v2;
	_ =	sdelay $0x1  }
0x13f: {  	v2 =	vadd.f32 v2, v4;
	_ =	sdelay $0x1  }
0x140: {  	v3 =	vmul.f32 $2.000000030e-01, v2;
	_ =	sdelay $0x1  }
0x141: {  	v2 =	vmax.f32 v2, v3  }
0x142: {  	v2 =	vmul.f32 $1.442695020e+00, v2;
	_ =	sdelay $0x1  }
0x143: {  	(erf) = vpow2.f32 v2;
	_ =	sdelay $0x8  }
0x144: {  	v2 =	vpop (erf)  }
0x145: {  	[tilespmem:v15+s0+$0x0] =	vst.idx.msk $0xffff, v2  }
0x146: {  	[tilespmem:v16+s0+$0x0] =	vst.idx.msk $0xffff, v4  }
0x147: {  	v2 =	vld [tilespmem:$0x5590]  }
0x148: {  	v3 =	vld [tilespmem:$0x5790];
	_ =	sdelay $0x1  }
0x149: {  	v4 =	vld [tilespmem:$0x5990];
	_ =	sdelay $0x2  }
0x14a: {  	v2 =	vadd.f32 v3, v2;
	_ =	sdelay $0x1  }
0x14b: {  	v2 =	vadd.f32 v2, v4;
	_ =	sdelay $0x1  }
0x14c: {  	v3 =	vmul.f32 $2.000000030e-01, v2;
	_ =	sdelay $0x1  }
0x14d: {  	v2 =	vmax.f32 v2, v3  }
0x14e: {  	v2 =	vmul.f32 $1.442695020e+00, v2;
	_ =	sdelay $0x1  }
0x14f: {  	(erf) = vpow2.f32 v2;
	_ =	sdelay $0x8  }
0x150: {  	v2 =	vpop (erf)  }
0x151: {  	[tilespmem:v17+s0+$0x0] =	vst.idx.msk $0xffff, v2  }
0x152: {  	[tilespmem:v18+s0+$0x0] =	vst.idx.msk $0xffff, v4  }
0x153: {  	v2 =	vld [tilespmem:$0x5610]  }
0x154: {  	v3 =	vld [tilespmem:$0x5810];
	_ =	sdelay $0x1  }
0x155: {  	v4 =	vld [tilespmem:$0x5A10];
	_ =	sdelay $0x2  }
0x156: {  	v2 =	vadd.f32 v3, v2;
	_ =	sdelay $0x1  }
0x157: {  	v2 =	vadd.f32 v2, v4;
	_ =	sdelay $0x1  }
0x158: {  	v3 =	vmul.f32 $2.000000030e-01, v2;
	_ =	sdelay $0x1  }
0x159: {  	v2 =	vmax.f32 v2, v3  }
0x15a: {  	v2 =	vmul.f32 $1.442695020e+00, v2;
	_ =	sdelay $0x1  }
0x15b: {  	(erf) = vpow2.f32 v2;
	_ =	sdelay $0x8  }
0x15c: {  	v2 =	vpop (erf)  }
0x15d: {  	[tilespmem:v19+s0+$0x0] =	vst.idx.msk $0xffff, v2  }
0x15e: {  	[tilespmem:v20+s0+$0x0] =	vst.idx.msk $0xffff, v4  }
0x15f: {  	v2 =	vld [tilespmem:$0x5690]  }
0x160: {  	v3 =	vld [tilespmem:$0x5890];
	_ =	sdelay $0x1  }
0x161: {  	v4 =	vld [tilespmem:$0x5A90];
	_ =	sdelay $0x2  }
0x162: {  	v2 =	vadd.f32 v3, v2;
	_ =	sdelay $0x1  }
0x163: {  	v2 =	vadd.f32 v2, v4;
	_ =	sdelay $0x1  }
0x164: {  	v3 =	vmul.f32 $2.000000030e-01, v2;
	_ =	sdelay $0x1  }
0x165: {  	v2 =	vmax.f32 v2, v3  }
0x166: {  	v2 =	vmul.f32 $1.442695020e+00, v2;
	_ =	sdelay $0x1  }
0x167: {  	(erf) = vpow2.f32 v2;
	_ =	sdelay $0x8  }
0x168: {  	v2 =	vpop (erf)  }
0x169: {  	[tilespmem:v21+s0+$0x0] =	vst.idx.msk $0xffff, v2  }
0x16a: {  	[tilespmem:v22+s0+$0x0] =	vst.idx.msk $0xffff, v4  }
0x16b: {  	v2 =	vld [tilespmem:$0x5710]  }
0x16c: {  	v3 =	vld [tilespmem:$0x5910];
	_ =	sdelay $0x1  }
0x16d: {  	v4 =	vld [tilespmem:$0x5B10];
	_ =	sdelay $0x2  }
0x16e: {  	v2 =	vadd.f32 v3, v2;
	_ =	sdelay $0x1  }
0x16f: {  	v2 =	vadd.f32 v2, v4;
	_ =	sdelay $0x1  }
0x170: {  	v3 =	vmul.f32 $2.000000030e-01, v2;
	_ =	sdelay $0x1  }
0x171: {  	v2 =	vmax.f32 v2, v3  }
0x172: {  	v2 =	vmul.f32 $1.442695020e+00, v2;
	_ =	sdelay $0x1  }
0x173: {  	(erf) = vpow2.f32 v2;
	_ =	sdelay $0x8  }
0x174: {  	v2 =	vpop (erf)  }
0x175: {  	[tilespmem:v23+s0+$0x0] =	vst.idx.msk $0xffff, v2  }
0x176: {  	[tilespmem:v24+s0+$0x0] =	vst.idx.msk $0xffff, v4  }
0x177: {  	v2 =	vld [tilespmem:$0x55A0]  }
0x178: {  	v3 =	vld [tilespmem:$0x57A0];
	_ =	sdelay $0x1  }
0x179: {  	v4 =	vld [tilespmem:$0x59A0];
	_ =	sdelay $0x2  }
0x17a: {  	v2 =	vadd.f32 v3, v2;
	_ =	sdelay $0x1  }
0x17b: {  	v2 =	vadd.f32 v2, v4;
	_ =	sdelay $0x1  }
0x17c: {  	v3 =	vmul.f32 $2.000000030e-01, v2;
	_ =	sdelay $0x1  }
0x17d: {  	v2 =	vmax.f32 v2, v3  }
0x17e: {  	v2 =	vmul.f32 $1.442695020e+00, v2;
	_ =	sdelay $0x1  }
0x17f: {  	(erf) = vpow2.f32 v2;
	_ =	sdelay $0x8  }
0x180: {  	v2 =	vpop (erf)  }
0x181: {  	[tilespmem:v25+s0+$0x0] =	vst.idx.msk $0xffff, v2  }
0x182: {  	[tilespmem:v26+s0+$0x0] =	vst.idx.msk $0xffff, v4  }
0x183: {  	v2 =	vld [tilespmem:$0x5620]  }
0x184: {  	v3 =	vld [tilespmem:$0x5820];
	_ =	sdelay $0x1  }
0x185: {  	v4 =	vld [tilespmem:$0x5A20];
	_ =	sdelay $0x2  }
0x186: {  	v2 =	vadd.f32 v3, v2;
	_ =	sdelay $0x1  }
0x187: {  	v2 =	vadd.f32 v2, v4;
	_ =	sdelay $0x1  }
0x188: {  	v3 =	vmul.f32 $2.000000030e-01, v2;
	_ =	sdelay $0x1  }
0x189: {  	v2 =	vmax.f32 v2, v3  }
0x18a: {  	v2 =	vmul.f32 $1.442695020e+00, v2;
	_ =	sdelay $0x1  }
0x18b: {  	(erf) = vpow2.f32 v2;
	_ =	sdelay $0x8  }
0x18c: {  	v2 =	vpop (erf)  }
0x18d: {  	[tilespmem:v27+s0+$0x0] =	vst.idx.msk $0xffff, v2  }
0x18e: {  	[tilespmem:v28+s0+$0x0] =	vst.idx.msk $0xffff, v4  }
0x18f: {  	v2 =	vld [tilespmem:$0x56A0]  }
0x190: {  	v3 =	vld [tilespmem:$0x58A0];
	_ =	sdelay $0x1  }
0x191: {  	v4 =	vld [tilespmem:$0x5AA0];
	_ =	sdelay $0x2  }
0x192: {  	v2 =	vadd.f32 v3, v2;
	_ =	sdelay $0x1  }
0x193: {  	v2 =	vadd.f32 v2, v4;
	_ =	sdelay $0x1  }
0x194: {  	v3 =	vmul.f32 $2.000000030e-01, v2;
	_ =	sdelay $0x1  }
0x195: {  	v2 =	vmax.f32 v2, v3  }
0x196: {  	v2 =	vmul.f32 $1.442695020e+00, v2;
	_ =	sdelay $0x1  }
0x197: {  	(erf) = vpow2.f32 v2;
	_ =	sdelay $0x8  }
0x198: {  	v2 =	vpop (erf)  }
0x199: {  	[tilespmem:v29+s0+$0x0] =	vst.idx.msk $0xffff, v2  }
0x19a: {  	[tilespmem:v30+s0+$0x0] =	vst.idx.msk $0xffff, v4  }
0x19b: {  	v2 =	vld [tilespmem:$0x5720]  }
0x19c: {  	v3 =	vld [tilespmem:$0x5920];
	_ =	sdelay $0x1  }
0x19d: {  	v4 =	vld [tilespmem:$0x5B20];
	_ =	sdelay $0x2  }
0x19e: {  	v2 =	vadd.f32 v3, v2;
	_ =	sdelay $0x1  }
0x19f: {  	v2 =	vadd.f32 v2, v4;
	_ =	sdelay $0x1  }
0x1a0: {  	v3 =	vmul.f32 $2.000000030e-01, v2;
	_ =	sdelay $0x1  }
0x1a1: {  	v2 =	vmax.f32 v2, v3  }
0x1a2: {  	v2 =	vmul.f32 $1.442695020e+00, v2;
	_ =	sdelay $0x1  }
0x1a3: {  	(erf) = vpow2.f32 v2;
	_ =	sdelay $0x8  }
0x1a4: {  	v2 =	vpop (erf)  }
0x1a5: {  	[tilespmem:v31+s0+$0x0] =	vst.idx.msk $0xffff, v2  }
0x1a6: {  	[tilespmem:v32+s0+$0x0] =	vst.idx.msk $0xffff, v4  }
0x1a7: {  	v2 =	vld [tilespmem:$0x55B0]  }
0x1a8: {  	v3 =	vld [tilespmem:$0x57B0];
	_ =	sdelay $0x1  }
0x1a9: {  	v4 =	vld [tilespmem:$0x59B0];
	_ =	sdelay $0x2  }
0x1aa: {  	v2 =	vadd.f32 v3, v2;
	_ =	sdelay $0x1  }
0x1ab: {  	v2 =	vadd.f32 v2, v4;
	_ =	sdelay $0x1  }
0x1ac: {  	v3 =	vmul.f32 $2.000000030e-01, v2;
	_ =	sdelay $0x1  }
0x1ad: {  	v2 =	vmax.f32 v2, v3  }
0x1ae: {  	v2 =	vmul.f32 $1.442695020e+00, v2;
	_ =	sdelay $0x1  }
0x1af: {  	(erf) = vpow2.f32 v2;
	_ =	sdelay $0x8  }
0x1b0: {  	v2 =	vpop (erf)  }
0x1b1: {  	[tilespmem:v33+s0+$0x0] =	vst.idx.msk $0xffff, v2  }
0x1b2: {  	[tilespmem:v34+s0+$0x0] =	vst.idx.msk $0xffff, v4  }
0x1b3: {  	v2 =	vld [tilespmem:$0x5630]  }
0x1b4: {  	v3 =	vld [tilespmem:$0x5830];
	_ =	sdelay $0x1  }
0x1b5: {  	v4 =	vld [tilespmem:$0x5A30];
	_ =	sdelay $0x2  }
0x1b6: {  	v2 =	vadd.f32 v3, v2;
	_ =	sdelay $0x1  }
0x1b7: {  	v2 =	vadd.f32 v2, v4;
	_ =	sdelay $0x1  }
0x1b8: {  	v3 =	vmul.f32 $2.000000030e-01, v2;
	_ =	sdelay $0x1  }
0x1b9: {  	v2 =	vmax.f32 v2, v3  }
0x1ba: {  	v2 =	vmul.f32 $1.442695020e+00, v2;
	_ =	sdelay $0x1  }
0x1bb: {  	(erf) = vpow2.f32 v2;
	_ =	sdelay $0x8  }
0x1bc: {  	v2 =	vpop (erf)  }
0x1bd: {  	[tilespmem:v35+s0+$0x0] =	vst.idx.msk $0xffff, v2  }
0x1be: {  	[tilespmem:v36+s0+$0x0] =	vst.idx.msk $0xffff, v4  }
0x1bf: {  	v2 =	vld [tilespmem:$0x56B0]  }
0x1c0: {  	v3 =	vld [tilespmem:$0x58B0];
	_ =	sdelay $0x1  }
0x1c1: {  	v4 =	vld [tilespmem:$0x5AB0];
	_ =	sdelay $0x2  }
0x1c2: {  	v2 =	vadd.f32 v3, v2;
	_ =	sdelay $0x1  }
0x1c3: {  	v2 =	vadd.f32 v2, v4;
	_ =	sdelay $0x1  }
0x1c4: {  	v3 =	vmul.f32 $2.000000030e-01, v2;
	_ =	sdelay $0x1  }
0x1c5: {  	v2 =	vmax.f32 v2, v3  }
0x1c6: {  	v2 =	vmul.f32 $1.442695020e+00, v2;
	_ =	sdelay $0x1  }
0x1c7: {  	(erf) = vpow2.f32 v2;
	_ =	sdelay $0x8  }
0x1c8: {  	v2 =	vpop (erf)  }
0x1c9: {  	[tilespmem:v37+s0+$0x0] =	vst.idx.msk $0xffff, v2  }
0x1ca: {  	[tilespmem:v38+s0+$0x0] =	vst.idx.msk $0xffff, v4  }
0x1cb: {  	v2 =	vld [tilespmem:$0x5730]  }
0x1cc: {  	v3 =	vld [tilespmem:$0x5930];
	_ =	sdelay $0x1  }
0x1cd: {  	v4 =	vld [tilespmem:$0x5B30];
	_ =	sdelay $0x2  }
0x1ce: {  	v2 =	vadd.f32 v3, v2;
	_ =	sdelay $0x1  }
0x1cf: {  	v2 =	vadd.f32 v2, v4;
	_ =	sdelay $0x1  }
0x1d0: {  	v3 =	vmul.f32 $2.000000030e-01, v2;
	_ =	sdelay $0x1  }
0x1d1: {  	v2 =	vmax.f32 v2, v3  }
0x1d2: {  	v2 =	vmul.f32 $1.442695020e+00, v2;
	_ =	sdelay $0x1  }
0x1d3: {  	(erf) = vpow2.f32 v2;
	_ =	sdelay $0x8  }
0x1d4: {  	v2 =	vpop (erf)  }
0x1d5: {  	[tilespmem:v39+s0+$0x0] =	vst.idx.msk $0xffff, v2  }
0x1d6: {  	[tilespmem:v40+s0+$0x0] =	vst.idx.msk $0xffff, v4  }
0x1d7: {  	v2 =	vld [tilespmem:$0x55C0]  }
0x1d8: {  	v3 =	vld [tilespmem:$0x57C0];
	_ =	sdelay $0x1  }
0x1d9: {  	v4 =	vld [tilespmem:$0x59C0];
	_ =	sdelay $0x2  }
0x1da: {  	v2 =	vadd.f32 v3, v2;
	_ =	sdelay $0x1  }
0x1db: {  	v2 =	vadd.f32 v2, v4;
	_ =	sdelay $0x1  }
0x1dc: {  	v3 =	vmul.f32 $2.000000030e-01, v2;
	_ =	sdelay $0x1  }
0x1dd: {  	v2 =	vmax.f32 v2, v3  }
0x1de: {  	v2 =	vmul.f32 $1.442695020e+00, v2;
	_ =	sdelay $0x1  }
0x1df: {  	(erf) = vpow2.f32 v2;
	_ =	sdelay $0x8  }
0x1e0: {  	v2 =	vpop (erf)  }
0x1e1: {  	[tilespmem:v41+s0+$0x0] =	vst.idx.msk $0xffff, v2  }
0x1e2: {  	[tilespmem:v42+s0+$0x0] =	vst.idx.msk $0xffff, v4  }
0x1e3: {  	v2 =	vld [tilespmem:$0x5640]  }
0x1e4: {  	v3 =	vld [tilespmem:$0x5840];
	_ =	sdelay $0x1  }
0x1e5: {  	v4 =	vld [tilespmem:$0x5A40];
	_ =	sdelay $0x2  }
0x1e6: {  	v2 =	vadd.f32 v3, v2;
	_ =	sdelay $0x1  }
0x1e7: {  	v2 =	vadd.f32 v2, v4;
	_ =	sdelay $0x1  }
0x1e8: {  	v3 =	vmul.f32 $2.000000030e-01, v2;
	_ =	sdelay $0x1  }
0x1e9: {  	v2 =	vmax.f32 v2, v3  }
0x1ea: {  	v2 =	vmul.f32 $1.442695020e+00, v2;
	_ =	sdelay $0x1  }
0x1eb: {  	(erf) = vpow2.f32 v2;
	_ =	sdelay $0x8  }
0x1ec: {  	v2 =	vpop (erf)  }
0x1ed: {  	[tilespmem:v43+s0+$0x0] =	vst.idx.msk $0xffff, v2  }
0x1ee: {  	[tilespmem:v44+s0+$0x0] =	vst.idx.msk $0xffff, v4  }
0x1ef: {  	v2 =	vld [tilespmem:$0x56C0]  }
0x1f0: {  	v3 =	vld [tilespmem:$0x58C0];
	_ =	sdelay $0x1  }
0x1f1: {  	v4 =	vld [tilespmem:$0x5AC0];
	_ =	sdelay $0x2  }
0x1f2: {  	v2 =	vadd.f32 v3, v2;
	_ =	sdelay $0x1  }
0x1f3: {  	v2 =	vadd.f32 v2, v4;
	_ =	sdelay $0x1  }
0x1f4: {  	v3 =	vmul.f32 $2.000000030e-01, v2;
	_ =	sdelay $0x1  }
0x1f5: {  	v2 =	vmax.f32 v2, v3  }
0x1f6: {  	v2 =	vmul.f32 $1.442695020e+00, v2;
	_ =	sdelay $0x1  }
0x1f7: {  	(erf) = vpow2.f32 v2;
	_ =	sdelay $0x8  }
0x1f8: {  	v2 =	vpop (erf)  }
0x1f9: {  	[tilespmem:v45+s0+$0x0] =	vst.idx.msk $0xffff, v2  }
0x1fa: {  	[tilespmem:v46+s0+$0x0] =	vst.idx.msk $0xffff, v4  }
0x1fb: {  	v2 =	vld [tilespmem:$0x5740]  }
0x1fc: {  	v3 =	vld [tilespmem:$0x5940];
	_ =	sdelay $0x1  }
0x1fd: {  	v4 =	vld [tilespmem:$0x5B40];
	_ =	sdelay $0x2  }
0x1fe: {  	v2 =	vadd.f32 v3, v2;
	_ =	sdelay $0x1  }
0x1ff: {  	v2 =	vadd.f32 v2, v4;
	_ =	sdelay $0x1  }
0x200: {  	v3 =	vmul.f32 $2.000000030e-01, v2;
	_ =	sdelay $0x1  }
0x201: {  	v2 =	vmax.f32 v2, v3  }
0x202: {  	v2 =	vmul.f32 $1.442695020e+00, v2;
	_ =	sdelay $0x1  }
0x203: {  	(erf) = vpow2.f32 v2;
	_ =	sdelay $0x8  }
0x204: {  	v2 =	vpop (erf)  }
0x205: {  	[tilespmem:v47+s0+$0x0] =	vst.idx.msk $0xffff, v2  }
0x206: {  	[tilespmem:v48+s0+$0x0] =	vst.idx.msk $0xffff, v4  }
0x207: {  	v2 =	vld [tilespmem:$0x55D0]  }
0x208: {  	v3 =	vld [tilespmem:$0x57D0];
	_ =	sdelay $0x1  }
0x209: {  	v4 =	vld [tilespmem:$0x59D0];
	_ =	sdelay $0x2  }
0x20a: {  	v2 =	vadd.f32 v3, v2;
	_ =	sdelay $0x1  }
0x20b: {  	v2 =	vadd.f32 v2, v4;
	_ =	sdelay $0x1  }
0x20c: {  	v3 =	vmul.f32 $2.000000030e-01, v2;
	_ =	sdelay $0x1  }
0x20d: {  	v2 =	vmax.f32 v2, v3  }
0x20e: {  	v2 =	vmul.f32 $1.442695020e+00, v2;
	_ =	sdelay $0x1  }
0x20f: {  	(erf) = vpow2.f32 v2;
	_ =	sdelay $0x8  }
0x210: {  	v2 =	vpop (erf)  }
0x211: {  	[tilespmem:v49+s0+$0x0] =	vst.idx.msk $0xffff, v2  }
0x212: {  	[tilespmem:v50+s0+$0x0] =	vst.idx.msk $0xffff, v4  }
0x213: {  	v2 =	vld [tilespmem:$0x5650]  }
0x214: {  	v3 =	vld [tilespmem:$0x5850];
	_ =	sdelay $0x1  }
0x215: {  	v4 =	vld [tilespmem:$0x5A50];
	_ =	sdelay $0x2  }
0x216: {  	v2 =	vadd.f32 v3, v2;
	_ =	sdelay $0x1  }
0x217: {  	v2 =	vadd.f32 v2, v4;
	_ =	sdelay $0x1  }
0x218: {  	v3 =	vmul.f32 $2.000000030e-01, v2;
	_ =	sdelay $0x1  }
0x219: {  	v2 =	vmax.f32 v2, v3  }
0x21a: {  	v2 =	vmul.f32 $1.442695020e+00, v2;
	_ =	sdelay $0x1  }
0x21b: {  	(erf) = vpow2.f32 v2;
	_ =	sdelay $0x8  }
0x21c: {  	v2 =	vpop (erf)  }
0x21d: {  	[tilespmem:v51+s0+$0x0] =	vst.idx.msk $0xffff, v2  }
0x21e: {  	[tilespmem:v52+s0+$0x0] =	vst.idx.msk $0xffff, v4  }
0x21f: {  	v2 =	vld [tilespmem:$0x56D0]  }
0x220: {  	v3 =	vld [tilespmem:$0x58D0];
	_ =	sdelay $0x1  }
0x221: {  	v4 =	vld [tilespmem:$0x5AD0];
	_ =	sdelay $0x2  }
0x222: {  	v2 =	vadd.f32 v3, v2;
	_ =	sdelay $0x1  }
0x223: {  	v2 =	vadd.f32 v2, v4;
	_ =	sdelay $0x1  }
0x224: {  	v3 =	vmul.f32 $2.000000030e-01, v2;
	_ =	sdelay $0x1  }
0x225: {  	v2 =	vmax.f32 v2, v3  }
0x226: {  	v2 =	vmul.f32 $1.442695020e+00, v2;
	_ =	sdelay $0x1  }
0x227: {  	(erf) = vpow2.f32 v2;
	_ =	sdelay $0x8  }
0x228: {  	v2 =	vpop (erf)  }
0x229: {  	[tilespmem:v53+s0+$0x0] =	vst.idx.msk $0xffff, v2  }
0x22a: {  	[tilespmem:v54+s0+$0x0] =	vst.idx.msk $0xffff, v4  }
0x22b: {  	v2 =	vld [tilespmem:$0x5750]  }
0x22c: {  	v3 =	vld [tilespmem:$0x5950];
	_ =	sdelay $0x1  }
0x22d: {  	v4 =	vld [tilespmem:$0x5B50];
	_ =	sdelay $0x2  }
0x22e: {  	v2 =	vadd.f32 v3, v2;
	_ =	sdelay $0x1  }
0x22f: {  	v2 =	vadd.f32 v2, v4;
	_ =	sdelay $0x1  }
0x230: {  	v3 =	vmul.f32 $2.000000030e-01, v2;
	_ =	sdelay $0x1  }
0x231: {  	v2 =	vmax.f32 v2, v3  }
0x232: {  	v2 =	vmul.f32 $1.442695020e+00, v2;
	_ =	sdelay $0x1  }
0x233: {  	(erf) = vpow2.f32 v2;
	_ =	sdelay $0x8  }
0x234: {  	v2 =	vpop (erf)  }
0x235: {  	[tilespmem:v55+s0+$0x0] =	vst.idx.msk $0xffff, v2  }
0x236: {  	[tilespmem:v56+s0+$0x0] =	vst.idx.msk $0xffff, v4  }
0x237: {  	v2 =	vld [tilespmem:$0x55E0]  }
0x238: {  	v3 =	vld [tilespmem:$0x57E0];
	_ =	sdelay $0x1  }
0x239: {  	v4 =	vld [tilespmem:$0x59E0];
	_ =	sdelay $0x2  }
0x23a: {  	v2 =	vadd.f32 v3, v2;
	_ =	sdelay $0x1  }
0x23b: {  	v2 =	vadd.f32 v2, v4;
	_ =	sdelay $0x1  }
0x23c: {  	v3 =	vmul.f32 $2.000000030e-01, v2;
	_ =	sdelay $0x1  }
0x23d: {  	v2 =	vmax.f32 v2, v3  }
0x23e: {  	v2 =	vmul.f32 $1.442695020e+00, v2;
	_ =	sdelay $0x1  }
0x23f: {  	(erf) = vpow2.f32 v2;
	_ =	sdelay $0x8  }
0x240: {  	v2 =	vpop (erf)  }
0x241: {  	[tilespmem:v57+s0+$0x0] =	vst.idx.msk $0xffff, v2  }
0x242: {  	[tilespmem:v58+s0+$0x0] =	vst.idx.msk $0xffff, v4  }
0x243: {  	v2 =	vld [tilespmem:$0x5660]  }
0x244: {  	v3 =	vld [tilespmem:$0x5860];
	_ =	sdelay $0x1  }
0x245: {  	v4 =	vld [tilespmem:$0x5A60];
	_ =	sdelay $0x2  }
0x246: {  	v2 =	vadd.f32 v3, v2;
	_ =	sdelay $0x1  }
0x247: {  	v2 =	vadd.f32 v2, v4;
	_ =	sdelay $0x1  }
0x248: {  	v3 =	vmul.f32 $2.000000030e-01, v2;
	_ =	sdelay $0x1  }
0x249: {  	v2 =	vmax.f32 v2, v3  }
0x24a: {  	v2 =	vmul.f32 $1.442695020e+00, v2;
	_ =	sdelay $0x1  }
0x24b: {  	(erf) = vpow2.f32 v2;
	_ =	sdelay $0x8  }
0x24c: {  	v2 =	vpop (erf)  }
0x24d: {  	[tilespmem:v59+s0+$0x0] =	vst.idx.msk $0xffff, v2  }
0x24e: {  	[tilespmem:v60+s0+$0x0] =	vst.idx.msk $0xffff, v4  }
0x24f: {  	v2 =	vld [tilespmem:$0x56E0]  }
0x250: {  	v3 =	vld [tilespmem:$0x58E0];
	_ =	sdelay $0x1  }
0x251: {  	v4 =	vld [tilespmem:$0x5AE0];
	_ =	sdelay $0x2  }
0x252: {  	v2 =	vadd.f32 v3, v2;
	_ =	sdelay $0x1  }
0x253: {  	v2 =	vadd.f32 v2, v4;
	_ =	sdelay $0x1  }
0x254: {  	v3 =	vmul.f32 $2.000000030e-01, v2;
	_ =	sdelay $0x1  }
0x255: {  	v2 =	vmax.f32 v2, v3  }
0x256: {  	v2 =	vmul.f32 $1.442695020e+00, v2;
	_ =	sdelay $0x1  }
0x257: {  	(erf) = vpow2.f32 v2;
	_ =	sdelay $0x8  }
0x258: {  	v2 =	vpop (erf)  }
0x259: {  	[tilespmem:v61+s0+$0x0] =	vst.idx.msk $0xffff, v2  }
0x25a: {  	[tilespmem:v62+s0+$0x0] =	vst.idx.msk $0xffff, v4  }
0x25b: {  	v2 =	vld [tilespmem:$0x5760]  }
0x25c: {  	v3 =	vld [tilespmem:$0x5960];
	_ =	sdelay $0x1  }
0x25d: {  	v4 =	vld [tilespmem:$0x5B60];
	_ =	sdelay $0x2  }
0x25e: {  	v2 =	vadd.f32 v3, v2;
	_ =	sdelay $0x1  }
0x25f: {  	v2 =	vadd.f32 v2, v4;
	_ =	sdelay $0x1  }
0x260: {  	v3 =	vmul.f32 $2.000000030e-01, v2;
	_ =	sdelay $0x1  }
0x261: {  	v2 =	vmax.f32 v2, v3  }
0x262: {  	v2 =	vmul.f32 $1.442695020e+00, v2;
	_ =	sdelay $0x1  }
0x263: {  	(erf) = vpow2.f32 v2;
	_ =	sdelay $0x5  }
0x264: {  	v2 =	vor.u32 $0x607, v0;
	_ =	sdelay $0x2  }
0x265: {  	v3 =	vpop (erf)  }
0x266: {  	[tilespmem:v63+s0+$0x0] =	vst.idx.msk $0xffff, v3  }
0x267: {  	[tilespmem:v2+s0+$0x0] =	vst.idx.msk $0xffff, v4  }
0x268: {  	v2 =	vld [tilespmem:$0x55F0]  }
0x269: {  	v3 =	vld [tilespmem:$0x57F0];
	_ =	sdelay $0x1  }
0x26a: {  	v4 =	vld [tilespmem:$0x59F0];
	_ =	sdelay $0x2  }
0x26b: {  	v2 =	vadd.f32 v3, v2;
	_ =	sdelay $0x1  }
0x26c: {  	v2 =	vadd.f32 v2, v4;
	_ =	sdelay $0x1  }
0x26d: {  	v3 =	vmul.f32 $2.000000030e-01, v2;
	_ =	sdelay $0x1  }
0x26e: {  	v2 =	vmax.f32 v2, v3  }
0x26f: {  	v2 =	vmul.f32 $1.442695020e+00, v2;
	_ =	sdelay $0x1  }
0x270: {  	(erf) = vpow2.f32 v2;
	_ =	sdelay $0x4  }
0x271: {  	v2 =	vor.u32 $0x700, v0  }
0x272: {  	v3 =	vor.u32 $0x704, v0;
	_ =	sdelay $0x2  }
0x273: {  	v5 =	vpop (erf)  }
0x274: {  	[tilespmem:v2+s0+$0x0] =	vst.idx.msk $0xffff, v5  }
0x275: {  	[tilespmem:v3+s0+$0x0] =	vst.idx.msk $0xffff, v4  }
0x276: {  	v2 =	vld [tilespmem:$0x5670]  }
0x277: {  	v3 =	vld [tilespmem:$0x5870];
	_ =	sdelay $0x1  }
0x278: {  	v4 =	vld [tilespmem:$0x5A70];
	_ =	sdelay $0x2  }
0x279: {  	v2 =	vadd.f32 v3, v2;
	_ =	sdelay $0x1  }
0x27a: {  	v2 =	vadd.f32 v2, v4;
	_ =	sdelay $0x1  }
0x27b: {  	v3 =	vmul.f32 $2.000000030e-01, v2;
	_ =	sdelay $0x1  }
0x27c: {  	v2 =	vmax.f32 v2, v3  }
0x27d: {  	v2 =	vmul.f32 $1.442695020e+00, v2;
	_ =	sdelay $0x1  }
0x27e: {  	(erf) = vpow2.f32 v2;
	_ =	sdelay $0x4  }
0x27f: {  	v2 =	vor.u32 $0x701, v0  }
0x280: {  	v3 =	vor.u32 $0x705, v0;
	_ =	sdelay $0x2  }
0x281: {  	v5 =	vpop (erf)  }
0x282: {  	[tilespmem:v2+s0+$0x0] =	vst.idx.msk $0xffff, v5  }
0x283: {  	[tilespmem:v3+s0+$0x0] =	vst.idx.msk $0xffff, v4  }
0x284: {  	v2 =	vld [tilespmem:$0x56F0]  }
0x285: {  	v3 =	vld [tilespmem:$0x58F0];
	_ =	sdelay $0x1  }
0x286: {  	v4 =	vld [tilespmem:$0x5AF0];
	_ =	sdelay $0x2  }
0x287: {  	v2 =	vadd.f32 v3, v2;
	_ =	sdelay $0x1  }
0x288: {  	v2 =	vadd.f32 v2, v4;
	_ =	sdelay $0x1  }
0x289: {  	v3 =	vmul.f32 $2.000000030e-01, v2;
	_ =	sdelay $0x1  }
0x28a: {  	v2 =	vmax.f32 v2, v3  }
0x28b: {  	v2 =	vmul.f32 $1.442695020e+00, v2;
	_ =	sdelay $0x1  }
0x28c: {  	(erf) = vpow2.f32 v2;
	_ =	sdelay $0x4  }
0x28d: {  	v2 =	vor.u32 $0x702, v0  }
0x28e: {  	v3 =	vor.u32 $0x706, v0;
	_ =	sdelay $0x2  }
0x28f: {  	v5 =	vpop (erf)  }
0x290: {  	[tilespmem:v2+s0+$0x0] =	vst.idx.msk $0xffff, v5  }
0x291: {  	[tilespmem:v3+s0+$0x0] =	vst.idx.msk $0xffff, v4  }
0x292: {  	v2 =	vld [tilespmem:$0x5770]  }
0x293: {  	v3 =	vld [tilespmem:$0x5970];
	_ =	sdelay $0x1  }
0x294: {  	v4 =	vld [tilespmem:$0x5B70];
	_ =	sdelay $0x2  }
0x295: {  	v2 =	vadd.f32 v3, v2;
	_ =	sdelay $0x1  }
0x296: {  	v2 =	vadd.f32 v2, v4;
	_ =	sdelay $0x1  }
0x297: {  	v3 =	vmul.f32 $2.000000030e-01, v2;
	_ =	sdelay $0x1  }
0x298: {  	v2 =	vmax.f32 v2, v3  }
0x299: {  	v2 =	vmul.f32 $1.442695020e+00, v2;
	_ =	sdelay $0x1  }
0x29a: {  	(erf) = vpow2.f32 v2;
	_ =	sdelay $0x4  }
0x29b: {  	v2 =	vor.u32 $0x703, v0  }
0x29c: {  	v3 =	vor.u32 $0x707, v0;
	_ =	sdelay $0x2  }
0x29d: {  	v5 =	vpop (erf)  }
0x29e: {  	[tilespmem:v2+s0+$0x0] =	vst.idx.msk $0xffff, v5  }
0x29f: {  	[tilespmem:v3+s0+$0x0] =	vst.idx.msk $0xffff, v4  }
0x2a0: {  	_ =	swait.ge [sflag:s25], $0x4000  }
0x2a1: {  	[sflag:s25] =	ssyncset.done $0x0  }
0x2a2: {  	s16 =	simm.s32 $0x0;
	[sflag:s25] =	ssyncadd.s32 $0xFFFFC000  }
0x2a3: {  	v2 =	vld [tilespmem:s16+$0x180];
	_ =	sdelay $0x4  }
0x2a4: {  	s15 =	simm.s32 $0x11C0;
	[tilespmem:s16+$0x980] =	vst v2  }
0x2a5: {  	v11 =	vld [tilespmem:s15+$0x30]  }
0x2a6: {  	v10 =	vld [tilespmem:s15+$0xFFFFFFE0]  }
0x2a7: {  	v8 =	vld [tilespmem:s15+$0x10]  }
0x2a8: {  	v4 =	vbroadcast v2, $0x3;
	v5 =	vld [tilespmem:s15+$0x20]  }
0x2a9: {  	v3 =	vbroadcast v2, $0x1;
	v7 =	vld [tilespmem:s15+$0x0]  }
0x2aa: {  	s5 =	simm.s32 $0x11C0;
	s16 =	simm.s32 $0x40;
	v9 =	vbroadcast v2, $0x2;
	v6 =	vld [tilespmem:s15+$0xFFFFFFD0];
	v11 =	vmul.f32 v11, v4  }
.LBB2_6:
0x2ab: {  	p0 =	sne.s32 s16, $0x1FC0  }
0x2ac: {  	v10 =	vmul.f32 v10, v3;
	v12 =	vld [tilespmem:s15+$0xFFFFFFF0];
	s5 =	sadd.s32 $0x80, s5;
	s1 =	smov.u32 s16;
	s16 =	sadd.s32 $0x40, s16  }
0x2ad: {  	v13 =	vld [tilespmem:s15+$0xFFFFFFC0];
	v8 =	vmul.f32 v8, v9;
	[tilespmem:s15+$0x30] =	vst v11  }
0x2ae: {  	v2 =	vbroadcast v2, $0x0;
	[tilespmem:s15+$0xFFFFFFE0] =	vst v10;
	v4 =	vmul.f32 v5, v4  }
0x2af: {  	v5 =	vmul.f32 v7, v9;
	[tilespmem:s15+$0x10] =	vst v8  }
0x2b0: {  	v6 =	vmul.f32 v6, v2;
	[tilespmem:s15+$0x20] =	vst v4  }
0x2b1: {  	v3 =	vmul.f32 v12, v3;
	[tilespmem:s15+$0x0] =	vst v5  }
0x2b2: {  	v2 =	vmul.f32 v13, v2;
	[tilespmem:s15+$0xFFFFFFD0] =	vst v6  }
0x2b3: {  	s1 =	sshra.s32 s1, $0x2;
	[tilespmem:s15+$0xFFFFFFF0] =	vst v3  }
0x2b4: {  	[tilespmem:s15+$0xFFFFFFC0] =	vst v2;
	s15 =	smov.u32 s5  }
0x2b5: {  	v2 =	vld [tilespmem:s1+$0x180];
	_ =	sdelay $0x4  }
0x2b6: {  	[tilespmem:s1+$0x980] =	vst v2  }
0x2b7: {  	v11 =	vld [tilespmem:s5+$0x30]  }
.Ltmp6:
0x2b8: {  	v10 =	vld [tilespmem:s5+$0xFFFFFFE0];
	(pc) =	sbr.rel @p0 .LBB2_6-.Ltmp6, $4  }
0x2b9: {  	v4 =	vbroadcast v2, $0x3;
	v8 =	vld [tilespmem:s5+$0x10]  }
0x2ba: {  	v3 =	vbroadcast v2, $0x1;
	v5 =	vld [tilespmem:s5+$0x20]  }
0x2bb: {  	v7 =	vld [tilespmem:s5+$0x0]  }
0x2bc: {  	v9 =	vbroadcast v2, $0x2;
	v6 =	vld [tilespmem:s5+$0xFFFFFFD0];
	v11 =	vmul.f32 v11, v4  }
0x2bd: {  	v10 =	vmul.f32 v10, v3;
	v12 =	vld [tilespmem:s15+$0xFFFFFFF0]  }
0x2be: {  	v13 =	vld [tilespmem:s15+$0xFFFFFFC0];
	v8 =	vmul.f32 v8, v9;
	[tilespmem:s15+$0x30] =	vst v11  }
0x2bf: {  	v2 =	vbroadcast v2, $0x0;
	[tilespmem:s15+$0xFFFFFFE0] =	vst v10;
	v4 =	vmul.f32 v5, v4  }
0x2c0: {  	v11 =	vmul.f32 v7, v9;
	[tilespmem:s15+$0x10] =	vst v8  }
0x2c1: {  	v6 =	vmul.f32 v6, v2;
	[tilespmem:s15+$0x20] =	vst v4  }
0x2c2: {  	v3 =	vmul.f32 v12, v3;
	[tilespmem:s15+$0x0] =	vst v11  }
0x2c3: {  	v2 =	vmul.f32 v13, v2;
	[tilespmem:s15+$0xFFFFFFD0] =	vst v6  }
0x2c4: {  	[tilespmem:s15+$0xFFFFFFF0] =	vst v3  }
0x2c5: {  	s1 =	rddreg [dreg:$0x2];
	[tilespmem:s15+$0xFFFFFFC0] =	vst v2  }
0x2c6: {  	[spmem:s1] =	stream.indirect.scatter.add.f32 [tilespmem:s29], [sflag:$0x4], $0x80, s26, s18, $0xb8;
	[tilespmem:$0x1C380] =	vst v63  }
0x2c7: {  	_ =	swait.ge [sflag:s17], $0x4000  }
0x2c8: {  	[sflag:s17] =	ssyncset.done $0x0  }
0x2c9: {  	[sflag:s17] =	ssyncadd.s32 $0xFFFFC000  }
.Ltmp7:
0x2ca: {  	s16 =	rddreg [dreg:$0x3];
	(pc) =	sbr.rel .LBB2_8-.Ltmp7, $4  }
0x2cb: {  	[spmem:s16] =	stream.indirect.scatter.add.f32 [tilespmem:s31], [sflag:$0x3], $0x10, s26, s18, $0xb8;
	[tilespmem:$0x1C380] =	vst v63  }
0x2cc: {  	_ =	swait.ge [sflag:s30], $0x800  }
0x2cd: {  	[sflag:s30] =	ssyncset.done $0x0  }
0x2ce: {  	[sflag:s30] =	ssyncadd.s32 $0xFFFFF800  }
.LBB2_10:
0x2cf: {  	_ =	sfence.sel $0x180000  }
0x2d0: {  	[bflag:$0x0] =	sbarrier.arrive $0xFFFF  }
0x2d1: {  	_ =	strace $0x90000047  }
0x2d2: {  	[bflag:$0x2] =	sbarrier.arrive $0xFFFF  }
0x2d3: {  	p0 =	sne.s32 s4, $0x0;
	s0 =	rddreg [dreg:$0x4]  }
0x2d4: {  	s0 =	sadd.s32 @!p0 $0x100000, s0  }
0x2d5: {  	[sflag:s0] =	ssyncadd.tile.s32 @!p0 $0x1;
	_ =	shalt  }
.Lfunc_end2:
_tile_overlayer_lowered:
.L_overlay_start_2:
0x2d6: {  	(tag) =	ssettag $0x2  }
0x2d7: {  	s0 =	rddreg [dreg:$0x0];
	s2 =	stileid.u32  }
0x2d8: {  	s1 =	rddreg [dreg:$0x1];
	p0 =	sne.s32 s2, $0x0  }
0x2d9: {  	s3 =	rddreg [dreg:$0x2];
	[bflag:$0x3] =	sbarrier.arrive $0xFFFF;
	s2 =	simm.s32 @!p0 $0x1C03  }
0x2da: {  	[timem:s3], [sflag:s2] =	dma.local @!p0 [hbm:s0], s1  }
0x2db: {  	s0 =	simm.s32 @!p0 $0x3  }
0x2dc: {  	_ =	swait.ge @!p0 [sflag:s0], s1  }
0x2dd: {  	s1 =	ssub.s32 @!p0 $0x0, s1;
	[sflag:s0] =	ssyncset.done @!p0 $0x0  }
0x2de: {  	[sflag:s0] =	ssyncadd.s32 @!p0 s1  }
0x2df: {  	[bflag:$0x3] =	sbarrier.arrive $0xFFFF  }
0x2e0: {  	_ =	shalt  }

</sc_bundles>
